<compile_context>
chip_gen: v7x
topology: tpu7x:2x2x1
jax: 0.10.2.dev20260603
libtpu: 0.0.44.dev20260713+nightly
codegen_flags: <defaults>
</compile_context>

<pallas_src>
import jax
import jax.numpy as jnp
from jax import lax
from jax.experimental import pallas as pl
from jax.experimental.pallas import tpu as pltpu
from jax.experimental.pallas import tpu_sc as plsc

T = 8192
H = 2048
I = 2048
E = 8
ALPHA = 1.702
BETA = 1.0
LIMIT = 7.0

BT = 512
NTB = T // BT
BM = 256
S_MAX = 2 * T + E * BM
NBLK = S_MAX // BM
EPAD = 128
NC, NS = 2, 16
NW = NC * NS
TPW = T // NW
CH = 16
NCH = TPW // CH



def _router_body(x_ref, gw_ref, gb_ref, e1_ref, e2_ref, r1_ref, r2_ref,
                 w1b_ref, w2b_ref, sb_ref, bex_ref, carry):
    i = pl.program_id(0)

    @pl.when(i == 0)
    def _():
        carry[...] = jnp.zeros((1, EPAD), jnp.float32)

    x = x_ref[...]
    logits = lax.dot_general(x, gw_ref[...], (((1,), (1,)), ((), ())),
                             preferred_element_type=jnp.float32)
    logits = logits + gb_ref[...]
    lane = lax.broadcasted_iota(jnp.int32, (BT, EPAD), 1)
    m1 = jnp.max(logits, axis=1, keepdims=True)
    i1 = jnp.min(jnp.where(logits == m1, lane, EPAD), axis=1, keepdims=True)
    sel1 = lane == i1
    masked = jnp.where(sel1, -3e38, logits)
    m2 = jnp.max(masked, axis=1, keepdims=True)
    i2 = jnp.min(jnp.where(masked == m2, lane, EPAD), axis=1, keepdims=True)
    sel2 = lane == i2
    w1 = jax.nn.sigmoid(m1 - m2)
    oh = (sel1 | sel2).astype(jnp.float32)
    r = lax.broadcasted_iota(jnp.int32, (BT, BT), 0)
    c = lax.broadcasted_iota(jnp.int32, (BT, BT), 1)
    ltri = (r > c).astype(jnp.float32)
    prefix = lax.dot_general(ltri, oh, (((1,), (0,)), ((), ())),
                             preferred_element_type=jnp.float32)
    prefix = prefix + carry[...]
    r1 = jnp.sum(jnp.where(sel1, prefix, 0.0), axis=1, keepdims=True)
    r2 = jnp.sum(jnp.where(sel2, prefix, 0.0), axis=1, keepdims=True)
    new_carry = carry[...] + jnp.sum(oh, axis=0, keepdims=True)
    carry[...] = new_carry
    e1_ref[...] = i1
    e2_ref[...] = i2
    r1_ref[...] = r1.astype(jnp.int32)
    r2_ref[...] = r2.astype(jnp.int32)
    w1b_ref[...] = jnp.broadcast_to(w1, (BT, 16))
    w2b_ref[...] = jnp.broadcast_to(1.0 - w1, (BT, 16))

    @pl.when(i == NTB - 1)
    def _():
        pf = jnp.ceil(new_carry * (1.0 / BM)) * BM
        rr = lax.broadcasted_iota(jnp.int32, (EPAD, EPAD), 0)
        cc = lax.broadcasted_iota(jnp.int32, (EPAD, EPAD), 1)
        sel = jnp.where(cc < rr, jnp.broadcast_to(pf, (EPAD, EPAD)), 0.0)
        ones = jnp.ones((EPAD, EPAD), jnp.float32)
        starts_full = lax.dot_general(sel, ones, (((1,), (0,)), ((), ())),
                                      preferred_element_type=jnp.float32)
        sb_ref[...] = starts_full[:, :16].astype(jnp.int32)
        slot = (cc * BM).astype(jnp.float32)
        ind = jnp.where((starts_full <= slot) & (rr < E), 1.0, 0.0)
        onerow = jnp.ones((1, EPAD), jnp.float32)
        bex = lax.dot_general(onerow, ind, (((1,), (0,)), ((), ())),
                              preferred_element_type=jnp.float32) - 1.0
        bex_ref[...] = jnp.clip(bex, 0.0, float(E - 1)).astype(jnp.int32)


def _router_call(x, gwp, gbp, interpret=False):
    out_shapes = (
        jax.ShapeDtypeStruct((T, 1), jnp.int32),
        jax.ShapeDtypeStruct((T, 1), jnp.int32),
        jax.ShapeDtypeStruct((T, 1), jnp.int32),
        jax.ShapeDtypeStruct((T, 1), jnp.int32),
        jax.ShapeDtypeStruct((T, 16), jnp.float32),
        jax.ShapeDtypeStruct((T, 16), jnp.float32),
        jax.ShapeDtypeStruct((EPAD, 16), jnp.int32),
        jax.ShapeDtypeStruct((1, EPAD), jnp.int32),
    )
    col = pl.BlockSpec((BT, 1), lambda i: (i, 0))
    wcol = pl.BlockSpec((BT, 16), lambda i: (i, 0))
    return pl.pallas_call(
        _router_body,
        grid=(NTB,),
        in_specs=[
            pl.BlockSpec((BT, H), lambda i: (i, 0)),
            pl.BlockSpec((EPAD, H), lambda i: (0, 0)),
            pl.BlockSpec((1, EPAD), lambda i: (0, 0)),
        ],
        out_specs=(col, col, col, col, wcol, wcol,
                   pl.BlockSpec((EPAD, 16), lambda i: (0, 0)),
                   pl.BlockSpec((1, EPAD), lambda i: (0, 0))),
        out_shape=out_shapes,
        scratch_shapes=[pltpu.VMEM((1, EPAD), jnp.float32)],
        interpret=interpret,
    )(x, gwp, gbp)



def _select_start(sbv, ev):
    pos = jnp.zeros((16,), jnp.int32)
    for e in range(1, E):
        pos = pos + jnp.where(ev == e, sbv[e], 0)
    return pos



def _scatter_body(x_hbm, e1_hbm, e2_hbm, r1_hbm, r2_hbm, sb_hbm,
                  xs_hbm,
                  sbv, e1b, e2b, r1b, r2b, bufx, sga, ss0, ss1):
    wid = lax.axis_index("s") * NC + lax.axis_index("c")
    base = wid * TPW
    pltpu.sync_copy(sb_hbm.at[pl.ds(0, E)], sbv)
    pltpu.sync_copy(e1_hbm.at[pl.ds(base, TPW)], e1b)
    pltpu.sync_copy(e2_hbm.at[pl.ds(base, TPW)], e2b)
    pltpu.sync_copy(r1_hbm.at[pl.ds(base, TPW)], r1b)
    pltpu.sync_copy(r2_hbm.at[pl.ds(base, TPW)], r2b)

    def chunk(ch, _):
        coff = ch * CH
        off = pl.ds(coff, CH)
        pltpu.async_copy(x_hbm.at[pl.ds(base + coff, CH)], bufx, sga).wait()
        pos0 = _select_start(sbv, e1b[off]) + r1b[off]
        pos1 = _select_start(sbv, e2b[off]) + r2b[off]
        d0 = pltpu.async_copy(bufx, xs_hbm.at[pos0], ss0)
        d1 = pltpu.async_copy(bufx, xs_hbm.at[pos1], ss1)
        d0.wait()
        d1.wait()
        return 0

    lax.fori_loop(0, NCH, chunk, 0)


def _scatter_call(x, e1, e2, r1, r2, sb):
    mesh = plsc.VectorSubcoreMesh(core_axis_name="c", subcore_axis_name="s",
                                  num_cores=NC, num_subcores=NS)
    k = pl.kernel(
        _scatter_body,
        out_type=jax.ShapeDtypeStruct((S_MAX, H), jnp.float32),
        mesh=mesh,
        scratch_types=[
            pltpu.VMEM((E, 16), jnp.int32),
            pltpu.VMEM((TPW,), jnp.int32),
            pltpu.VMEM((TPW,), jnp.int32),
            pltpu.VMEM((TPW,), jnp.int32),
            pltpu.VMEM((TPW,), jnp.int32),
            pltpu.VMEM((CH, H), jnp.float32),
            pltpu.SemaphoreType.DMA,
            pltpu.SemaphoreType.DMA,
            pltpu.SemaphoreType.DMA,
        ],
    )
    return k(x, e1, e2, r1, r2, sb)



def _ffn1_body(be_ref, xs_ref, wg_ref, bg_ref, wl_ref, bl_ref, y_ref):
    x = xs_ref[...].astype(jnp.bfloat16)
    hg = lax.dot_general(x, wg_ref[0], (((1,), (1,)), ((), ())),
                         preferred_element_type=jnp.float32) + bg_ref[0]
    hl = lax.dot_general(x, wl_ref[0], (((1,), (1,)), ((), ())),
                         preferred_element_type=jnp.float32) + bl_ref[0]
    hg = jnp.minimum(hg, LIMIT)
    hl = jnp.clip(hl, -LIMIT, LIMIT)
    y = hg * jax.nn.sigmoid(ALPHA * hg) * (hl + BETA)
    y_ref[...] = y.astype(jnp.bfloat16)


def _ffn1_call(bex, xs, wg, bg, wl, bl, interpret=False):
    I2 = I // 2
    spec = pltpu.PrefetchScalarGridSpec(
        num_scalar_prefetch=1,
        grid=(2, NBLK),
        in_specs=[
            pl.BlockSpec((BM, H), lambda j, b, be: (b, 0)),
            pl.BlockSpec((1, I2, H), lambda j, b, be: (be[b], j, 0)),
            pl.BlockSpec((1, 1, I2), lambda j, b, be: (be[b], 0, j)),
            pl.BlockSpec((1, I2, H), lambda j, b, be: (be[b], j, 0)),
            pl.BlockSpec((1, 1, I2), lambda j, b, be: (be[b], 0, j)),
        ],
        out_specs=pl.BlockSpec((BM, I2), lambda j, b, be: (b, j)),
    )
    return pl.pallas_call(
        _ffn1_body,
        grid_spec=spec,
        out_shape=jax.ShapeDtypeStruct((S_MAX, I), jnp.bfloat16),
        interpret=interpret,
    )(bex, xs, wg, bg, wl, bl)


def _ffn2_body(be_ref, y_ref, w2_ref, b2_ref, o_ref):
    o = lax.dot_general(y_ref[...], w2_ref[0], (((1,), (1,)), ((), ())),
                        preferred_element_type=jnp.float32)
    o_ref[...] = o + b2_ref[0]


def _ffn2_call(bex, y, w2, b2, interpret=False):
    spec = pltpu.PrefetchScalarGridSpec(
        num_scalar_prefetch=1,
        grid=(NBLK,),
        in_specs=[
            pl.BlockSpec((BM, I), lambda b, be: (b, 0)),
            pl.BlockSpec((1, H, I), lambda b, be: (be[b], 0, 0)),
            pl.BlockSpec((1, 1, H), lambda b, be: (be[b], 0, 0)),
        ],
        out_specs=pl.BlockSpec((BM, H), lambda b, be: (b, 0)),
    )
    return pl.pallas_call(
        _ffn2_body,
        grid_spec=spec,
        out_shape=jax.ShapeDtypeStruct((S_MAX, H), jnp.float32),
        interpret=interpret,
    )(bex, y, w2, b2)



def _combine_body(os_hbm, e1_hbm, e2_hbm, r1_hbm, r2_hbm, w1_hbm, w2_hbm,
                  sb_hbm, out_hbm,
                  sbv, e1b, e2b, r1b, r2b, w1bv, w2bv, bufa, bufb, sem):
    wid = lax.axis_index("s") * NC + lax.axis_index("c")
    base = wid * TPW
    pltpu.sync_copy(sb_hbm.at[pl.ds(0, E)], sbv)
    pltpu.sync_copy(e1_hbm.at[pl.ds(base, TPW)], e1b)
    pltpu.sync_copy(e2_hbm.at[pl.ds(base, TPW)], e2b)
    pltpu.sync_copy(r1_hbm.at[pl.ds(base, TPW)], r1b)
    pltpu.sync_copy(r2_hbm.at[pl.ds(base, TPW)], r2b)

    def chunk(ch, _):
        coff = ch * CH
        off = pl.ds(coff, CH)
        pltpu.sync_copy(w1_hbm.at[pl.ds(base + coff, CH)], w1bv)
        pltpu.sync_copy(w2_hbm.at[pl.ds(base + coff, CH)], w2bv)
        pos0 = _select_start(sbv, e1b[off]) + r1b[off]
        pos1 = _select_start(sbv, e2b[off]) + r2b[off]
        da = pltpu.async_copy(os_hbm.at[pos0], bufa, sem)
        db = pltpu.async_copy(os_hbm.at[pos1], bufb, sem)
        da.wait()
        db.wait()
        wva = [w1bv[i] for i in range(CH)]
        wvb = [w2bv[i] for i in range(CH)]

        def col(s, _):
            sl = pl.ds(s * 16, 16)
            for i in range(CH):
                bufa[i, sl] = wva[i] * bufa[i, sl] + wvb[i] * bufb[i, sl]
            return 0

        lax.fori_loop(0, H // 16, col, 0)
        pltpu.sync_copy(bufa, out_hbm.at[pl.ds(base + coff, CH)])
        return 0

    lax.fori_loop(0, NCH, chunk, 0)


def _combine_call(os, e1, e2, r1, r2, w1b, w2b, sb):
    mesh = plsc.VectorSubcoreMesh(core_axis_name="c", subcore_axis_name="s",
                                  num_cores=NC, num_subcores=NS)
    k = pl.kernel(
        _combine_body,
        out_type=jax.ShapeDtypeStruct((T, H), jnp.float32),
        mesh=mesh,
        scratch_types=[
            pltpu.VMEM((E, 16), jnp.int32),
            pltpu.VMEM((TPW,), jnp.int32),
            pltpu.VMEM((TPW,), jnp.int32),
            pltpu.VMEM((TPW,), jnp.int32),
            pltpu.VMEM((TPW,), jnp.int32),
            pltpu.VMEM((CH, 16), jnp.float32),
            pltpu.VMEM((CH, 16), jnp.float32),
            pltpu.VMEM((CH, H), jnp.float32),
            pltpu.VMEM((CH, H), jnp.float32),
            pltpu.SemaphoreType.DMA,
        ],
    )
    return k(os, e1, e2, r1, r2, w1b, w2b, sb)



def kernel(hidden_states, gate_w, gate_b, fc1_w, fc1_b, fc2_w, fc2_b):
    x = hidden_states.astype(jnp.float32)
    gwp = jnp.pad(gate_w, ((0, EPAD - E), (0, 0)))
    gbp = jnp.pad(gate_b, (0, EPAD - E), constant_values=-1e30).reshape(1, EPAD)

    e1, e2, r1, r2, w1b, w2b, sb, bex = _router_call(x, gwp, gbp)
    e1f, e2f = e1.reshape(T), e2.reshape(T)
    r1f, r2f = r1.reshape(T), r2.reshape(T)
    bexf = bex.reshape(EPAD)

    xs = _scatter_call(x, e1f, e2f, r1f, r2f, sb)

    f1 = fc1_w.reshape(E, I, 2, H)
    wg = f1[:, :, 0, :].astype(jnp.bfloat16)
    wl = f1[:, :, 1, :].astype(jnp.bfloat16)
    b1 = fc1_b.reshape(E, I, 2)
    bg = b1[:, :, 0].reshape(E, 1, I)
    bl = b1[:, :, 1].reshape(E, 1, I)

    y = _ffn1_call(bexf, xs, wg, bg, wl, bl)
    os = _ffn2_call(bexf, y, fc2_w.astype(jnp.bfloat16),
                    fc2_b.reshape(E, 1, H))
    return _combine_call(os, e1f, e2f, r1f, r2f, w1b, w2b, sb)

# --- scband reference (transcript-rebuilt; emitter-appended) ---
"""Pipeline reference for scband-swiglu-mo-eblock-12266426597724 (READ-ONLY COPY).

The authoritative reference and input builder live on the scoring server;
editing this copy changes nothing except your own understanding.
"""

import jax, jax.numpy as jnp
import numpy as np

HIDDEN = 2048
INTER = 2048
E = 8
TOPK = 2
T = 8192
ALPHA = 1.702
BETA = 1.0
LIMIT = 7.0


def _swiglu(x):
    # interleaved layout: last dim = 2*INTER, view as (INTER, 2)
    x = x.reshape(x.shape[0], INTER, 2)
    x_glu = x[..., 0]
    x_lin = x[..., 1]
    x_glu = jnp.minimum(x_glu, LIMIT)
    x_lin = jnp.clip(x_lin, -LIMIT, LIMIT)
    return x_glu * jax.nn.sigmoid(ALPHA * x_glu) * (x_lin + BETA)


def setup_inputs(seed: int = 0) -> dict:
    key = jax.random.key(seed)
    ks = jax.random.split(key, 8)
    hidden_states = jax.random.normal(ks[0], (T, HIDDEN), dtype=jnp.float32)
    gate_w = jax.random.normal(ks[1], (E, HIDDEN), dtype=jnp.float32) * 0.02
    gate_b = jax.random.normal(ks[2], (E,), dtype=jnp.float32) * 0.02
    fc1_w = jax.random.normal(ks[3], (E, 2 * INTER, HIDDEN), dtype=jnp.float32) * 0.02
    fc1_b = jax.random.normal(ks[4], (E, 2 * INTER), dtype=jnp.float32) * 0.02
    fc2_w = jax.random.normal(ks[5], (E, HIDDEN, INTER), dtype=jnp.float32) * 0.02
    fc2_b = jax.random.normal(ks[6], (E, HIDDEN), dtype=jnp.float32) * 0.02
    return {"hidden_states": hidden_states, "gate_w": gate_w, "gate_b": gate_b,
            "fc1_w": fc1_w, "fc1_b": fc1_b, "fc2_w": fc2_w, "fc2_b": fc2_b}


def reference(hidden_states, gate_w, gate_b, fc1_w, fc1_b, fc2_w, fc2_b):
    # router
    logits = hidden_states @ gate_w.T + gate_b            # [T, E]
    probs = jax.nn.softmax(logits, axis=-1)
    top_vals, top_idx = jax.lax.top_k(probs, TOPK)        # [T, k]
    top_vals = top_vals / jnp.sum(top_vals, axis=-1, keepdims=True)  # normalize_routing_weights=1
    # dense per-token expert weight matrix [T, E]
    tok = jnp.arange(hidden_states.shape[0])[:, None]
    w_dense = jnp.zeros_like(probs).at[tok, top_idx].add(top_vals)

    def body(acc, xs):
        w1, b1, w2, b2, we = xs  # we: [T] routing weight for this expert
        h = hidden_states @ w1.T + b1        # [T, 2*INTER]
        y = _swiglu(h)                       # [T, INTER]
        o = y @ w2.T + b2                    # [T, HIDDEN]
        return acc + we[:, None] * o, None

    init = jnp.zeros_like(hidden_states)
    out, _ = jax.lax.scan(body, init, (fc1_w, fc1_b, fc2_w, fc2_b, w_dense.T))
    return out

if __name__ == "__main__":
    import jax
    _d = setup_inputs()
    print(jax.jit(kernel)(*tuple(_d.values())))

</pallas_src>

<mosaic_0001>
#map = affine_map<(d0, d1) -> (0, 0)>
#map1 = affine_map<(d0, d1) -> (0)>
module attributes {stable_mosaic.version = 14 : i64} {
  func.func @_scatter_body(%arg0: i32, %arg1: i32, %arg2: memref<8192x2048xf32, #tpu.memory_space<hbm>>, %arg3: memref<8192xi32, #tpu.memory_space<hbm>>, %arg4: memref<8192xi32, #tpu.memory_space<hbm>>, %arg5: memref<8192xi32, #tpu.memory_space<hbm>>, %arg6: memref<8192xi32, #tpu.memory_space<hbm>>, %arg7: memref<128x16xi32, #tpu.memory_space<hbm>>, %arg8: memref<18432x2048xf32, #tpu.memory_space<hbm>>, %arg9: memref<8x16xi32, #tpu.memory_space<vmem>>, %arg10: memref<256xi32, #tpu.memory_space<vmem>>, %arg11: memref<256xi32, #tpu.memory_space<vmem>>, %arg12: memref<256xi32, #tpu.memory_space<vmem>>, %arg13: memref<256xi32, #tpu.memory_space<vmem>>, %arg14: memref<16x2048xf32, #tpu.memory_space<vmem>>, %arg15: memref<!tpu.dma_semaphore, #tpu.memory_space<semaphore_mem>>, %arg16: memref<!tpu.dma_semaphore, #tpu.memory_space<semaphore_mem>>, %arg17: memref<!tpu.dma_semaphore, #tpu.memory_space<semaphore_mem>>) attributes {dimension_semantics = [#tpu.dimension_semantics<core_parallel>, #tpu.dimension_semantics<subcore_parallel>], iteration_bounds = array<i64: 2, 16>, scalar_prefetch = 0 : i64, scratch_operands = 9 : i64, tpu.core_type = #tpu.core_type<sc_vector_subcore>, window_params = [{transform_indices = #map}, {transform_indices = #map1}, {transform_indices = #map1}, {transform_indices = #map1}, {transform_indices = #map1}, {transform_indices = #map}, {transform_indices = #map}]} {
    %mul3A = arith.constant 2 : i32
    %mul3A_0 = arith.muli %arg1, %mul3A : i32
    %add3A = arith.addi %mul3A_0, %arg0 : i32
    %mul3A_1 = arith.constant 256 : i32
    %mul3A_2 = arith.muli %add3A, %mul3A_1 : i32
    "tpu.region"() ({
      %run_scoped3A = tpu.sem_alloc : memref<!tpu.dma_semaphore, #tpu.memory_space<semaphore_mem>>
      %dma_start3A = arith.constant 0 : i32
      %dma_start3A_9 = arith.constant 0 : i32
      %dma_start3A_10 = tpu.memref_slice %arg7[%dma_start3A, %dma_start3A_9] : memref<128x16xi32, #tpu.memory_space<hbm>> -> memref<8x16xi32, #tpu.memory_space<hbm>>
      %dma_start3A_11 = arith.constant 0 : i32
      %dma_start3A_12 = arith.constant 0 : i32
      %dma_start3A_13 = tpu.memref_slice %arg7[%dma_start3A_11, %dma_start3A_12] : memref<128x16xi32, #tpu.memory_space<hbm>> -> memref<8x16xi32, #tpu.memory_space<hbm>>
      tpu.enqueue_dma source(%dma_start3A_13 : memref<8x16xi32, #tpu.memory_space<hbm>>) target(%arg9 : memref<8x16xi32, #tpu.memory_space<vmem>>) target_semaphore(%run_scoped3A : memref<!tpu.dma_semaphore, #tpu.memory_space<semaphore_mem>>)
      %dma_wait3A = arith.constant 0 : i32
      %dma_wait3A_14 = arith.constant 0 : i32
      %dma_wait3A_15 = tpu.memref_slice %arg7[%dma_wait3A, %dma_wait3A_14] : memref<128x16xi32, #tpu.memory_space<hbm>> -> memref<8x16xi32, #tpu.memory_space<hbm>>
      %dma_wait3A_16 = arith.constant 0 : i32
      %dma_wait3A_17 = arith.constant 0 : i32
      %dma_wait3A_18 = tpu.memref_slice %arg7[%dma_wait3A_16, %dma_wait3A_17] : memref<128x16xi32, #tpu.memory_space<hbm>> -> memref<8x16xi32, #tpu.memory_space<hbm>>
      tpu.wait_dma2 semaphore(%run_scoped3A : memref<!tpu.dma_semaphore, #tpu.memory_space<semaphore_mem>>) src(%dma_wait3A_18 : memref<8x16xi32, #tpu.memory_space<hbm>>) dst(%arg9 : memref<8x16xi32, #tpu.memory_space<vmem>>)
      tpu.yield
    }) : () -> ()
    "tpu.region"() ({
      %run_scoped3A = tpu.sem_alloc : memref<!tpu.dma_semaphore, #tpu.memory_space<semaphore_mem>>
      %dma_start3A = tpu.memref_slice %arg3[%mul3A_2] : memref<8192xi32, #tpu.memory_space<hbm>> -> memref<256xi32, #tpu.memory_space<hbm>>
      %dma_start3A_9 = tpu.memref_slice %arg3[%mul3A_2] : memref<8192xi32, #tpu.memory_space<hbm>> -> memref<256xi32, #tpu.memory_space<hbm>>
      tpu.enqueue_dma source(%dma_start3A_9 : memref<256xi32, #tpu.memory_space<hbm>>) target(%arg10 : memref<256xi32, #tpu.memory_space<vmem>>) target_semaphore(%run_scoped3A : memref<!tpu.dma_semaphore, #tpu.memory_space<semaphore_mem>>)
      %dma_wait3A = tpu.memref_slice %arg3[%mul3A_2] : memref<8192xi32, #tpu.memory_space<hbm>> -> memref<256xi32, #tpu.memory_space<hbm>>
      %dma_wait3A_10 = tpu.memref_slice %arg3[%mul3A_2] : memref<8192xi32, #tpu.memory_space<hbm>> -> memref<256xi32, #tpu.memory_space<hbm>>
      tpu.wait_dma2 semaphore(%run_scoped3A : memref<!tpu.dma_semaphore, #tpu.memory_space<semaphore_mem>>) src(%dma_wait3A_10 : memref<256xi32, #tpu.memory_space<hbm>>) dst(%arg10 : memref<256xi32, #tpu.memory_space<vmem>>)
      tpu.yield
    }) : () -> ()
    "tpu.region"() ({
      %run_scoped3A = tpu.sem_alloc : memref<!tpu.dma_semaphore, #tpu.memory_space<semaphore_mem>>
      %dma_start3A = tpu.memref_slice %arg4[%mul3A_2] : memref<8192xi32, #tpu.memory_space<hbm>> -> memref<256xi32, #tpu.memory_space<hbm>>
      %dma_start3A_9 = tpu.memref_slice %arg4[%mul3A_2] : memref<8192xi32, #tpu.memory_space<hbm>> -> memref<256xi32, #tpu.memory_space<hbm>>
      tpu.enqueue_dma source(%dma_start3A_9 : memref<256xi32, #tpu.memory_space<hbm>>) target(%arg11 : memref<256xi32, #tpu.memory_space<vmem>>) target_semaphore(%run_scoped3A : memref<!tpu.dma_semaphore, #tpu.memory_space<semaphore_mem>>)
      %dma_wait3A = tpu.memref_slice %arg4[%mul3A_2] : memref<8192xi32, #tpu.memory_space<hbm>> -> memref<256xi32, #tpu.memory_space<hbm>>
      %dma_wait3A_10 = tpu.memref_slice %arg4[%mul3A_2] : memref<8192xi32, #tpu.memory_space<hbm>> -> memref<256xi32, #tpu.memory_space<hbm>>
      tpu.wait_dma2 semaphore(%run_scoped3A : memref<!tpu.dma_semaphore, #tpu.memory_space<semaphore_mem>>) src(%dma_wait3A_10 : memref<256xi32, #tpu.memory_space<hbm>>) dst(%arg11 : memref<256xi32, #tpu.memory_space<vmem>>)
      tpu.yield
    }) : () -> ()
    "tpu.region"() ({
      %run_scoped3A = tpu.sem_alloc : memref<!tpu.dma_semaphore, #tpu.memory_space<semaphore_mem>>
      %dma_start3A = tpu.memref_slice %arg5[%mul3A_2] : memref<8192xi32, #tpu.memory_space<hbm>> -> memref<256xi32, #tpu.memory_space<hbm>>
      %dma_start3A_9 = tpu.memref_slice %arg5[%mul3A_2] : memref<8192xi32, #tpu.memory_space<hbm>> -> memref<256xi32, #tpu.memory_space<hbm>>
      tpu.enqueue_dma source(%dma_start3A_9 : memref<256xi32, #tpu.memory_space<hbm>>) target(%arg12 : memref<256xi32, #tpu.memory_space<vmem>>) target_semaphore(%run_scoped3A : memref<!tpu.dma_semaphore, #tpu.memory_space<semaphore_mem>>)
      %dma_wait3A = tpu.memref_slice %arg5[%mul3A_2] : memref<8192xi32, #tpu.memory_space<hbm>> -> memref<256xi32, #tpu.memory_space<hbm>>
      %dma_wait3A_10 = tpu.memref_slice %arg5[%mul3A_2] : memref<8192xi32, #tpu.memory_space<hbm>> -> memref<256xi32, #tpu.memory_space<hbm>>
      tpu.wait_dma2 semaphore(%run_scoped3A : memref<!tpu.dma_semaphore, #tpu.memory_space<semaphore_mem>>) src(%dma_wait3A_10 : memref<256xi32, #tpu.memory_space<hbm>>) dst(%arg12 : memref<256xi32, #tpu.memory_space<vmem>>)
      tpu.yield
    }) : () -> ()
    "tpu.region"() ({
      %run_scoped3A = tpu.sem_alloc : memref<!tpu.dma_semaphore, #tpu.memory_space<semaphore_mem>>
      %dma_start3A = tpu.memref_slice %arg6[%mul3A_2] : memref<8192xi32, #tpu.memory_space<hbm>> -> memref<256xi32, #tpu.memory_space<hbm>>
      %dma_start3A_9 = tpu.memref_slice %arg6[%mul3A_2] : memref<8192xi32, #tpu.memory_space<hbm>> -> memref<256xi32, #tpu.memory_space<hbm>>
      tpu.enqueue_dma source(%dma_start3A_9 : memref<256xi32, #tpu.memory_space<hbm>>) target(%arg13 : memref<256xi32, #tpu.memory_space<vmem>>) target_semaphore(%run_scoped3A : memref<!tpu.dma_semaphore, #tpu.memory_space<semaphore_mem>>)
      %dma_wait3A = tpu.memref_slice %arg6[%mul3A_2] : memref<8192xi32, #tpu.memory_space<hbm>> -> memref<256xi32, #tpu.memory_space<hbm>>
      %dma_wait3A_10 = tpu.memref_slice %arg6[%mul3A_2] : memref<8192xi32, #tpu.memory_space<hbm>> -> memref<256xi32, #tpu.memory_space<hbm>>
      tpu.wait_dma2 semaphore(%run_scoped3A : memref<!tpu.dma_semaphore, #tpu.memory_space<semaphore_mem>>) src(%dma_wait3A_10 : memref<256xi32, #tpu.memory_space<hbm>>) dst(%arg13 : memref<256xi32, #tpu.memory_space<vmem>>)
      tpu.yield
    }) : () -> ()
    %scan3A = arith.constant 0 : i32
    %scan3A_3 = arith.constant 0 : i32
    %scan3A_4 = arith.constant 16 : i32
    %scan3A_5 = arith.addi %scan3A_3, %scan3A_4 : i32
    %scan3A_6 = arith.constant 1 : i32
    %scan3A_7 = scf.for %scan3A_9 = %scan3A_3 to %scan3A_5 step %scan3A_6 iter_args(%scan3A_10 = %scan3A) -> (i32)  : i32 {
      %mul3A_11 = arith.constant 16 : i32
      %mul3A_12 = arith.muli %scan3A_9, %mul3A_11 : i32
      %add3A_13 = arith.addi %mul3A_2, %mul3A_12 : i32
      %dma_start3A = arith.constant 0 : i32
      %dma_start3A_14 = tpu.memref_slice %arg2[%add3A_13, %dma_start3A] : memref<8192x2048xf32, #tpu.memory_space<hbm>> -> memref<16x2048xf32, #tpu.memory_space<hbm>>
      %dma_start3A_15 = arith.constant 0 : i32
      %dma_start3A_16 = tpu.memref_slice %arg2[%add3A_13, %dma_start3A_15] : memref<8192x2048xf32, #tpu.memory_space<hbm>> -> memref<16x2048xf32, #tpu.memory_space<hbm>>
      tpu.enqueue_dma source(%dma_start3A_16 : memref<16x2048xf32, #tpu.memory_space<hbm>>) target(%arg14 : memref<16x2048xf32, #tpu.memory_space<vmem>>) target_semaphore(%arg15 : memref<!tpu.dma_semaphore, #tpu.memory_space<semaphore_mem>>)
      %dma_wait3A = arith.constant 0 : i32
      %dma_wait3A_17 = tpu.memref_slice %arg2[%add3A_13, %dma_wait3A] : memref<8192x2048xf32, #tpu.memory_space<hbm>> -> memref<16x2048xf32, #tpu.memory_space<hbm>>
      %dma_wait3A_18 = arith.constant 0 : i32
      %dma_wait3A_19 = tpu.memref_slice %arg2[%add3A_13, %dma_wait3A_18] : memref<8192x2048xf32, #tpu.memory_space<hbm>> -> memref<16x2048xf32, #tpu.memory_space<hbm>>
      tpu.wait_dma2 semaphore(%arg15 : memref<!tpu.dma_semaphore, #tpu.memory_space<semaphore_mem>>) src(%dma_wait3A_19 : memref<16x2048xf32, #tpu.memory_space<hbm>>) dst(%arg14 : memref<16x2048xf32, #tpu.memory_space<vmem>>)
      %get3A = arith.index_cast %mul3A_12 : i32 to index
      %get3A_20 = tpu.vector_load %arg10[%get3A] {strides = array<i32>} : memref<256xi32, #tpu.memory_space<vmem>>, vector<16xi32>,
      %get3A_21 = vector.shape_cast %get3A_20 : vector<16xi32> to vector<16xi32>
      %broadcast_in_dim3A = arith.constant 0 : i32
      %broadcast_in_dim3A_22 = vector.broadcast %broadcast_in_dim3A : i32 to vector<16xi32>
      %eq3A = arith.constant 1 : i32
      %eq3A_23 = vector.broadcast %eq3A : i32 to vector<16xi32>
      %eq3A_24 = arith.cmpi eq, %get3A_21, %eq3A_23 : vector<16xi32>
      %get3A_25 = arith.constant 1 : i32
      %get3A_26 = arith.index_cast %get3A_25 : i32 to index
      %get3A_27 = arith.constant 0 : index
      %get3A_28 = tpu.vector_load %arg9[%get3A_26, %get3A_27] {strides = array<i32>} : memref<8x16xi32, #tpu.memory_space<vmem>>, vector<1x16xi32>,
      %get3A_29 = vector.shape_cast %get3A_28 : vector<1x16xi32> to vector<16xi32>
      %jit3A = arith.constant 0 : i32
      %broadcast_in_dim3A_30 = vector.broadcast %jit3A : i32 to vector<16xi32>
      %select_n3A = arith.select %eq3A_24, %get3A_29, %broadcast_in_dim3A_30 : vector<16xi1>, vector<16xi32>
      %add3A_31 = arith.addi %broadcast_in_dim3A_22, %select_n3A : vector<16xi32>
      %eq3A_32 = arith.constant 2 : i32
      %eq3A_33 = vector.broadcast %eq3A_32 : i32 to vector<16xi32>
      %eq3A_34 = arith.cmpi eq, %get3A_21, %eq3A_33 : vector<16xi32>
      %get3A_35 = arith.constant 2 : i32
      %get3A_36 = arith.index_cast %get3A_35 : i32 to index
      %get3A_37 = arith.constant 0 : index
      %get3A_38 = tpu.vector_load %arg9[%get3A_36, %get3A_37] {strides = array<i32>} : memref<8x16xi32, #tpu.memory_space<vmem>>, vector<1x16xi32>,
      %get3A_39 = vector.shape_cast %get3A_38 : vector<1x16xi32> to vector<16xi32>
      %jit3A_40 = arith.constant 0 : i32
      %broadcast_in_dim3A_41 = vector.broadcast %jit3A_40 : i32 to vector<16xi32>
      %select_n3A_42 = arith.select %eq3A_34, %get3A_39, %broadcast_in_dim3A_41 : vector<16xi1>, vector<16xi32>
      %add3A_43 = arith.addi %add3A_31, %select_n3A_42 : vector<16xi32>
      %eq3A_44 = arith.constant 3 : i32
      %eq3A_45 = vector.broadcast %eq3A_44 : i32 to vector<16xi32>
      %eq3A_46 = arith.cmpi eq, %get3A_21, %eq3A_45 : vector<16xi32>
      %get3A_47 = arith.constant 3 : i32
      %get3A_48 = arith.index_cast %get3A_47 : i32 to index
      %get3A_49 = arith.constant 0 : index
      %get3A_50 = tpu.vector_load %arg9[%get3A_48, %get3A_49] {strides = array<i32>} : memref<8x16xi32, #tpu.memory_space<vmem>>, vector<1x16xi32>,
      %get3A_51 = vector.shape_cast %get3A_50 : vector<1x16xi32> to vector<16xi32>
      %jit3A_52 = arith.constant 0 : i32
      %broadcast_in_dim3A_53 = vector.broadcast %jit3A_52 : i32 to vector<16xi32>
      %select_n3A_54 = arith.select %eq3A_46, %get3A_51, %broadcast_in_dim3A_53 : vector<16xi1>, vector<16xi32>
      %add3A_55 = arith.addi %add3A_43, %select_n3A_54 : vector<16xi32>
      %eq3A_56 = arith.constant 4 : i32
      %eq3A_57 = vector.broadcast %eq3A_56 : i32 to vector<16xi32>
      %eq3A_58 = arith.cmpi eq, %get3A_21, %eq3A_57 : vector<16xi32>
      %get3A_59 = arith.constant 4 : i32
      %get3A_60 = arith.index_cast %get3A_59 : i32 to index
      %get3A_61 = arith.constant 0 : index
      %get3A_62 = tpu.vector_load %arg9[%get3A_60, %get3A_61] {strides = array<i32>} : memref<8x16xi32, #tpu.memory_space<vmem>>, vector<1x16xi32>,
      %get3A_63 = vector.shape_cast %get3A_62 : vector<1x16xi32> to vector<16xi32>
      %jit3A_64 = arith.constant 0 : i32
      %broadcast_in_dim3A_65 = vector.broadcast %jit3A_64 : i32 to vector<16xi32>
      %select_n3A_66 = arith.select %eq3A_58, %get3A_63, %broadcast_in_dim3A_65 : vector<16xi1>, vector<16xi32>
      %add3A_67 = arith.addi %add3A_55, %select_n3A_66 : vector<16xi32>
      %eq3A_68 = arith.constant 5 : i32
      %eq3A_69 = vector.broadcast %eq3A_68 : i32 to vector<16xi32>
      %eq3A_70 = arith.cmpi eq, %get3A_21, %eq3A_69 : vector<16xi32>
      %get3A_71 = arith.constant 5 : i32
      %get3A_72 = arith.index_cast %get3A_71 : i32 to index
      %get3A_73 = arith.constant 0 : index
      %get3A_74 = tpu.vector_load %arg9[%get3A_72, %get3A_73] {strides = array<i32>} : memref<8x16xi32, #tpu.memory_space<vmem>>, vector<1x16xi32>,
      %get3A_75 = vector.shape_cast %get3A_74 : vector<1x16xi32> to vector<16xi32>
      %jit3A_76 = arith.constant 0 : i32
      %broadcast_in_dim3A_77 = vector.broadcast %jit3A_76 : i32 to vector<16xi32>
      %select_n3A_78 = arith.select %eq3A_70, %get3A_75, %broadcast_in_dim3A_77 : vector<16xi1>, vector<16xi32>
      %add3A_79 = arith.addi %add3A_67, %select_n3A_78 : vector<16xi32>
      %eq3A_80 = arith.constant 6 : i32
      %eq3A_81 = vector.broadcast %eq3A_80 : i32 to vector<16xi32>
      %eq3A_82 = arith.cmpi eq, %get3A_21, %eq3A_81 : vector<16xi32>
      %get3A_83 = arith.constant 6 : i32
      %get3A_84 = arith.index_cast %get3A_83 : i32 to index
      %get3A_85 = arith.constant 0 : index
      %get3A_86 = tpu.vector_load %arg9[%get3A_84, %get3A_85] {strides = array<i32>} : memref<8x16xi32, #tpu.memory_space<vmem>>, vector<1x16xi32>,
      %get3A_87 = vector.shape_cast %get3A_86 : vector<1x16xi32> to vector<16xi32>
      %jit3A_88 = arith.constant 0 : i32
      %broadcast_in_dim3A_89 = vector.broadcast %jit3A_88 : i32 to vector<16xi32>
      %select_n3A_90 = arith.select %eq3A_82, %get3A_87, %broadcast_in_dim3A_89 : vector<16xi1>, vector<16xi32>
      %add3A_91 = arith.addi %add3A_79, %select_n3A_90 : vector<16xi32>
      %eq3A_92 = arith.constant 7 : i32
      %eq3A_93 = vector.broadcast %eq3A_92 : i32 to vector<16xi32>
      %eq3A_94 = arith.cmpi eq, %get3A_21, %eq3A_93 : vector<16xi32>
      %get3A_95 = arith.constant 7 : i32
      %get3A_96 = arith.index_cast %get3A_95 : i32 to index
      %get3A_97 = arith.constant 0 : index
      %get3A_98 = tpu.vector_load %arg9[%get3A_96, %get3A_97] {strides = array<i32>} : memref<8x16xi32, #tpu.memory_space<vmem>>, vector<1x16xi32>,
      %get3A_99 = vector.shape_cast %get3A_98 : vector<1x16xi32> to vector<16xi32>
      %jit3A_100 = arith.constant 0 : i32
      %broadcast_in_dim3A_101 = vector.broadcast %jit3A_100 : i32 to vector<16xi32>
      %select_n3A_102 = arith.select %eq3A_94, %get3A_99, %broadcast_in_dim3A_101 : vector<16xi1>, vector<16xi32>
      %add3A_103 = arith.addi %add3A_91, %select_n3A_102 : vector<16xi32>
      %get3A_104 = arith.index_cast %mul3A_12 : i32 to index
      %get3A_105 = tpu.vector_load %arg12[%get3A_104] {strides = array<i32>} : memref<256xi32, #tpu.memory_space<vmem>>, vector<16xi32>,
      %get3A_106 = vector.shape_cast %get3A_105 : vector<16xi32> to vector<16xi32>
      %add3A_107 = arith.addi %add3A_103, %get3A_106 : vector<16xi32>
      %get3A_108 = arith.index_cast %mul3A_12 : i32 to index
      %get3A_109 = tpu.vector_load %arg11[%get3A_108] {strides = array<i32>} : memref<256xi32, #tpu.memory_space<vmem>>, vector<16xi32>,
      %get3A_110 = vector.shape_cast %get3A_109 : vector<16xi32> to vector<16xi32>
      %broadcast_in_dim3A_111 = arith.constant 0 : i32
      %broadcast_in_dim3A_112 = vector.broadcast %broadcast_in_dim3A_111 : i32 to vector<16xi32>
      %eq3A_113 = arith.constant 1 : i32
      %eq3A_114 = vector.broadcast %eq3A_113 : i32 to vector<16xi32>
      %eq3A_115 = arith.cmpi eq, %get3A_110, %eq3A_114 : vector<16xi32>
      %get3A_116 = arith.constant 1 : i32
      %get3A_117 = arith.index_cast %get3A_116 : i32 to index
      %get3A_118 = arith.constant 0 : index
      %get3A_119 = tpu.vector_load %arg9[%get3A_117, %get3A_118] {strides = array<i32>} : memref<8x16xi32, #tpu.memory_space<vmem>>, vector<1x16xi32>,
      %get3A_120 = vector.shape_cast %get3A_119 : vector<1x16xi32> to vector<16xi32>
      %jit3A_121 = arith.constant 0 : i32
      %broadcast_in_dim3A_122 = vector.broadcast %jit3A_121 : i32 to vector<16xi32>
      %select_n3A_123 = arith.select %eq3A_115, %get3A_120, %broadcast_in_dim3A_122 : vector<16xi1>, vector<16xi32>
      %add3A_124 = arith.addi %broadcast_in_dim3A_112, %select_n3A_123 : vector<16xi32>
      %eq3A_125 = arith.constant 2 : i32
      %eq3A_126 = vector.broadcast %eq3A_125 : i32 to vector<16xi32>
      %eq3A_127 = arith.cmpi eq, %get3A_110, %eq3A_126 : vector<16xi32>
      %get3A_128 = arith.constant 2 : i32
      %get3A_129 = arith.index_cast %get3A_128 : i32 to index
      %get3A_130 = arith.constant 0 : index
      %get3A_131 = tpu.vector_load %arg9[%get3A_129, %get3A_130] {strides = array<i32>} : memref<8x16xi32, #tpu.memory_space<vmem>>, vector<1x16xi32>,
      %get3A_132 = vector.shape_cast %get3A_131 : vector<1x16xi32> to vector<16xi32>
      %jit3A_133 = arith.constant 0 : i32
      %broadcast_in_dim3A_134 = vector.broadcast %jit3A_133 : i32 to vector<16xi32>
      %select_n3A_135 = arith.select %eq3A_127, %get3A_132, %broadcast_in_dim3A_134 : vector<16xi1>, vector<16xi32>
      %add3A_136 = arith.addi %add3A_124, %select_n3A_135 : vector<16xi32>
      %eq3A_137 = arith.constant 3 : i32
      %eq3A_138 = vector.broadcast %eq3A_137 : i32 to vector<16xi32>
      %eq3A_139 = arith.cmpi eq, %get3A_110, %eq3A_138 : vector<16xi32>
      %get3A_140 = arith.constant 3 : i32
      %get3A_141 = arith.index_cast %get3A_140 : i32 to index
      %get3A_142 = arith.constant 0 : index
      %get3A_143 = tpu.vector_load %arg9[%get3A_141, %get3A_142] {strides = array<i32>} : memref<8x16xi32, #tpu.memory_space<vmem>>, vector<1x16xi32>,
      %get3A_144 = vector.shape_cast %get3A_143 : vector<1x16xi32> to vector<16xi32>
      %jit3A_145 = arith.constant 0 : i32
      %broadcast_in_dim3A_146 = vector.broadcast %jit3A_145 : i32 to vector<16xi32>
      %select_n3A_147 = arith.select %eq3A_139, %get3A_144, %broadcast_in_dim3A_146 : vector<16xi1>, vector<16xi32>
      %add3A_148 = arith.addi %add3A_136, %select_n3A_147 : vector<16xi32>
      %eq3A_149 = arith.constant 4 : i32
      %eq3A_150 = vector.broadcast %eq3A_149 : i32 to vector<16xi32>
      %eq3A_151 = arith.cmpi eq, %get3A_110, %eq3A_150 : vector<16xi32>
      %get3A_152 = arith.constant 4 : i32
      %get3A_153 = arith.index_cast %get3A_152 : i32 to index
      %get3A_154 = arith.constant 0 : index
      %get3A_155 = tpu.vector_load %arg9[%get3A_153, %get3A_154] {strides = array<i32>} : memref<8x16xi32, #tpu.memory_space<vmem>>, vector<1x16xi32>,
      %get3A_156 = vector.shape_cast %get3A_155 : vector<1x16xi32> to vector<16xi32>
      %jit3A_157 = arith.constant 0 : i32
      %broadcast_in_dim3A_158 = vector.broadcast %jit3A_157 : i32 to vector<16xi32>
      %select_n3A_159 = arith.select %eq3A_151, %get3A_156, %broadcast_in_dim3A_158 : vector<16xi1>, vector<16xi32>
      %add3A_160 = arith.addi %add3A_148, %select_n3A_159 : vector<16xi32>
      %eq3A_161 = arith.constant 5 : i32
      %eq3A_162 = vector.broadcast %eq3A_161 : i32 to vector<16xi32>
      %eq3A_163 = arith.cmpi eq, %get3A_110, %eq3A_162 : vector<16xi32>
      %get3A_164 = arith.constant 5 : i32
      %get3A_165 = arith.index_cast %get3A_164 : i32 to index
      %get3A_166 = arith.constant 0 : index
      %get3A_167 = tpu.vector_load %arg9[%get3A_165, %get3A_166] {strides = array<i32>} : memref<8x16xi32, #tpu.memory_space<vmem>>, vector<1x16xi32>,
      %get3A_168 = vector.shape_cast %get3A_167 : vector<1x16xi32> to vector<16xi32>
      %jit3A_169 = arith.constant 0 : i32
      %broadcast_in_dim3A_170 = vector.broadcast %jit3A_169 : i32 to vector<16xi32>
      %select_n3A_171 = arith.select %eq3A_163, %get3A_168, %broadcast_in_dim3A_170 : vector<16xi1>, vector<16xi32>
      %add3A_172 = arith.addi %add3A_160, %select_n3A_171 : vector<16xi32>
      %eq3A_173 = arith.constant 6 : i32
      %eq3A_174 = vector.broadcast %eq3A_173 : i32 to vector<16xi32>
      %eq3A_175 = arith.cmpi eq, %get3A_110, %eq3A_174 : vector<16xi32>
      %get3A_176 = arith.constant 6 : i32
      %get3A_177 = arith.index_cast %get3A_176 : i32 to index
      %get3A_178 = arith.constant 0 : index
      %get3A_179 = tpu.vector_load %arg9[%get3A_177, %get3A_178] {strides = array<i32>} : memref<8x16xi32, #tpu.memory_space<vmem>>, vector<1x16xi32>,
      %get3A_180 = vector.shape_cast %get3A_179 : vector<1x16xi32> to vector<16xi32>
      %jit3A_181 = arith.constant 0 : i32
      %broadcast_in_dim3A_182 = vector.broadcast %jit3A_181 : i32 to vector<16xi32>
      %select_n3A_183 = arith.select %eq3A_175, %get3A_180, %broadcast_in_dim3A_182 : vector<16xi1>, vector<16xi32>
      %add3A_184 = arith.addi %add3A_172, %select_n3A_183 : vector<16xi32>
      %eq3A_185 = arith.constant 7 : i32
      %eq3A_186 = vector.broadcast %eq3A_185 : i32 to vector<16xi32>
      %eq3A_187 = arith.cmpi eq, %get3A_110, %eq3A_186 : vector<16xi32>
      %get3A_188 = arith.constant 7 : i32
      %get3A_189 = arith.index_cast %get3A_188 : i32 to index
      %get3A_190 = arith.constant 0 : index
      %get3A_191 = tpu.vector_load %arg9[%get3A_189, %get3A_190] {strides = array<i32>} : memref<8x16xi32, #tpu.memory_space<vmem>>, vector<1x16xi32>,
      %get3A_192 = vector.shape_cast %get3A_191 : vector<1x16xi32> to vector<16xi32>
      %jit3A_193 = arith.constant 0 : i32
      %broadcast_in_dim3A_194 = vector.broadcast %jit3A_193 : i32 to vector<16xi32>
      %select_n3A_195 = arith.select %eq3A_187, %get3A_192, %broadcast_in_dim3A_194 : vector<16xi1>, vector<16xi32>
      %add3A_196 = arith.addi %add3A_184, %select_n3A_195 : vector<16xi32>
      %get3A_197 = arith.index_cast %mul3A_12 : i32 to index
      %get3A_198 = tpu.vector_load %arg13[%get3A_197] {strides = array<i32>} : memref<256xi32, #tpu.memory_space<vmem>>, vector<16xi32>,
      %get3A_199 = vector.shape_cast %get3A_198 : vector<16xi32> to vector<16xi32>
      %add3A_200 = arith.addi %add3A_196, %get3A_199 : vector<16xi32>
      %dma_start3A_201 = arith.constant 0 : i32
      %dma_start3A_202 = arith.constant 0 : i32
      %dma_start3A_203 = tpu.memref_slice %arg8[%dma_start3A_201, %dma_start3A_202] : memref<18432x2048xf32, #tpu.memory_space<hbm>> -> memref<18432x2048xf32, #tpu.memory_space<hbm>>
      tpu.enqueue_indirect_dma source(%arg14 : memref<16x2048xf32, #tpu.memory_space<vmem>>) target(%dma_start3A_203 : memref<18432x2048xf32, #tpu.memory_space<hbm>>) offsets(%add3A_107 : vector<16xi32>) semaphore(%arg16 : memref<!tpu.dma_semaphore, #tpu.memory_space<semaphore_mem>>)
      %dma_start3A_204 = arith.constant 0 : i32
      %dma_start3A_205 = arith.constant 0 : i32
      %dma_start3A_206 = tpu.memref_slice %arg8[%dma_start3A_204, %dma_start3A_205] : memref<18432x2048xf32, #tpu.memory_space<hbm>> -> memref<18432x2048xf32, #tpu.memory_space<hbm>>
      tpu.enqueue_indirect_dma source(%arg14 : memref<16x2048xf32, #tpu.memory_space<vmem>>) target(%dma_start3A_206 : memref<18432x2048xf32, #tpu.memory_space<hbm>>) offsets(%add3A_200 : vector<16xi32>) semaphore(%arg17 : memref<!tpu.dma_semaphore, #tpu.memory_space<semaphore_mem>>)
      %dma_wait3A_207 = arith.constant 0 : i32
      %dma_wait3A_208 = arith.constant 0 : i32
      %dma_wait3A_209 = tpu.memref_slice %arg8[%dma_wait3A_207, %dma_wait3A_208] : memref<18432x2048xf32, #tpu.memory_space<hbm>> -> memref<18432x2048xf32, #tpu.memory_space<hbm>>
      tpu.wait_indirect_dma semaphore(%arg16 : memref<!tpu.dma_semaphore, #tpu.memory_space<semaphore_mem>>) src(%arg14 : memref<16x2048xf32, #tpu.memory_space<vmem>>) dst(%dma_wait3A_209 : memref<18432x2048xf32, #tpu.memory_space<hbm>>)
      %dma_wait3A_210 = arith.constant 0 : i32
      %dma_wait3A_211 = arith.constant 0 : i32
      %dma_wait3A_212 = tpu.memref_slice %arg8[%dma_wait3A_210, %dma_wait3A_211] : memref<18432x2048xf32, #tpu.memory_space<hbm>> -> memref<18432x2048xf32, #tpu.memory_space<hbm>>
      tpu.wait_indirect_dma semaphore(%arg17 : memref<!tpu.dma_semaphore, #tpu.memory_space<semaphore_mem>>) src(%arg14 : memref<16x2048xf32, #tpu.memory_space<vmem>>) dst(%dma_wait3A_212 : memref<18432x2048xf32, #tpu.memory_space<hbm>>)
      %scan3A_213 = arith.constant 0 : i32
      scf.yield %scan3A_213 : i32
    }
    %scan3A_8 = arith.constant 16 : i32
    return
  }
}

#map = affine_map<(d0, d1) -> (0, 0)>
#map1 = affine_map<(d0, d1) -> (0)>
module attributes {stable_mosaic.version = 14 : i64} {
  func.func @_combine_body(%arg0: i32, %arg1: i32, %arg2: memref<18432x2048xf32, #tpu.memory_space<hbm>>, %arg3: memref<8192xi32, #tpu.memory_space<hbm>>, %arg4: memref<8192xi32, #tpu.memory_space<hbm>>, %arg5: memref<8192xi32, #tpu.memory_space<hbm>>, %arg6: memref<8192xi32, #tpu.memory_space<hbm>>, %arg7: memref<8192x16xf32, #tpu.memory_space<hbm>>, %arg8: memref<8192x16xf32, #tpu.memory_space<hbm>>, %arg9: memref<128x16xi32, #tpu.memory_space<hbm>>, %arg10: memref<8192x2048xf32, #tpu.memory_space<hbm>>, %arg11: memref<8x16xi32, #tpu.memory_space<vmem>>, %arg12: memref<256xi32, #tpu.memory_space<vmem>>, %arg13: memref<256xi32, #tpu.memory_space<vmem>>, %arg14: memref<256xi32, #tpu.memory_space<vmem>>, %arg15: memref<256xi32, #tpu.memory_space<vmem>>, %arg16: memref<16x16xf32, #tpu.memory_space<vmem>>, %arg17: memref<16x16xf32, #tpu.memory_space<vmem>>, %arg18: memref<16x2048xf32, #tpu.memory_space<vmem>>, %arg19: memref<16x2048xf32, #tpu.memory_space<vmem>>, %arg20: memref<!tpu.dma_semaphore, #tpu.memory_space<semaphore_mem>>) attributes {dimension_semantics = [#tpu.dimension_semantics<core_parallel>, #tpu.dimension_semantics<subcore_parallel>], iteration_bounds = array<i64: 2, 16>, scalar_prefetch = 0 : i64, scratch_operands = 10 : i64, tpu.core_type = #tpu.core_type<sc_vector_subcore>, window_params = [{transform_indices = #map}, {transform_indices = #map1}, {transform_indices = #map1}, {transform_indices = #map1}, {transform_indices = #map1}, {transform_indices = #map}, {transform_indices = #map}, {transform_indices = #map}, {transform_indices = #map}]} {
    %mul3A = arith.constant 2 : i32
    %mul3A_0 = arith.muli %arg1, %mul3A : i32
    %add3A = arith.addi %mul3A_0, %arg0 : i32
    %mul3A_1 = arith.constant 256 : i32
    %mul3A_2 = arith.muli %add3A, %mul3A_1 : i32
    "tpu.region"() ({
      %run_scoped3A = tpu.sem_alloc : memref<!tpu.dma_semaphore, #tpu.memory_space<semaphore_mem>>
      %dma_start3A = arith.constant 0 : i32
      %dma_start3A_9 = arith.constant 0 : i32
      %dma_start3A_10 = tpu.memref_slice %arg9[%dma_start3A, %dma_start3A_9] : memref<128x16xi32, #tpu.memory_space<hbm>> -> memref<8x16xi32, #tpu.memory_space<hbm>>
      %dma_start3A_11 = arith.constant 0 : i32
      %dma_start3A_12 = arith.constant 0 : i32
      %dma_start3A_13 = tpu.memref_slice %arg9[%dma_start3A_11, %dma_start3A_12] : memref<128x16xi32, #tpu.memory_space<hbm>> -> memref<8x16xi32, #tpu.memory_space<hbm>>
      tpu.enqueue_dma source(%dma_start3A_13 : memref<8x16xi32, #tpu.memory_space<hbm>>) target(%arg11 : memref<8x16xi32, #tpu.memory_space<vmem>>) target_semaphore(%run_scoped3A : memref<!tpu.dma_semaphore, #tpu.memory_space<semaphore_mem>>)
      %dma_wait3A = arith.constant 0 : i32
      %dma_wait3A_14 = arith.constant 0 : i32
      %dma_wait3A_15 = tpu.memref_slice %arg9[%dma_wait3A, %dma_wait3A_14] : memref<128x16xi32, #tpu.memory_space<hbm>> -> memref<8x16xi32, #tpu.memory_space<hbm>>
      %dma_wait3A_16 = arith.constant 0 : i32
      %dma_wait3A_17 = arith.constant 0 : i32
      %dma_wait3A_18 = tpu.memref_slice %arg9[%dma_wait3A_16, %dma_wait3A_17] : memref<128x16xi32, #tpu.memory_space<hbm>> -> memref<8x16xi32, #tpu.memory_space<hbm>>
      tpu.wait_dma2 semaphore(%run_scoped3A : memref<!tpu.dma_semaphore, #tpu.memory_space<semaphore_mem>>) src(%dma_wait3A_18 : memref<8x16xi32, #tpu.memory_space<hbm>>) dst(%arg11 : memref<8x16xi32, #tpu.memory_space<vmem>>)
      tpu.yield
    }) : () -> ()
    "tpu.region"() ({
      %run_scoped3A = tpu.sem_alloc : memref<!tpu.dma_semaphore, #tpu.memory_space<semaphore_mem>>
      %dma_start3A = tpu.memref_slice %arg3[%mul3A_2] : memref<8192xi32, #tpu.memory_space<hbm>> -> memref<256xi32, #tpu.memory_space<hbm>>
      %dma_start3A_9 = tpu.memref_slice %arg3[%mul3A_2] : memref<8192xi32, #tpu.memory_space<hbm>> -> memref<256xi32, #tpu.memory_space<hbm>>
      tpu.enqueue_dma source(%dma_start3A_9 : memref<256xi32, #tpu.memory_space<hbm>>) target(%arg12 : memref<256xi32, #tpu.memory_space<vmem>>) target_semaphore(%run_scoped3A : memref<!tpu.dma_semaphore, #tpu.memory_space<semaphore_mem>>)
      %dma_wait3A = tpu.memref_slice %arg3[%mul3A_2] : memref<8192xi32, #tpu.memory_space<hbm>> -> memref<256xi32, #tpu.memory_space<hbm>>
      %dma_wait3A_10 = tpu.memref_slice %arg3[%mul3A_2] : memref<8192xi32, #tpu.memory_space<hbm>> -> memref<256xi32, #tpu.memory_space<hbm>>
      tpu.wait_dma2 semaphore(%run_scoped3A : memref<!tpu.dma_semaphore, #tpu.memory_space<semaphore_mem>>) src(%dma_wait3A_10 : memref<256xi32, #tpu.memory_space<hbm>>) dst(%arg12 : memref<256xi32, #tpu.memory_space<vmem>>)
      tpu.yield
    }) : () -> ()
    "tpu.region"() ({
      %run_scoped3A = tpu.sem_alloc : memref<!tpu.dma_semaphore, #tpu.memory_space<semaphore_mem>>
      %dma_start3A = tpu.memref_slice %arg4[%mul3A_2] : memref<8192xi32, #tpu.memory_space<hbm>> -> memref<256xi32, #tpu.memory_space<hbm>>
      %dma_start3A_9 = tpu.memref_slice %arg4[%mul3A_2] : memref<8192xi32, #tpu.memory_space<hbm>> -> memref<256xi32, #tpu.memory_space<hbm>>
      tpu.enqueue_dma source(%dma_start3A_9 : memref<256xi32, #tpu.memory_space<hbm>>) target(%arg13 : memref<256xi32, #tpu.memory_space<vmem>>) target_semaphore(%run_scoped3A : memref<!tpu.dma_semaphore, #tpu.memory_space<semaphore_mem>>)
      %dma_wait3A = tpu.memref_slice %arg4[%mul3A_2] : memref<8192xi32, #tpu.memory_space<hbm>> -> memref<256xi32, #tpu.memory_space<hbm>>
      %dma_wait3A_10 = tpu.memref_slice %arg4[%mul3A_2] : memref<8192xi32, #tpu.memory_space<hbm>> -> memref<256xi32, #tpu.memory_space<hbm>>
      tpu.wait_dma2 semaphore(%run_scoped3A : memref<!tpu.dma_semaphore, #tpu.memory_space<semaphore_mem>>) src(%dma_wait3A_10 : memref<256xi32, #tpu.memory_space<hbm>>) dst(%arg13 : memref<256xi32, #tpu.memory_space<vmem>>)
      tpu.yield
    }) : () -> ()
    "tpu.region"() ({
      %run_scoped3A = tpu.sem_alloc : memref<!tpu.dma_semaphore, #tpu.memory_space<semaphore_mem>>
      %dma_start3A = tpu.memref_slice %arg5[%mul3A_2] : memref<8192xi32, #tpu.memory_space<hbm>> -> memref<256xi32, #tpu.memory_space<hbm>>
      %dma_start3A_9 = tpu.memref_slice %arg5[%mul3A_2] : memref<8192xi32, #tpu.memory_space<hbm>> -> memref<256xi32, #tpu.memory_space<hbm>>
      tpu.enqueue_dma source(%dma_start3A_9 : memref<256xi32, #tpu.memory_space<hbm>>) target(%arg14 : memref<256xi32, #tpu.memory_space<vmem>>) target_semaphore(%run_scoped3A : memref<!tpu.dma_semaphore, #tpu.memory_space<semaphore_mem>>)
      %dma_wait3A = tpu.memref_slice %arg5[%mul3A_2] : memref<8192xi32, #tpu.memory_space<hbm>> -> memref<256xi32, #tpu.memory_space<hbm>>
      %dma_wait3A_10 = tpu.memref_slice %arg5[%mul3A_2] : memref<8192xi32, #tpu.memory_space<hbm>> -> memref<256xi32, #tpu.memory_space<hbm>>
      tpu.wait_dma2 semaphore(%run_scoped3A : memref<!tpu.dma_semaphore, #tpu.memory_space<semaphore_mem>>) src(%dma_wait3A_10 : memref<256xi32, #tpu.memory_space<hbm>>) dst(%arg14 : memref<256xi32, #tpu.memory_space<vmem>>)
      tpu.yield
    }) : () -> ()
    "tpu.region"() ({
      %run_scoped3A = tpu.sem_alloc : memref<!tpu.dma_semaphore, #tpu.memory_space<semaphore_mem>>
      %dma_start3A = tpu.memref_slice %arg6[%mul3A_2] : memref<8192xi32, #tpu.memory_space<hbm>> -> memref<256xi32, #tpu.memory_space<hbm>>
      %dma_start3A_9 = tpu.memref_slice %arg6[%mul3A_2] : memref<8192xi32, #tpu.memory_space<hbm>> -> memref<256xi32, #tpu.memory_space<hbm>>
      tpu.enqueue_dma source(%dma_start3A_9 : memref<256xi32, #tpu.memory_space<hbm>>) target(%arg15 : memref<256xi32, #tpu.memory_space<vmem>>) target_semaphore(%run_scoped3A : memref<!tpu.dma_semaphore, #tpu.memory_space<semaphore_mem>>)
      %dma_wait3A = tpu.memref_slice %arg6[%mul3A_2] : memref<8192xi32, #tpu.memory_space<hbm>> -> memref<256xi32, #tpu.memory_space<hbm>>
      %dma_wait3A_10 = tpu.memref_slice %arg6[%mul3A_2] : memref<8192xi32, #tpu.memory_space<hbm>> -> memref<256xi32, #tpu.memory_space<hbm>>
      tpu.wait_dma2 semaphore(%run_scoped3A : memref<!tpu.dma_semaphore, #tpu.memory_space<semaphore_mem>>) src(%dma_wait3A_10 : memref<256xi32, #tpu.memory_space<hbm>>) dst(%arg15 : memref<256xi32, #tpu.memory_space<vmem>>)
      tpu.yield
    }) : () -> ()
    %scan3A = arith.constant 0 : i32
    %scan3A_3 = arith.constant 0 : i32
    %scan3A_4 = arith.constant 16 : i32
    %scan3A_5 = arith.addi %scan3A_3, %scan3A_4 : i32
    %scan3A_6 = arith.constant 1 : i32
    %scan3A_7 = scf.for %scan3A_9 = %scan3A_3 to %scan3A_5 step %scan3A_6 iter_args(%scan3A_10 = %scan3A) -> (i32)  : i32 {
      %mul3A_11 = arith.constant 16 : i32
      %mul3A_12 = arith.muli %scan3A_9, %mul3A_11 : i32
      %add3A_13 = arith.addi %mul3A_2, %mul3A_12 : i32
      "tpu.region"() ({
        %run_scoped3A = tpu.sem_alloc : memref<!tpu.dma_semaphore, #tpu.memory_space<semaphore_mem>>
        %dma_start3A_375 = arith.constant 0 : i32
        %dma_start3A_376 = tpu.memref_slice %arg7[%add3A_13, %dma_start3A_375] : memref<8192x16xf32, #tpu.memory_space<hbm>> -> memref<16x16xf32, #tpu.memory_space<hbm>>
        %dma_start3A_377 = arith.constant 0 : i32
        %dma_start3A_378 = tpu.memref_slice %arg7[%add3A_13, %dma_start3A_377] : memref<8192x16xf32, #tpu.memory_space<hbm>> -> memref<16x16xf32, #tpu.memory_space<hbm>>
        tpu.enqueue_dma source(%dma_start3A_378 : memref<16x16xf32, #tpu.memory_space<hbm>>) target(%arg16 : memref<16x16xf32, #tpu.memory_space<vmem>>) target_semaphore(%run_scoped3A : memref<!tpu.dma_semaphore, #tpu.memory_space<semaphore_mem>>)
        %dma_wait3A_379 = arith.constant 0 : i32
        %dma_wait3A_380 = tpu.memref_slice %arg7[%add3A_13, %dma_wait3A_379] : memref<8192x16xf32, #tpu.memory_space<hbm>> -> memref<16x16xf32, #tpu.memory_space<hbm>>
        %dma_wait3A_381 = arith.constant 0 : i32
        %dma_wait3A_382 = tpu.memref_slice %arg7[%add3A_13, %dma_wait3A_381] : memref<8192x16xf32, #tpu.memory_space<hbm>> -> memref<16x16xf32, #tpu.memory_space<hbm>>
        tpu.wait_dma2 semaphore(%run_scoped3A : memref<!tpu.dma_semaphore, #tpu.memory_space<semaphore_mem>>) src(%dma_wait3A_382 : memref<16x16xf32, #tpu.memory_space<hbm>>) dst(%arg16 : memref<16x16xf32, #tpu.memory_space<vmem>>)
        tpu.yield
      }) : () -> ()
      %add3A_14 = arith.addi %mul3A_2, %mul3A_12 : i32
      "tpu.region"() ({
        %run_scoped3A = tpu.sem_alloc : memref<!tpu.dma_semaphore, #tpu.memory_space<semaphore_mem>>
        %dma_start3A_375 = arith.constant 0 : i32
        %dma_start3A_376 = tpu.memref_slice %arg8[%add3A_14, %dma_start3A_375] : memref<8192x16xf32, #tpu.memory_space<hbm>> -> memref<16x16xf32, #tpu.memory_space<hbm>>
        %dma_start3A_377 = arith.constant 0 : i32
        %dma_start3A_378 = tpu.memref_slice %arg8[%add3A_14, %dma_start3A_377] : memref<8192x16xf32, #tpu.memory_space<hbm>> -> memref<16x16xf32, #tpu.memory_space<hbm>>
        tpu.enqueue_dma source(%dma_start3A_378 : memref<16x16xf32, #tpu.memory_space<hbm>>) target(%arg17 : memref<16x16xf32, #tpu.memory_space<vmem>>) target_semaphore(%run_scoped3A : memref<!tpu.dma_semaphore, #tpu.memory_space<semaphore_mem>>)
        %dma_wait3A_379 = arith.constant 0 : i32
        %dma_wait3A_380 = tpu.memref_slice %arg8[%add3A_14, %dma_wait3A_379] : memref<8192x16xf32, #tpu.memory_space<hbm>> -> memref<16x16xf32, #tpu.memory_space<hbm>>
        %dma_wait3A_381 = arith.constant 0 : i32
        %dma_wait3A_382 = tpu.memref_slice %arg8[%add3A_14, %dma_wait3A_381] : memref<8192x16xf32, #tpu.memory_space<hbm>> -> memref<16x16xf32, #tpu.memory_space<hbm>>
        tpu.wait_dma2 semaphore(%run_scoped3A : memref<!tpu.dma_semaphore, #tpu.memory_space<semaphore_mem>>) src(%dma_wait3A_382 : memref<16x16xf32, #tpu.memory_space<hbm>>) dst(%arg17 : memref<16x16xf32, #tpu.memory_space<vmem>>)
        tpu.yield
      }) : () -> ()
      %get3A = arith.index_cast %mul3A_12 : i32 to index
      %get3A_15 = tpu.vector_load %arg12[%get3A] {strides = array<i32>} : memref<256xi32, #tpu.memory_space<vmem>>, vector<16xi32>,
      %get3A_16 = vector.shape_cast %get3A_15 : vector<16xi32> to vector<16xi32>
      %broadcast_in_dim3A = arith.constant 0 : i32
      %broadcast_in_dim3A_17 = vector.broadcast %broadcast_in_dim3A : i32 to vector<16xi32>
      %eq3A = arith.constant 1 : i32
      %eq3A_18 = vector.broadcast %eq3A : i32 to vector<16xi32>
      %eq3A_19 = arith.cmpi eq, %get3A_16, %eq3A_18 : vector<16xi32>
      %get3A_20 = arith.constant 1 : i32
      %get3A_21 = arith.index_cast %get3A_20 : i32 to index
      %get3A_22 = arith.constant 0 : index
      %get3A_23 = tpu.vector_load %arg11[%get3A_21, %get3A_22] {strides = array<i32>} : memref<8x16xi32, #tpu.memory_space<vmem>>, vector<1x16xi32>,
      %get3A_24 = vector.shape_cast %get3A_23 : vector<1x16xi32> to vector<16xi32>
      %jit3A = arith.constant 0 : i32
      %broadcast_in_dim3A_25 = vector.broadcast %jit3A : i32 to vector<16xi32>
      %select_n3A = arith.select %eq3A_19, %get3A_24, %broadcast_in_dim3A_25 : vector<16xi1>, vector<16xi32>
      %add3A_26 = arith.addi %broadcast_in_dim3A_17, %select_n3A : vector<16xi32>
      %eq3A_27 = arith.constant 2 : i32
      %eq3A_28 = vector.broadcast %eq3A_27 : i32 to vector<16xi32>
      %eq3A_29 = arith.cmpi eq, %get3A_16, %eq3A_28 : vector<16xi32>
      %get3A_30 = arith.constant 2 : i32
      %get3A_31 = arith.index_cast %get3A_30 : i32 to index
      %get3A_32 = arith.constant 0 : index
      %get3A_33 = tpu.vector_load %arg11[%get3A_31, %get3A_32] {strides = array<i32>} : memref<8x16xi32, #tpu.memory_space<vmem>>, vector<1x16xi32>,
      %get3A_34 = vector.shape_cast %get3A_33 : vector<1x16xi32> to vector<16xi32>
      %jit3A_35 = arith.constant 0 : i32
      %broadcast_in_dim3A_36 = vector.broadcast %jit3A_35 : i32 to vector<16xi32>
      %select_n3A_37 = arith.select %eq3A_29, %get3A_34, %broadcast_in_dim3A_36 : vector<16xi1>, vector<16xi32>
      %add3A_38 = arith.addi %add3A_26, %select_n3A_37 : vector<16xi32>
      %eq3A_39 = arith.constant 3 : i32
      %eq3A_40 = vector.broadcast %eq3A_39 : i32 to vector<16xi32>
      %eq3A_41 = arith.cmpi eq, %get3A_16, %eq3A_40 : vector<16xi32>
      %get3A_42 = arith.constant 3 : i32
      %get3A_43 = arith.index_cast %get3A_42 : i32 to index
      %get3A_44 = arith.constant 0 : index
      %get3A_45 = tpu.vector_load %arg11[%get3A_43, %get3A_44] {strides = array<i32>} : memref<8x16xi32, #tpu.memory_space<vmem>>, vector<1x16xi32>,
      %get3A_46 = vector.shape_cast %get3A_45 : vector<1x16xi32> to vector<16xi32>
      %jit3A_47 = arith.constant 0 : i32
      %broadcast_in_dim3A_48 = vector.broadcast %jit3A_47 : i32 to vector<16xi32>
      %select_n3A_49 = arith.select %eq3A_41, %get3A_46, %broadcast_in_dim3A_48 : vector<16xi1>, vector<16xi32>
      %add3A_50 = arith.addi %add3A_38, %select_n3A_49 : vector<16xi32>
      %eq3A_51 = arith.constant 4 : i32
      %eq3A_52 = vector.broadcast %eq3A_51 : i32 to vector<16xi32>
      %eq3A_53 = arith.cmpi eq, %get3A_16, %eq3A_52 : vector<16xi32>
      %get3A_54 = arith.constant 4 : i32
      %get3A_55 = arith.index_cast %get3A_54 : i32 to index
      %get3A_56 = arith.constant 0 : index
      %get3A_57 = tpu.vector_load %arg11[%get3A_55, %get3A_56] {strides = array<i32>} : memref<8x16xi32, #tpu.memory_space<vmem>>, vector<1x16xi32>,
      %get3A_58 = vector.shape_cast %get3A_57 : vector<1x16xi32> to vector<16xi32>
      %jit3A_59 = arith.constant 0 : i32
      %broadcast_in_dim3A_60 = vector.broadcast %jit3A_59 : i32 to vector<16xi32>
      %select_n3A_61 = arith.select %eq3A_53, %get3A_58, %broadcast_in_dim3A_60 : vector<16xi1>, vector<16xi32>
      %add3A_62 = arith.addi %add3A_50, %select_n3A_61 : vector<16xi32>
      %eq3A_63 = arith.constant 5 : i32
      %eq3A_64 = vector.broadcast %eq3A_63 : i32 to vector<16xi32>
      %eq3A_65 = arith.cmpi eq, %get3A_16, %eq3A_64 : vector<16xi32>
      %get3A_66 = arith.constant 5 : i32
      %get3A_67 = arith.index_cast %get3A_66 : i32 to index
      %get3A_68 = arith.constant 0 : index
      %get3A_69 = tpu.vector_load %arg11[%get3A_67, %get3A_68] {strides = array<i32>} : memref<8x16xi32, #tpu.memory_space<vmem>>, vector<1x16xi32>,
      %get3A_70 = vector.shape_cast %get3A_69 : vector<1x16xi32> to vector<16xi32>
      %jit3A_71 = arith.constant 0 : i32
      %broadcast_in_dim3A_72 = vector.broadcast %jit3A_71 : i32 to vector<16xi32>
      %select_n3A_73 = arith.select %eq3A_65, %get3A_70, %broadcast_in_dim3A_72 : vector<16xi1>, vector<16xi32>
      %add3A_74 = arith.addi %add3A_62, %select_n3A_73 : vector<16xi32>
      %eq3A_75 = arith.constant 6 : i32
      %eq3A_76 = vector.broadcast %eq3A_75 : i32 to vector<16xi32>
      %eq3A_77 = arith.cmpi eq, %get3A_16, %eq3A_76 : vector<16xi32>
      %get3A_78 = arith.constant 6 : i32
      %get3A_79 = arith.index_cast %get3A_78 : i32 to index
      %get3A_80 = arith.constant 0 : index
      %get3A_81 = tpu.vector_load %arg11[%get3A_79, %get3A_80] {strides = array<i32>} : memref<8x16xi32, #tpu.memory_space<vmem>>, vector<1x16xi32>,
      %get3A_82 = vector.shape_cast %get3A_81 : vector<1x16xi32> to vector<16xi32>
      %jit3A_83 = arith.constant 0 : i32
      %broadcast_in_dim3A_84 = vector.broadcast %jit3A_83 : i32 to vector<16xi32>
      %select_n3A_85 = arith.select %eq3A_77, %get3A_82, %broadcast_in_dim3A_84 : vector<16xi1>, vector<16xi32>
      %add3A_86 = arith.addi %add3A_74, %select_n3A_85 : vector<16xi32>
      %eq3A_87 = arith.constant 7 : i32
      %eq3A_88 = vector.broadcast %eq3A_87 : i32 to vector<16xi32>
      %eq3A_89 = arith.cmpi eq, %get3A_16, %eq3A_88 : vector<16xi32>
      %get3A_90 = arith.constant 7 : i32
      %get3A_91 = arith.index_cast %get3A_90 : i32 to index
      %get3A_92 = arith.constant 0 : index
      %get3A_93 = tpu.vector_load %arg11[%get3A_91, %get3A_92] {strides = array<i32>} : memref<8x16xi32, #tpu.memory_space<vmem>>, vector<1x16xi32>,
      %get3A_94 = vector.shape_cast %get3A_93 : vector<1x16xi32> to vector<16xi32>
      %jit3A_95 = arith.constant 0 : i32
      %broadcast_in_dim3A_96 = vector.broadcast %jit3A_95 : i32 to vector<16xi32>
      %select_n3A_97 = arith.select %eq3A_89, %get3A_94, %broadcast_in_dim3A_96 : vector<16xi1>, vector<16xi32>
      %add3A_98 = arith.addi %add3A_86, %select_n3A_97 : vector<16xi32>
      %get3A_99 = arith.index_cast %mul3A_12 : i32 to index
      %get3A_100 = tpu.vector_load %arg14[%get3A_99] {strides = array<i32>} : memref<256xi32, #tpu.memory_space<vmem>>, vector<16xi32>,
      %get3A_101 = vector.shape_cast %get3A_100 : vector<16xi32> to vector<16xi32>
      %add3A_102 = arith.addi %add3A_98, %get3A_101 : vector<16xi32>
      %get3A_103 = arith.index_cast %mul3A_12 : i32 to index
      %get3A_104 = tpu.vector_load %arg13[%get3A_103] {strides = array<i32>} : memref<256xi32, #tpu.memory_space<vmem>>, vector<16xi32>,
      %get3A_105 = vector.shape_cast %get3A_104 : vector<16xi32> to vector<16xi32>
      %broadcast_in_dim3A_106 = arith.constant 0 : i32
      %broadcast_in_dim3A_107 = vector.broadcast %broadcast_in_dim3A_106 : i32 to vector<16xi32>
      %eq3A_108 = arith.constant 1 : i32
      %eq3A_109 = vector.broadcast %eq3A_108 : i32 to vector<16xi32>
      %eq3A_110 = arith.cmpi eq, %get3A_105, %eq3A_109 : vector<16xi32>
      %get3A_111 = arith.constant 1 : i32
      %get3A_112 = arith.index_cast %get3A_111 : i32 to index
      %get3A_113 = arith.constant 0 : index
      %get3A_114 = tpu.vector_load %arg11[%get3A_112, %get3A_113] {strides = array<i32>} : memref<8x16xi32, #tpu.memory_space<vmem>>, vector<1x16xi32>,
      %get3A_115 = vector.shape_cast %get3A_114 : vector<1x16xi32> to vector<16xi32>
      %jit3A_116 = arith.constant 0 : i32
      %broadcast_in_dim3A_117 = vector.broadcast %jit3A_116 : i32 to vector<16xi32>
      %select_n3A_118 = arith.select %eq3A_110, %get3A_115, %broadcast_in_dim3A_117 : vector<16xi1>, vector<16xi32>
      %add3A_119 = arith.addi %broadcast_in_dim3A_107, %select_n3A_118 : vector<16xi32>
      %eq3A_120 = arith.constant 2 : i32
      %eq3A_121 = vector.broadcast %eq3A_120 : i32 to vector<16xi32>
      %eq3A_122 = arith.cmpi eq, %get3A_105, %eq3A_121 : vector<16xi32>
      %get3A_123 = arith.constant 2 : i32
      %get3A_124 = arith.index_cast %get3A_123 : i32 to index
      %get3A_125 = arith.constant 0 : index
      %get3A_126 = tpu.vector_load %arg11[%get3A_124, %get3A_125] {strides = array<i32>} : memref<8x16xi32, #tpu.memory_space<vmem>>, vector<1x16xi32>,
      %get3A_127 = vector.shape_cast %get3A_126 : vector<1x16xi32> to vector<16xi32>
      %jit3A_128 = arith.constant 0 : i32
      %broadcast_in_dim3A_129 = vector.broadcast %jit3A_128 : i32 to vector<16xi32>
      %select_n3A_130 = arith.select %eq3A_122, %get3A_127, %broadcast_in_dim3A_129 : vector<16xi1>, vector<16xi32>
      %add3A_131 = arith.addi %add3A_119, %select_n3A_130 : vector<16xi32>
      %eq3A_132 = arith.constant 3 : i32
      %eq3A_133 = vector.broadcast %eq3A_132 : i32 to vector<16xi32>
      %eq3A_134 = arith.cmpi eq, %get3A_105, %eq3A_133 : vector<16xi32>
      %get3A_135 = arith.constant 3 : i32
      %get3A_136 = arith.index_cast %get3A_135 : i32 to index
      %get3A_137 = arith.constant 0 : index
      %get3A_138 = tpu.vector_load %arg11[%get3A_136, %get3A_137] {strides = array<i32>} : memref<8x16xi32, #tpu.memory_space<vmem>>, vector<1x16xi32>,
      %get3A_139 = vector.shape_cast %get3A_138 : vector<1x16xi32> to vector<16xi32>
      %jit3A_140 = arith.constant 0 : i32
      %broadcast_in_dim3A_141 = vector.broadcast %jit3A_140 : i32 to vector<16xi32>
      %select_n3A_142 = arith.select %eq3A_134, %get3A_139, %broadcast_in_dim3A_141 : vector<16xi1>, vector<16xi32>
      %add3A_143 = arith.addi %add3A_131, %select_n3A_142 : vector<16xi32>
      %eq3A_144 = arith.constant 4 : i32
      %eq3A_145 = vector.broadcast %eq3A_144 : i32 to vector<16xi32>
      %eq3A_146 = arith.cmpi eq, %get3A_105, %eq3A_145 : vector<16xi32>
      %get3A_147 = arith.constant 4 : i32
      %get3A_148 = arith.index_cast %get3A_147 : i32 to index
      %get3A_149 = arith.constant 0 : index
      %get3A_150 = tpu.vector_load %arg11[%get3A_148, %get3A_149] {strides = array<i32>} : memref<8x16xi32, #tpu.memory_space<vmem>>, vector<1x16xi32>,
      %get3A_151 = vector.shape_cast %get3A_150 : vector<1x16xi32> to vector<16xi32>
      %jit3A_152 = arith.constant 0 : i32
      %broadcast_in_dim3A_153 = vector.broadcast %jit3A_152 : i32 to vector<16xi32>
      %select_n3A_154 = arith.select %eq3A_146, %get3A_151, %broadcast_in_dim3A_153 : vector<16xi1>, vector<16xi32>
      %add3A_155 = arith.addi %add3A_143, %select_n3A_154 : vector<16xi32>
      %eq3A_156 = arith.constant 5 : i32
      %eq3A_157 = vector.broadcast %eq3A_156 : i32 to vector<16xi32>
      %eq3A_158 = arith.cmpi eq, %get3A_105, %eq3A_157 : vector<16xi32>
      %get3A_159 = arith.constant 5 : i32
      %get3A_160 = arith.index_cast %get3A_159 : i32 to index
      %get3A_161 = arith.constant 0 : index
      %get3A_162 = tpu.vector_load %arg11[%get3A_160, %get3A_161] {strides = array<i32>} : memref<8x16xi32, #tpu.memory_space<vmem>>, vector<1x16xi32>,
      %get3A_163 = vector.shape_cast %get3A_162 : vector<1x16xi32> to vector<16xi32>
      %jit3A_164 = arith.constant 0 : i32
      %broadcast_in_dim3A_165 = vector.broadcast %jit3A_164 : i32 to vector<16xi32>
      %select_n3A_166 = arith.select %eq3A_158, %get3A_163, %broadcast_in_dim3A_165 : vector<16xi1>, vector<16xi32>
      %add3A_167 = arith.addi %add3A_155, %select_n3A_166 : vector<16xi32>
      %eq3A_168 = arith.constant 6 : i32
      %eq3A_169 = vector.broadcast %eq3A_168 : i32 to vector<16xi32>
      %eq3A_170 = arith.cmpi eq, %get3A_105, %eq3A_169 : vector<16xi32>
      %get3A_171 = arith.constant 6 : i32
      %get3A_172 = arith.index_cast %get3A_171 : i32 to index
      %get3A_173 = arith.constant 0 : index
      %get3A_174 = tpu.vector_load %arg11[%get3A_172, %get3A_173] {strides = array<i32>} : memref<8x16xi32, #tpu.memory_space<vmem>>, vector<1x16xi32>,
      %get3A_175 = vector.shape_cast %get3A_174 : vector<1x16xi32> to vector<16xi32>
      %jit3A_176 = arith.constant 0 : i32
      %broadcast_in_dim3A_177 = vector.broadcast %jit3A_176 : i32 to vector<16xi32>
      %select_n3A_178 = arith.select %eq3A_170, %get3A_175, %broadcast_in_dim3A_177 : vector<16xi1>, vector<16xi32>
      %add3A_179 = arith.addi %add3A_167, %select_n3A_178 : vector<16xi32>
      %eq3A_180 = arith.constant 7 : i32
      %eq3A_181 = vector.broadcast %eq3A_180 : i32 to vector<16xi32>
      %eq3A_182 = arith.cmpi eq, %get3A_105, %eq3A_181 : vector<16xi32>
      %get3A_183 = arith.constant 7 : i32
      %get3A_184 = arith.index_cast %get3A_183 : i32 to index
      %get3A_185 = arith.constant 0 : index
      %get3A_186 = tpu.vector_load %arg11[%get3A_184, %get3A_185] {strides = array<i32>} : memref<8x16xi32, #tpu.memory_space<vmem>>, vector<1x16xi32>,
      %get3A_187 = vector.shape_cast %get3A_186 : vector<1x16xi32> to vector<16xi32>
      %jit3A_188 = arith.constant 0 : i32
      %broadcast_in_dim3A_189 = vector.broadcast %jit3A_188 : i32 to vector<16xi32>
      %select_n3A_190 = arith.select %eq3A_182, %get3A_187, %broadcast_in_dim3A_189 : vector<16xi1>, vector<16xi32>
      %add3A_191 = arith.addi %add3A_179, %select_n3A_190 : vector<16xi32>
      %get3A_192 = arith.index_cast %mul3A_12 : i32 to index
      %get3A_193 = tpu.vector_load %arg15[%get3A_192] {strides = array<i32>} : memref<256xi32, #tpu.memory_space<vmem>>, vector<16xi32>,
      %get3A_194 = vector.shape_cast %get3A_193 : vector<16xi32> to vector<16xi32>
      %add3A_195 = arith.addi %add3A_191, %get3A_194 : vector<16xi32>
      %dma_start3A = arith.constant 0 : i32
      %dma_start3A_196 = arith.constant 0 : i32
      %dma_start3A_197 = tpu.memref_slice %arg2[%dma_start3A, %dma_start3A_196] : memref<18432x2048xf32, #tpu.memory_space<hbm>> -> memref<18432x2048xf32, #tpu.memory_space<hbm>>
      tpu.enqueue_indirect_dma source(%dma_start3A_197 : memref<18432x2048xf32, #tpu.memory_space<hbm>>) target(%arg18 : memref<16x2048xf32, #tpu.memory_space<vmem>>) offsets(%add3A_102 : vector<16xi32>) semaphore(%arg20 : memref<!tpu.dma_semaphore, #tpu.memory_space<semaphore_mem>>)
      %dma_start3A_198 = arith.constant 0 : i32
      %dma_start3A_199 = arith.constant 0 : i32
      %dma_start3A_200 = tpu.memref_slice %arg2[%dma_start3A_198, %dma_start3A_199] : memref<18432x2048xf32, #tpu.memory_space<hbm>> -> memref<18432x2048xf32, #tpu.memory_space<hbm>>
      tpu.enqueue_indirect_dma source(%dma_start3A_200 : memref<18432x2048xf32, #tpu.memory_space<hbm>>) target(%arg19 : memref<16x2048xf32, #tpu.memory_space<vmem>>) offsets(%add3A_195 : vector<16xi32>) semaphore(%arg20 : memref<!tpu.dma_semaphore, #tpu.memory_space<semaphore_mem>>)
      %dma_wait3A = arith.constant 0 : i32
      %dma_wait3A_201 = arith.constant 0 : i32
      %dma_wait3A_202 = tpu.memref_slice %arg2[%dma_wait3A, %dma_wait3A_201] : memref<18432x2048xf32, #tpu.memory_space<hbm>> -> memref<18432x2048xf32, #tpu.memory_space<hbm>>
      tpu.wait_indirect_dma semaphore(%arg20 : memref<!tpu.dma_semaphore, #tpu.memory_space<semaphore_mem>>) src(%dma_wait3A_202 : memref<18432x2048xf32, #tpu.memory_space<hbm>>) dst(%arg18 : memref<16x2048xf32, #tpu.memory_space<vmem>>)
      %dma_wait3A_203 = arith.constant 0 : i32
      %dma_wait3A_204 = arith.constant 0 : i32
      %dma_wait3A_205 = tpu.memref_slice %arg2[%dma_wait3A_203, %dma_wait3A_204] : memref<18432x2048xf32, #tpu.memory_space<hbm>> -> memref<18432x2048xf32, #tpu.memory_space<hbm>>
      tpu.wait_indirect_dma semaphore(%arg20 : memref<!tpu.dma_semaphore, #tpu.memory_space<semaphore_mem>>) src(%dma_wait3A_205 : memref<18432x2048xf32, #tpu.memory_space<hbm>>) dst(%arg19 : memref<16x2048xf32, #tpu.memory_space<vmem>>)
      %get3A_206 = arith.constant 0 : i32
      %get3A_207 = arith.index_cast %get3A_206 : i32 to index
      %get3A_208 = arith.constant 0 : index
      %get3A_209 = tpu.vector_load %arg16[%get3A_207, %get3A_208] {strides = array<i32>} : memref<16x16xf32, #tpu.memory_space<vmem>>, vector<1x16xf32>,
      %get3A_210 = vector.shape_cast %get3A_209 : vector<1x16xf32> to vector<16xf32>
      %get3A_211 = arith.constant 1 : i32
      %get3A_212 = arith.index_cast %get3A_211 : i32 to index
      %get3A_213 = arith.constant 0 : index
      %get3A_214 = tpu.vector_load %arg16[%get3A_212, %get3A_213] {strides = array<i32>} : memref<16x16xf32, #tpu.memory_space<vmem>>, vector<1x16xf32>,
      %get3A_215 = vector.shape_cast %get3A_214 : vector<1x16xf32> to vector<16xf32>
      %get3A_216 = arith.constant 2 : i32
      %get3A_217 = arith.index_cast %get3A_216 : i32 to index
      %get3A_218 = arith.constant 0 : index
      %get3A_219 = tpu.vector_load %arg16[%get3A_217, %get3A_218] {strides = array<i32>} : memref<16x16xf32, #tpu.memory_space<vmem>>, vector<1x16xf32>,
      %get3A_220 = vector.shape_cast %get3A_219 : vector<1x16xf32> to vector<16xf32>
      %get3A_221 = arith.constant 3 : i32
      %get3A_222 = arith.index_cast %get3A_221 : i32 to index
      %get3A_223 = arith.constant 0 : index
      %get3A_224 = tpu.vector_load %arg16[%get3A_222, %get3A_223] {strides = array<i32>} : memref<16x16xf32, #tpu.memory_space<vmem>>, vector<1x16xf32>,
      %get3A_225 = vector.shape_cast %get3A_224 : vector<1x16xf32> to vector<16xf32>
      %get3A_226 = arith.constant 4 : i32
      %get3A_227 = arith.index_cast %get3A_226 : i32 to index
      %get3A_228 = arith.constant 0 : index
      %get3A_229 = tpu.vector_load %arg16[%get3A_227, %get3A_228] {strides = array<i32>} : memref<16x16xf32, #tpu.memory_space<vmem>>, vector<1x16xf32>,
      %get3A_230 = vector.shape_cast %get3A_229 : vector<1x16xf32> to vector<16xf32>
      %get3A_231 = arith.constant 5 : i32
      %get3A_232 = arith.index_cast %get3A_231 : i32 to index
      %get3A_233 = arith.constant 0 : index
      %get3A_234 = tpu.vector_load %arg16[%get3A_232, %get3A_233] {strides = array<i32>} : memref<16x16xf32, #tpu.memory_space<vmem>>, vector<1x16xf32>,
      %get3A_235 = vector.shape_cast %get3A_234 : vector<1x16xf32> to vector<16xf32>
      %get3A_236 = arith.constant 6 : i32
      %get3A_237 = arith.index_cast %get3A_236 : i32 to index
      %get3A_238 = arith.constant 0 : index
      %get3A_239 = tpu.vector_load %arg16[%get3A_237, %get3A_238] {strides = array<i32>} : memref<16x16xf32, #tpu.memory_space<vmem>>, vector<1x16xf32>,
      %get3A_240 = vector.shape_cast %get3A_239 : vector<1x16xf32> to vector<16xf32>
      %get3A_241 = arith.constant 7 : i32
      %get3A_242 = arith.index_cast %get3A_241 : i32 to index
      %get3A_243 = arith.constant 0 : index
      %get3A_244 = tpu.vector_load %arg16[%get3A_242, %get3A_243] {strides = array<i32>} : memref<16x16xf32, #tpu.memory_space<vmem>>, vector<1x16xf32>,
      %get3A_245 = vector.shape_cast %get3A_244 : vector<1x16xf32> to vector<16xf32>
      %get3A_246 = arith.constant 8 : i32
      %get3A_247 = arith.index_cast %get3A_246 : i32 to index
      %get3A_248 = arith.constant 0 : index
      %get3A_249 = tpu.vector_load %arg16[%get3A_247, %get3A_248] {strides = array<i32>} : memref<16x16xf32, #tpu.memory_space<vmem>>, vector<1x16xf32>,
      %get3A_250 = vector.shape_cast %get3A_249 : vector<1x16xf32> to vector<16xf32>
      %get3A_251 = arith.constant 9 : i32
      %get3A_252 = arith.index_cast %get3A_251 : i32 to index
      %get3A_253 = arith.constant 0 : index
      %get3A_254 = tpu.vector_load %arg16[%get3A_252, %get3A_253] {strides = array<i32>} : memref<16x16xf32, #tpu.memory_space<vmem>>, vector<1x16xf32>,
      %get3A_255 = vector.shape_cast %get3A_254 : vector<1x16xf32> to vector<16xf32>
      %get3A_256 = arith.constant 10 : i32
      %get3A_257 = arith.index_cast %get3A_256 : i32 to index
      %get3A_258 = arith.constant 0 : index
      %get3A_259 = tpu.vector_load %arg16[%get3A_257, %get3A_258] {strides = array<i32>} : memref<16x16xf32, #tpu.memory_space<vmem>>, vector<1x16xf32>,
      %get3A_260 = vector.shape_cast %get3A_259 : vector<1x16xf32> to vector<16xf32>
      %get3A_261 = arith.constant 11 : i32
      %get3A_262 = arith.index_cast %get3A_261 : i32 to index
      %get3A_263 = arith.constant 0 : index
      %get3A_264 = tpu.vector_load %arg16[%get3A_262, %get3A_263] {strides = array<i32>} : memref<16x16xf32, #tpu.memory_space<vmem>>, vector<1x16xf32>,
      %get3A_265 = vector.shape_cast %get3A_264 : vector<1x16xf32> to vector<16xf32>
      %get3A_266 = arith.constant 12 : i32
      %get3A_267 = arith.index_cast %get3A_266 : i32 to index
      %get3A_268 = arith.constant 0 : index
      %get3A_269 = tpu.vector_load %arg16[%get3A_267, %get3A_268] {strides = array<i32>} : memref<16x16xf32, #tpu.memory_space<vmem>>, vector<1x16xf32>,
      %get3A_270 = vector.shape_cast %get3A_269 : vector<1x16xf32> to vector<16xf32>
      %get3A_271 = arith.constant 13 : i32
      %get3A_272 = arith.index_cast %get3A_271 : i32 to index
      %get3A_273 = arith.constant 0 : index
      %get3A_274 = tpu.vector_load %arg16[%get3A_272, %get3A_273] {strides = array<i32>} : memref<16x16xf32, #tpu.memory_space<vmem>>, vector<1x16xf32>,
      %get3A_275 = vector.shape_cast %get3A_274 : vector<1x16xf32> to vector<16xf32>
      %get3A_276 = arith.constant 14 : i32
      %get3A_277 = arith.index_cast %get3A_276 : i32 to index
      %get3A_278 = arith.constant 0 : index
      %get3A_279 = tpu.vector_load %arg16[%get3A_277, %get3A_278] {strides = array<i32>} : memref<16x16xf32, #tpu.memory_space<vmem>>, vector<1x16xf32>,
      %get3A_280 = vector.shape_cast %get3A_279 : vector<1x16xf32> to vector<16xf32>
      %get3A_281 = arith.constant 15 : i32
      %get3A_282 = arith.index_cast %get3A_281 : i32 to index
      %get3A_283 = arith.constant 0 : index
      %get3A_284 = tpu.vector_load %arg16[%get3A_282, %get3A_283] {strides = array<i32>} : memref<16x16xf32, #tpu.memory_space<vmem>>, vector<1x16xf32>,
      %get3A_285 = vector.shape_cast %get3A_284 : vector<1x16xf32> to vector<16xf32>
      %get3A_286 = arith.constant 0 : i32
      %get3A_287 = arith.index_cast %get3A_286 : i32 to index
      %get3A_288 = arith.constant 0 : index
      %get3A_289 = tpu.vector_load %arg17[%get3A_287, %get3A_288] {strides = array<i32>} : memref<16x16xf32, #tpu.memory_space<vmem>>, vector<1x16xf32>,
      %get3A_290 = vector.shape_cast %get3A_289 : vector<1x16xf32> to vector<16xf32>
      %get3A_291 = arith.constant 1 : i32
      %get3A_292 = arith.index_cast %get3A_291 : i32 to index
      %get3A_293 = arith.constant 0 : index
      %get3A_294 = tpu.vector_load %arg17[%get3A_292, %get3A_293] {strides = array<i32>} : memref<16x16xf32, #tpu.memory_space<vmem>>, vector<1x16xf32>,
      %get3A_295 = vector.shape_cast %get3A_294 : vector<1x16xf32> to vector<16xf32>
      %get3A_296 = arith.constant 2 : i32
      %get3A_297 = arith.index_cast %get3A_296 : i32 to index
      %get3A_298 = arith.constant 0 : index
      %get3A_299 = tpu.vector_load %arg17[%get3A_297, %get3A_298] {strides = array<i32>} : memref<16x16xf32, #tpu.memory_space<vmem>>, vector<1x16xf32>,
      %get3A_300 = vector.shape_cast %get3A_299 : vector<1x16xf32> to vector<16xf32>
      %get3A_301 = arith.constant 3 : i32
      %get3A_302 = arith.index_cast %get3A_301 : i32 to index
      %get3A_303 = arith.constant 0 : index
      %get3A_304 = tpu.vector_load %arg17[%get3A_302, %get3A_303] {strides = array<i32>} : memref<16x16xf32, #tpu.memory_space<vmem>>, vector<1x16xf32>,
      %get3A_305 = vector.shape_cast %get3A_304 : vector<1x16xf32> to vector<16xf32>
      %get3A_306 = arith.constant 4 : i32
      %get3A_307 = arith.index_cast %get3A_306 : i32 to index
      %get3A_308 = arith.constant 0 : index
      %get3A_309 = tpu.vector_load %arg17[%get3A_307, %get3A_308] {strides = array<i32>} : memref<16x16xf32, #tpu.memory_space<vmem>>, vector<1x16xf32>,
      %get3A_310 = vector.shape_cast %get3A_309 : vector<1x16xf32> to vector<16xf32>
      %get3A_311 = arith.constant 5 : i32
      %get3A_312 = arith.index_cast %get3A_311 : i32 to index
      %get3A_313 = arith.constant 0 : index
      %get3A_314 = tpu.vector_load %arg17[%get3A_312, %get3A_313] {strides = array<i32>} : memref<16x16xf32, #tpu.memory_space<vmem>>, vector<1x16xf32>,
      %get3A_315 = vector.shape_cast %get3A_314 : vector<1x16xf32> to vector<16xf32>
      %get3A_316 = arith.constant 6 : i32
      %get3A_317 = arith.index_cast %get3A_316 : i32 to index
      %get3A_318 = arith.constant 0 : index
      %get3A_319 = tpu.vector_load %arg17[%get3A_317, %get3A_318] {strides = array<i32>} : memref<16x16xf32, #tpu.memory_space<vmem>>, vector<1x16xf32>,
      %get3A_320 = vector.shape_cast %get3A_319 : vector<1x16xf32> to vector<16xf32>
      %get3A_321 = arith.constant 7 : i32
      %get3A_322 = arith.index_cast %get3A_321 : i32 to index
      %get3A_323 = arith.constant 0 : index
      %get3A_324 = tpu.vector_load %arg17[%get3A_322, %get3A_323] {strides = array<i32>} : memref<16x16xf32, #tpu.memory_space<vmem>>, vector<1x16xf32>,
      %get3A_325 = vector.shape_cast %get3A_324 : vector<1x16xf32> to vector<16xf32>
      %get3A_326 = arith.constant 8 : i32
      %get3A_327 = arith.index_cast %get3A_326 : i32 to index
      %get3A_328 = arith.constant 0 : index
      %get3A_329 = tpu.vector_load %arg17[%get3A_327, %get3A_328] {strides = array<i32>} : memref<16x16xf32, #tpu.memory_space<vmem>>, vector<1x16xf32>,
      %get3A_330 = vector.shape_cast %get3A_329 : vector<1x16xf32> to vector<16xf32>
      %get3A_331 = arith.constant 9 : i32
      %get3A_332 = arith.index_cast %get3A_331 : i32 to index
      %get3A_333 = arith.constant 0 : index
      %get3A_334 = tpu.vector_load %arg17[%get3A_332, %get3A_333] {strides = array<i32>} : memref<16x16xf32, #tpu.memory_space<vmem>>, vector<1x16xf32>,
      %get3A_335 = vector.shape_cast %get3A_334 : vector<1x16xf32> to vector<16xf32>
      %get3A_336 = arith.constant 10 : i32
      %get3A_337 = arith.index_cast %get3A_336 : i32 to index
      %get3A_338 = arith.constant 0 : index
      %get3A_339 = tpu.vector_load %arg17[%get3A_337, %get3A_338] {strides = array<i32>} : memref<16x16xf32, #tpu.memory_space<vmem>>, vector<1x16xf32>,
      %get3A_340 = vector.shape_cast %get3A_339 : vector<1x16xf32> to vector<16xf32>
      %get3A_341 = arith.constant 11 : i32
      %get3A_342 = arith.index_cast %get3A_341 : i32 to index
      %get3A_343 = arith.constant 0 : index
      %get3A_344 = tpu.vector_load %arg17[%get3A_342, %get3A_343] {strides = array<i32>} : memref<16x16xf32, #tpu.memory_space<vmem>>, vector<1x16xf32>,
      %get3A_345 = vector.shape_cast %get3A_344 : vector<1x16xf32> to vector<16xf32>
      %get3A_346 = arith.constant 12 : i32
      %get3A_347 = arith.index_cast %get3A_346 : i32 to index
      %get3A_348 = arith.constant 0 : index
      %get3A_349 = tpu.vector_load %arg17[%get3A_347, %get3A_348] {strides = array<i32>} : memref<16x16xf32, #tpu.memory_space<vmem>>, vector<1x16xf32>,
      %get3A_350 = vector.shape_cast %get3A_349 : vector<1x16xf32> to vector<16xf32>
      %get3A_351 = arith.constant 13 : i32
      %get3A_352 = arith.index_cast %get3A_351 : i32 to index
      %get3A_353 = arith.constant 0 : index
      %get3A_354 = tpu.vector_load %arg17[%get3A_352, %get3A_353] {strides = array<i32>} : memref<16x16xf32, #tpu.memory_space<vmem>>, vector<1x16xf32>,
      %get3A_355 = vector.shape_cast %get3A_354 : vector<1x16xf32> to vector<16xf32>
      %get3A_356 = arith.constant 14 : i32
      %get3A_357 = arith.index_cast %get3A_356 : i32 to index
      %get3A_358 = arith.constant 0 : index
      %get3A_359 = tpu.vector_load %arg17[%get3A_357, %get3A_358] {strides = array<i32>} : memref<16x16xf32, #tpu.memory_space<vmem>>, vector<1x16xf32>,
      %get3A_360 = vector.shape_cast %get3A_359 : vector<1x16xf32> to vector<16xf32>
      %get3A_361 = arith.constant 15 : i32
      %get3A_362 = arith.index_cast %get3A_361 : i32 to index
      %get3A_363 = arith.constant 0 : index
      %get3A_364 = tpu.vector_load %arg17[%get3A_362, %get3A_363] {strides = array<i32>} : memref<16x16xf32, #tpu.memory_space<vmem>>, vector<1x16xf32>,
      %get3A_365 = vector.shape_cast %get3A_364 : vector<1x16xf32> to vector<16xf32>
      %scan3A_366 = arith.constant 0 : i32
      %scan3A_367 = arith.constant 0 : i32
      %scan3A_368 = arith.constant 128 : i32
      %scan3A_369 = arith.addi %scan3A_367, %scan3A_368 : i32
      %scan3A_370 = arith.constant 1 : i32
      %scan3A_371 = scf.for %scan3A_375 = %scan3A_367 to %scan3A_369 step %scan3A_370 iter_args(%scan3A_376 = %scan3A_366) -> (i32)  : i32 {
        %mul3A_377 = arith.constant 16 : i32
        %mul3A_378 = arith.muli %scan3A_375, %mul3A_377 : i32
        %get3A_379 = arith.constant 0 : i32
        %get3A_380 = arith.index_cast %get3A_379 : i32 to index
        %get3A_381 = arith.index_cast %mul3A_378 : i32 to index
        %get3A_382 = tpu.vector_load %arg18[%get3A_380, %get3A_381] {strides = array<i32>} : memref<16x2048xf32, #tpu.memory_space<vmem>>, vector<1x16xf32>,
        %get3A_383 = vector.shape_cast %get3A_382 : vector<1x16xf32> to vector<16xf32>
        %mul3A_384 = arith.mulf %get3A_210, %get3A_383 : vector<16xf32>
        %get3A_385 = arith.constant 0 : i32
        %get3A_386 = arith.index_cast %get3A_385 : i32 to index
        %get3A_387 = arith.index_cast %mul3A_378 : i32 to index
        %get3A_388 = tpu.vector_load %arg19[%get3A_386, %get3A_387] {strides = array<i32>} : memref<16x2048xf32, #tpu.memory_space<vmem>>, vector<1x16xf32>,
        %get3A_389 = vector.shape_cast %get3A_388 : vector<1x16xf32> to vector<16xf32>
        %mul3A_390 = arith.mulf %get3A_290, %get3A_389 : vector<16xf32>
        %add3A_391 = arith.addf %mul3A_384, %mul3A_390 : vector<16xf32>
        %swap3A = arith.constant 0 : i32
        %swap3A_392 = arith.index_cast %swap3A : i32 to index
        %swap3A_393 = arith.index_cast %mul3A_378 : i32 to index
        %swap3A_394 = tpu.vector_load %arg18[%swap3A_392, %swap3A_393] {strides = array<i32>} : memref<16x2048xf32, #tpu.memory_space<vmem>>, vector<1x16xf32>,
        %swap3A_395 = vector.shape_cast %swap3A_394 : vector<1x16xf32> to vector<16xf32>
        %swap3A_396 = vector.shape_cast %add3A_391 : vector<16xf32> to vector<1x16xf32>
        tpu.vector_store %arg18[%swap3A_392, %swap3A_393], %swap3A_396 {strides = array<i32>} : memref<16x2048xf32, #tpu.memory_space<vmem>>, vector<1x16xf32>,
        %get3A_397 = arith.constant 1 : i32
        %get3A_398 = arith.index_cast %get3A_397 : i32 to index
        %get3A_399 = arith.index_cast %mul3A_378 : i32 to index
        %get3A_400 = tpu.vector_load %arg18[%get3A_398, %get3A_399] {strides = array<i32>} : memref<16x2048xf32, #tpu.memory_space<vmem>>, vector<1x16xf32>,
        %get3A_401 = vector.shape_cast %get3A_400 : vector<1x16xf32> to vector<16xf32>
        %mul3A_402 = arith.mulf %get3A_215, %get3A_401 : vector<16xf32>
        %get3A_403 = arith.constant 1 : i32
        %get3A_404 = arith.index_cast %get3A_403 : i32 to index
        %get3A_405 = arith.index_cast %mul3A_378 : i32 to index
        %get3A_406 = tpu.vector_load %arg19[%get3A_404, %get3A_405] {strides = array<i32>} : memref<16x2048xf32, #tpu.memory_space<vmem>>, vector<1x16xf32>,
        %get3A_407 = vector.shape_cast %get3A_406 : vector<1x16xf32> to vector<16xf32>
        %mul3A_408 = arith.mulf %get3A_295, %get3A_407 : vector<16xf32>
        %add3A_409 = arith.addf %mul3A_402, %mul3A_408 : vector<16xf32>
        %swap3A_410 = arith.constant 1 : i32
        %swap3A_411 = arith.index_cast %swap3A_410 : i32 to index
        %swap3A_412 = arith.index_cast %mul3A_378 : i32 to index
        %swap3A_413 = tpu.vector_load %arg18[%swap3A_411, %swap3A_412] {strides = array<i32>} : memref<16x2048xf32, #tpu.memory_space<vmem>>, vector<1x16xf32>,
        %swap3A_414 = vector.shape_cast %swap3A_413 : vector<1x16xf32> to vector<16xf32>
        %swap3A_415 = vector.shape_cast %add3A_409 : vector<16xf32> to vector<1x16xf32>
        tpu.vector_store %arg18[%swap3A_411, %swap3A_412], %swap3A_415 {strides = array<i32>} : memref<16x2048xf32, #tpu.memory_space<vmem>>, vector<1x16xf32>,
        %get3A_416 = arith.constant 2 : i32
        %get3A_417 = arith.index_cast %get3A_416 : i32 to index
        %get3A_418 = arith.index_cast %mul3A_378 : i32 to index
        %get3A_419 = tpu.vector_load %arg18[%get3A_417, %get3A_418] {strides = array<i32>} : memref<16x2048xf32, #tpu.memory_space<vmem>>, vector<1x16xf32>,
        %get3A_420 = vector.shape_cast %get3A_419 : vector<1x16xf32> to vector<16xf32>
        %mul3A_421 = arith.mulf %get3A_220, %get3A_420 : vector<16xf32>
        %get3A_422 = arith.constant 2 : i32
        %get3A_423 = arith.index_cast %get3A_422 : i32 to index
        %get3A_424 = arith.index_cast %mul3A_378 : i32 to index
        %get3A_425 = tpu.vector_load %arg19[%get3A_423, %get3A_424] {strides = array<i32>} : memref<16x2048xf32, #tpu.memory_space<vmem>>, vector<1x16xf32>,
        %get3A_426 = vector.shape_cast %get3A_425 : vector<1x16xf32> to vector<16xf32>
        %mul3A_427 = arith.mulf %get3A_300, %get3A_426 : vector<16xf32>
        %add3A_428 = arith.addf %mul3A_421, %mul3A_427 : vector<16xf32>
        %swap3A_429 = arith.constant 2 : i32
        %swap3A_430 = arith.index_cast %swap3A_429 : i32 to index
        %swap3A_431 = arith.index_cast %mul3A_378 : i32 to index
        %swap3A_432 = tpu.vector_load %arg18[%swap3A_430, %swap3A_431] {strides = array<i32>} : memref<16x2048xf32, #tpu.memory_space<vmem>>, vector<1x16xf32>,
        %swap3A_433 = vector.shape_cast %swap3A_432 : vector<1x16xf32> to vector<16xf32>
        %swap3A_434 = vector.shape_cast %add3A_428 : vector<16xf32> to vector<1x16xf32>
        tpu.vector_store %arg18[%swap3A_430, %swap3A_431], %swap3A_434 {strides = array<i32>} : memref<16x2048xf32, #tpu.memory_space<vmem>>, vector<1x16xf32>,
        %get3A_435 = arith.constant 3 : i32
        %get3A_436 = arith.index_cast %get3A_435 : i32 to index
        %get3A_437 = arith.index_cast %mul3A_378 : i32 to index
        %get3A_438 = tpu.vector_load %arg18[%get3A_436, %get3A_437] {strides = array<i32>} : memref<16x2048xf32, #tpu.memory_space<vmem>>, vector<1x16xf32>,
        %get3A_439 = vector.shape_cast %get3A_438 : vector<1x16xf32> to vector<16xf32>
        %mul3A_440 = arith.mulf %get3A_225, %get3A_439 : vector<16xf32>
        %get3A_441 = arith.constant 3 : i32
        %get3A_442 = arith.index_cast %get3A_441 : i32 to index
        %get3A_443 = arith.index_cast %mul3A_378 : i32 to index
        %get3A_444 = tpu.vector_load %arg19[%get3A_442, %get3A_443] {strides = array<i32>} : memref<16x2048xf32, #tpu.memory_space<vmem>>, vector<1x16xf32>,
        %get3A_445 = vector.shape_cast %get3A_444 : vector<1x16xf32> to vector<16xf32>
        %mul3A_446 = arith.mulf %get3A_305, %get3A_445 : vector<16xf32>
        %add3A_447 = arith.addf %mul3A_440, %mul3A_446 : vector<16xf32>
        %swap3A_448 = arith.constant 3 : i32
        %swap3A_449 = arith.index_cast %swap3A_448 : i32 to index
        %swap3A_450 = arith.index_cast %mul3A_378 : i32 to index
        %swap3A_451 = tpu.vector_load %arg18[%swap3A_449, %swap3A_450] {strides = array<i32>} : memref<16x2048xf32, #tpu.memory_space<vmem>>, vector<1x16xf32>,
        %swap3A_452 = vector.shape_cast %swap3A_451 : vector<1x16xf32> to vector<16xf32>
        %swap3A_453 = vector.shape_cast %add3A_447 : vector<16xf32> to vector<1x16xf32>
        tpu.vector_store %arg18[%swap3A_449, %swap3A_450], %swap3A_453 {strides = array<i32>} : memref<16x2048xf32, #tpu.memory_space<vmem>>, vector<1x16xf32>,
        %get3A_454 = arith.constant 4 : i32
        %get3A_455 = arith.index_cast %get3A_454 : i32 to index
        %get3A_456 = arith.index_cast %mul3A_378 : i32 to index
        %get3A_457 = tpu.vector_load %arg18[%get3A_455, %get3A_456] {strides = array<i32>} : memref<16x2048xf32, #tpu.memory_space<vmem>>, vector<1x16xf32>,
        %get3A_458 = vector.shape_cast %get3A_457 : vector<1x16xf32> to vector<16xf32>
        %mul3A_459 = arith.mulf %get3A_230, %get3A_458 : vector<16xf32>
        %get3A_460 = arith.constant 4 : i32
        %get3A_461 = arith.index_cast %get3A_460 : i32 to index
        %get3A_462 = arith.index_cast %mul3A_378 : i32 to index
        %get3A_463 = tpu.vector_load %arg19[%get3A_461, %get3A_462] {strides = array<i32>} : memref<16x2048xf32, #tpu.memory_space<vmem>>, vector<1x16xf32>,
        %get3A_464 = vector.shape_cast %get3A_463 : vector<1x16xf32> to vector<16xf32>
        %mul3A_465 = arith.mulf %get3A_310, %get3A_464 : vector<16xf32>
        %add3A_466 = arith.addf %mul3A_459, %mul3A_465 : vector<16xf32>
        %swap3A_467 = arith.constant 4 : i32
        %swap3A_468 = arith.index_cast %swap3A_467 : i32 to index
        %swap3A_469 = arith.index_cast %mul3A_378 : i32 to index
        %swap3A_470 = tpu.vector_load %arg18[%swap3A_468, %swap3A_469] {strides = array<i32>} : memref<16x2048xf32, #tpu.memory_space<vmem>>, vector<1x16xf32>,
        %swap3A_471 = vector.shape_cast %swap3A_470 : vector<1x16xf32> to vector<16xf32>
        %swap3A_472 = vector.shape_cast %add3A_466 : vector<16xf32> to vector<1x16xf32>
        tpu.vector_store %arg18[%swap3A_468, %swap3A_469], %swap3A_472 {strides = array<i32>} : memref<16x2048xf32, #tpu.memory_space<vmem>>, vector<1x16xf32>,
        %get3A_473 = arith.constant 5 : i32
        %get3A_474 = arith.index_cast %get3A_473 : i32 to index
        %get3A_475 = arith.index_cast %mul3A_378 : i32 to index
        %get3A_476 = tpu.vector_load %arg18[%get3A_474, %get3A_475] {strides = array<i32>} : memref<16x2048xf32, #tpu.memory_space<vmem>>, vector<1x16xf32>,
        %get3A_477 = vector.shape_cast %get3A_476 : vector<1x16xf32> to vector<16xf32>
        %mul3A_478 = arith.mulf %get3A_235, %get3A_477 : vector<16xf32>
        %get3A_479 = arith.constant 5 : i32
        %get3A_480 = arith.index_cast %get3A_479 : i32 to index
        %get3A_481 = arith.index_cast %mul3A_378 : i32 to index
        %get3A_482 = tpu.vector_load %arg19[%get3A_480, %get3A_481] {strides = array<i32>} : memref<16x2048xf32, #tpu.memory_space<vmem>>, vector<1x16xf32>,
        %get3A_483 = vector.shape_cast %get3A_482 : vector<1x16xf32> to vector<16xf32>
        %mul3A_484 = arith.mulf %get3A_315, %get3A_483 : vector<16xf32>
        %add3A_485 = arith.addf %mul3A_478, %mul3A_484 : vector<16xf32>
        %swap3A_486 = arith.constant 5 : i32
        %swap3A_487 = arith.index_cast %swap3A_486 : i32 to index
        %swap3A_488 = arith.index_cast %mul3A_378 : i32 to index
        %swap3A_489 = tpu.vector_load %arg18[%swap3A_487, %swap3A_488] {strides = array<i32>} : memref<16x2048xf32, #tpu.memory_space<vmem>>, vector<1x16xf32>,
        %swap3A_490 = vector.shape_cast %swap3A_489 : vector<1x16xf32> to vector<16xf32>
        %swap3A_491 = vector.shape_cast %add3A_485 : vector<16xf32> to vector<1x16xf32>
        tpu.vector_store %arg18[%swap3A_487, %swap3A_488], %swap3A_491 {strides = array<i32>} : memref<16x2048xf32, #tpu.memory_space<vmem>>, vector<1x16xf32>,
        %get3A_492 = arith.constant 6 : i32
        %get3A_493 = arith.index_cast %get3A_492 : i32 to index
        %get3A_494 = arith.index_cast %mul3A_378 : i32 to index
        %get3A_495 = tpu.vector_load %arg18[%get3A_493, %get3A_494] {strides = array<i32>} : memref<16x2048xf32, #tpu.memory_space<vmem>>, vector<1x16xf32>,
        %get3A_496 = vector.shape_cast %get3A_495 : vector<1x16xf32> to vector<16xf32>
        %mul3A_497 = arith.mulf %get3A_240, %get3A_496 : vector<16xf32>
        %get3A_498 = arith.constant 6 : i32
        %get3A_499 = arith.index_cast %get3A_498 : i32 to index
        %get3A_500 = arith.index_cast %mul3A_378 : i32 to index
        %get3A_501 = tpu.vector_load %arg19[%get3A_499, %get3A_500] {strides = array<i32>} : memref<16x2048xf32, #tpu.memory_space<vmem>>, vector<1x16xf32>,
        %get3A_502 = vector.shape_cast %get3A_501 : vector<1x16xf32> to vector<16xf32>
        %mul3A_503 = arith.mulf %get3A_320, %get3A_502 : vector<16xf32>
        %add3A_504 = arith.addf %mul3A_497, %mul3A_503 : vector<16xf32>
        %swap3A_505 = arith.constant 6 : i32
        %swap3A_506 = arith.index_cast %swap3A_505 : i32 to index
        %swap3A_507 = arith.index_cast %mul3A_378 : i32 to index
        %swap3A_508 = tpu.vector_load %arg18[%swap3A_506, %swap3A_507] {strides = array<i32>} : memref<16x2048xf32, #tpu.memory_space<vmem>>, vector<1x16xf32>,
        %swap3A_509 = vector.shape_cast %swap3A_508 : vector<1x16xf32> to vector<16xf32>
        %swap3A_510 = vector.shape_cast %add3A_504 : vector<16xf32> to vector<1x16xf32>
        tpu.vector_store %arg18[%swap3A_506, %swap3A_507], %swap3A_510 {strides = array<i32>} : memref<16x2048xf32, #tpu.memory_space<vmem>>, vector<1x16xf32>,
        %get3A_511 = arith.constant 7 : i32
        %get3A_512 = arith.index_cast %get3A_511 : i32 to index
        %get3A_513 = arith.index_cast %mul3A_378 : i32 to index
        %get3A_514 = tpu.vector_load %arg18[%get3A_512, %get3A_513] {strides = array<i32>} : memref<16x2048xf32, #tpu.memory_space<vmem>>, vector<1x16xf32>,
        %get3A_515 = vector.shape_cast %get3A_514 : vector<1x16xf32> to vector<16xf32>
        %mul3A_516 = arith.mulf %get3A_245, %get3A_515 : vector<16xf32>
        %get3A_517 = arith.constant 7 : i32
        %get3A_518 = arith.index_cast %get3A_517 : i32 to index
        %get3A_519 = arith.index_cast %mul3A_378 : i32 to index
        %get3A_520 = tpu.vector_load %arg19[%get3A_518, %get3A_519] {strides = array<i32>} : memref<16x2048xf32, #tpu.memory_space<vmem>>, vector<1x16xf32>,
        %get3A_521 = vector.shape_cast %get3A_520 : vector<1x16xf32> to vector<16xf32>
        %mul3A_522 = arith.mulf %get3A_325, %get3A_521 : vector<16xf32>
        %add3A_523 = arith.addf %mul3A_516, %mul3A_522 : vector<16xf32>
        %swap3A_524 = arith.constant 7 : i32
        %swap3A_525 = arith.index_cast %swap3A_524 : i32 to index
        %swap3A_526 = arith.index_cast %mul3A_378 : i32 to index
        %swap3A_527 = tpu.vector_load %arg18[%swap3A_525, %swap3A_526] {strides = array<i32>} : memref<16x2048xf32, #tpu.memory_space<vmem>>, vector<1x16xf32>,
        %swap3A_528 = vector.shape_cast %swap3A_527 : vector<1x16xf32> to vector<16xf32>
        %swap3A_529 = vector.shape_cast %add3A_523 : vector<16xf32> to vector<1x16xf32>
        tpu.vector_store %arg18[%swap3A_525, %swap3A_526], %swap3A_529 {strides = array<i32>} : memref<16x2048xf32, #tpu.memory_space<vmem>>, vector<1x16xf32>,
        %get3A_530 = arith.constant 8 : i32
        %get3A_531 = arith.index_cast %get3A_530 : i32 to index
        %get3A_532 = arith.index_cast %mul3A_378 : i32 to index
        %get3A_533 = tpu.vector_load %arg18[%get3A_531, %get3A_532] {strides = array<i32>} : memref<16x2048xf32, #tpu.memory_space<vmem>>, vector<1x16xf32>,
        %get3A_534 = vector.shape_cast %get3A_533 : vector<1x16xf32> to vector<16xf32>
        %mul3A_535 = arith.mulf %get3A_250, %get3A_534 : vector<16xf32>
        %get3A_536 = arith.constant 8 : i32
        %get3A_537 = arith.index_cast %get3A_536 : i32 to index
        %get3A_538 = arith.index_cast %mul3A_378 : i32 to index
        %get3A_539 = tpu.vector_load %arg19[%get3A_537, %get3A_538] {strides = array<i32>} : memref<16x2048xf32, #tpu.memory_space<vmem>>, vector<1x16xf32>,
        %get3A_540 = vector.shape_cast %get3A_539 : vector<1x16xf32> to vector<16xf32>
        %mul3A_541 = arith.mulf %get3A_330, %get3A_540 : vector<16xf32>
        %add3A_542 = arith.addf %mul3A_535, %mul3A_541 : vector<16xf32>
        %swap3A_543 = arith.constant 8 : i32
        %swap3A_544 = arith.index_cast %swap3A_543 : i32 to index
        %swap3A_545 = arith.index_cast %mul3A_378 : i32 to index
        %swap3A_546 = tpu.vector_load %arg18[%swap3A_544, %swap3A_545] {strides = array<i32>} : memref<16x2048xf32, #tpu.memory_space<vmem>>, vector<1x16xf32>,
        %swap3A_547 = vector.shape_cast %swap3A_546 : vector<1x16xf32> to vector<16xf32>
        %swap3A_548 = vector.shape_cast %add3A_542 : vector<16xf32> to vector<1x16xf32>
        tpu.vector_store %arg18[%swap3A_544, %swap3A_545], %swap3A_548 {strides = array<i32>} : memref<16x2048xf32, #tpu.memory_space<vmem>>, vector<1x16xf32>,
        %get3A_549 = arith.constant 9 : i32
        %get3A_550 = arith.index_cast %get3A_549 : i32 to index
        %get3A_551 = arith.index_cast %mul3A_378 : i32 to index
        %get3A_552 = tpu.vector_load %arg18[%get3A_550, %get3A_551] {strides = array<i32>} : memref<16x2048xf32, #tpu.memory_space<vmem>>, vector<1x16xf32>,
        %get3A_553 = vector.shape_cast %get3A_552 : vector<1x16xf32> to vector<16xf32>
        %mul3A_554 = arith.mulf %get3A_255, %get3A_553 : vector<16xf32>
        %get3A_555 = arith.constant 9 : i32
        %get3A_556 = arith.index_cast %get3A_555 : i32 to index
        %get3A_557 = arith.index_cast %mul3A_378 : i32 to index
        %get3A_558 = tpu.vector_load %arg19[%get3A_556, %get3A_557] {strides = array<i32>} : memref<16x2048xf32, #tpu.memory_space<vmem>>, vector<1x16xf32>,
        %get3A_559 = vector.shape_cast %get3A_558 : vector<1x16xf32> to vector<16xf32>
        %mul3A_560 = arith.mulf %get3A_335, %get3A_559 : vector<16xf32>
        %add3A_561 = arith.addf %mul3A_554, %mul3A_560 : vector<16xf32>
        %swap3A_562 = arith.constant 9 : i32
        %swap3A_563 = arith.index_cast %swap3A_562 : i32 to index
        %swap3A_564 = arith.index_cast %mul3A_378 : i32 to index
        %swap3A_565 = tpu.vector_load %arg18[%swap3A_563, %swap3A_564] {strides = array<i32>} : memref<16x2048xf32, #tpu.memory_space<vmem>>, vector<1x16xf32>,
        %swap3A_566 = vector.shape_cast %swap3A_565 : vector<1x16xf32> to vector<16xf32>
        %swap3A_567 = vector.shape_cast %add3A_561 : vector<16xf32> to vector<1x16xf32>
        tpu.vector_store %arg18[%swap3A_563, %swap3A_564], %swap3A_567 {strides = array<i32>} : memref<16x2048xf32, #tpu.memory_space<vmem>>, vector<1x16xf32>,
        %get3A_568 = arith.constant 10 : i32
        %get3A_569 = arith.index_cast %get3A_568 : i32 to index
        %get3A_570 = arith.index_cast %mul3A_378 : i32 to index
        %get3A_571 = tpu.vector_load %arg18[%get3A_569, %get3A_570] {strides = array<i32>} : memref<16x2048xf32, #tpu.memory_space<vmem>>, vector<1x16xf32>,
        %get3A_572 = vector.shape_cast %get3A_571 : vector<1x16xf32> to vector<16xf32>
        %mul3A_573 = arith.mulf %get3A_260, %get3A_572 : vector<16xf32>
        %get3A_574 = arith.constant 10 : i32
        %get3A_575 = arith.index_cast %get3A_574 : i32 to index
        %get3A_576 = arith.index_cast %mul3A_378 : i32 to index
        %get3A_577 = tpu.vector_load %arg19[%get3A_575, %get3A_576] {strides = array<i32>} : memref<16x2048xf32, #tpu.memory_space<vmem>>, vector<1x16xf32>,
        %get3A_578 = vector.shape_cast %get3A_577 : vector<1x16xf32> to vector<16xf32>
        %mul3A_579 = arith.mulf %get3A_340, %get3A_578 : vector<16xf32>
        %add3A_580 = arith.addf %mul3A_573, %mul3A_579 : vector<16xf32>
        %swap3A_581 = arith.constant 10 : i32
        %swap3A_582 = arith.index_cast %swap3A_581 : i32 to index
        %swap3A_583 = arith.index_cast %mul3A_378 : i32 to index
        %swap3A_584 = tpu.vector_load %arg18[%swap3A_582, %swap3A_583] {strides = array<i32>} : memref<16x2048xf32, #tpu.memory_space<vmem>>, vector<1x16xf32>,
        %swap3A_585 = vector.shape_cast %swap3A_584 : vector<1x16xf32> to vector<16xf32>
        %swap3A_586 = vector.shape_cast %add3A_580 : vector<16xf32> to vector<1x16xf32>
        tpu.vector_store %arg18[%swap3A_582, %swap3A_583], %swap3A_586 {strides = array<i32>} : memref<16x2048xf32, #tpu.memory_space<vmem>>, vector<1x16xf32>,
        %get3A_587 = arith.constant 11 : i32
        %get3A_588 = arith.index_cast %get3A_587 : i32 to index
        %get3A_589 = arith.index_cast %mul3A_378 : i32 to index
        %get3A_590 = tpu.vector_load %arg18[%get3A_588, %get3A_589] {strides = array<i32>} : memref<16x2048xf32, #tpu.memory_space<vmem>>, vector<1x16xf32>,
        %get3A_591 = vector.shape_cast %get3A_590 : vector<1x16xf32> to vector<16xf32>
        %mul3A_592 = arith.mulf %get3A_265, %get3A_591 : vector<16xf32>
        %get3A_593 = arith.constant 11 : i32
        %get3A_594 = arith.index_cast %get3A_593 : i32 to index
        %get3A_595 = arith.index_cast %mul3A_378 : i32 to index
        %get3A_596 = tpu.vector_load %arg19[%get3A_594, %get3A_595] {strides = array<i32>} : memref<16x2048xf32, #tpu.memory_space<vmem>>, vector<1x16xf32>,
        %get3A_597 = vector.shape_cast %get3A_596 : vector<1x16xf32> to vector<16xf32>
        %mul3A_598 = arith.mulf %get3A_345, %get3A_597 : vector<16xf32>
        %add3A_599 = arith.addf %mul3A_592, %mul3A_598 : vector<16xf32>
        %swap3A_600 = arith.constant 11 : i32
        %swap3A_601 = arith.index_cast %swap3A_600 : i32 to index
        %swap3A_602 = arith.index_cast %mul3A_378 : i32 to index
        %swap3A_603 = tpu.vector_load %arg18[%swap3A_601, %swap3A_602] {strides = array<i32>} : memref<16x2048xf32, #tpu.memory_space<vmem>>, vector<1x16xf32>,
        %swap3A_604 = vector.shape_cast %swap3A_603 : vector<1x16xf32> to vector<16xf32>
        %swap3A_605 = vector.shape_cast %add3A_599 : vector<16xf32> to vector<1x16xf32>
        tpu.vector_store %arg18[%swap3A_601, %swap3A_602], %swap3A_605 {strides = array<i32>} : memref<16x2048xf32, #tpu.memory_space<vmem>>, vector<1x16xf32>,
        %get3A_606 = arith.constant 12 : i32
        %get3A_607 = arith.index_cast %get3A_606 : i32 to index
        %get3A_608 = arith.index_cast %mul3A_378 : i32 to index
        %get3A_609 = tpu.vector_load %arg18[%get3A_607, %get3A_608] {strides = array<i32>} : memref<16x2048xf32, #tpu.memory_space<vmem>>, vector<1x16xf32>,
        %get3A_610 = vector.shape_cast %get3A_609 : vector<1x16xf32> to vector<16xf32>
        %mul3A_611 = arith.mulf %get3A_270, %get3A_610 : vector<16xf32>
        %get3A_612 = arith.constant 12 : i32
        %get3A_613 = arith.index_cast %get3A_612 : i32 to index
        %get3A_614 = arith.index_cast %mul3A_378 : i32 to index
        %get3A_615 = tpu.vector_load %arg19[%get3A_613, %get3A_614] {strides = array<i32>} : memref<16x2048xf32, #tpu.memory_space<vmem>>, vector<1x16xf32>,
        %get3A_616 = vector.shape_cast %get3A_615 : vector<1x16xf32> to vector<16xf32>
        %mul3A_617 = arith.mulf %get3A_350, %get3A_616 : vector<16xf32>
        %add3A_618 = arith.addf %mul3A_611, %mul3A_617 : vector<16xf32>
        %swap3A_619 = arith.constant 12 : i32
        %swap3A_620 = arith.index_cast %swap3A_619 : i32 to index
        %swap3A_621 = arith.index_cast %mul3A_378 : i32 to index
        %swap3A_622 = tpu.vector_load %arg18[%swap3A_620, %swap3A_621] {strides = array<i32>} : memref<16x2048xf32, #tpu.memory_space<vmem>>, vector<1x16xf32>,
        %swap3A_623 = vector.shape_cast %swap3A_622 : vector<1x16xf32> to vector<16xf32>
        %swap3A_624 = vector.shape_cast %add3A_618 : vector<16xf32> to vector<1x16xf32>
        tpu.vector_store %arg18[%swap3A_620, %swap3A_621], %swap3A_624 {strides = array<i32>} : memref<16x2048xf32, #tpu.memory_space<vmem>>, vector<1x16xf32>,
        %get3A_625 = arith.constant 13 : i32
        %get3A_626 = arith.index_cast %get3A_625 : i32 to index
        %get3A_627 = arith.index_cast %mul3A_378 : i32 to index
        %get3A_628 = tpu.vector_load %arg18[%get3A_626, %get3A_627] {strides = array<i32>} : memref<16x2048xf32, #tpu.memory_space<vmem>>, vector<1x16xf32>,
        %get3A_629 = vector.shape_cast %get3A_628 : vector<1x16xf32> to vector<16xf32>
        %mul3A_630 = arith.mulf %get3A_275, %get3A_629 : vector<16xf32>
        %get3A_631 = arith.constant 13 : i32
        %get3A_632 = arith.index_cast %get3A_631 : i32 to index
        %get3A_633 = arith.index_cast %mul3A_378 : i32 to index
        %get3A_634 = tpu.vector_load %arg19[%get3A_632, %get3A_633] {strides = array<i32>} : memref<16x2048xf32, #tpu.memory_space<vmem>>, vector<1x16xf32>,
        %get3A_635 = vector.shape_cast %get3A_634 : vector<1x16xf32> to vector<16xf32>
        %mul3A_636 = arith.mulf %get3A_355, %get3A_635 : vector<16xf32>
        %add3A_637 = arith.addf %mul3A_630, %mul3A_636 : vector<16xf32>
        %swap3A_638 = arith.constant 13 : i32
        %swap3A_639 = arith.index_cast %swap3A_638 : i32 to index
        %swap3A_640 = arith.index_cast %mul3A_378 : i32 to index
        %swap3A_641 = tpu.vector_load %arg18[%swap3A_639, %swap3A_640] {strides = array<i32>} : memref<16x2048xf32, #tpu.memory_space<vmem>>, vector<1x16xf32>,
        %swap3A_642 = vector.shape_cast %swap3A_641 : vector<1x16xf32> to vector<16xf32>
        %swap3A_643 = vector.shape_cast %add3A_637 : vector<16xf32> to vector<1x16xf32>
        tpu.vector_store %arg18[%swap3A_639, %swap3A_640], %swap3A_643 {strides = array<i32>} : memref<16x2048xf32, #tpu.memory_space<vmem>>, vector<1x16xf32>,
        %get3A_644 = arith.constant 14 : i32
        %get3A_645 = arith.index_cast %get3A_644 : i32 to index
        %get3A_646 = arith.index_cast %mul3A_378 : i32 to index
        %get3A_647 = tpu.vector_load %arg18[%get3A_645, %get3A_646] {strides = array<i32>} : memref<16x2048xf32, #tpu.memory_space<vmem>>, vector<1x16xf32>,
        %get3A_648 = vector.shape_cast %get3A_647 : vector<1x16xf32> to vector<16xf32>
        %mul3A_649 = arith.mulf %get3A_280, %get3A_648 : vector<16xf32>
        %get3A_650 = arith.constant 14 : i32
        %get3A_651 = arith.index_cast %get3A_650 : i32 to index
        %get3A_652 = arith.index_cast %mul3A_378 : i32 to index
        %get3A_653 = tpu.vector_load %arg19[%get3A_651, %get3A_652] {strides = array<i32>} : memref<16x2048xf32, #tpu.memory_space<vmem>>, vector<1x16xf32>,
        %get3A_654 = vector.shape_cast %get3A_653 : vector<1x16xf32> to vector<16xf32>
        %mul3A_655 = arith.mulf %get3A_360, %get3A_654 : vector<16xf32>
        %add3A_656 = arith.addf %mul3A_649, %mul3A_655 : vector<16xf32>
        %swap3A_657 = arith.constant 14 : i32
        %swap3A_658 = arith.index_cast %swap3A_657 : i32 to index
        %swap3A_659 = arith.index_cast %mul3A_378 : i32 to index
        %swap3A_660 = tpu.vector_load %arg18[%swap3A_658, %swap3A_659] {strides = array<i32>} : memref<16x2048xf32, #tpu.memory_space<vmem>>, vector<1x16xf32>,
        %swap3A_661 = vector.shape_cast %swap3A_660 : vector<1x16xf32> to vector<16xf32>
        %swap3A_662 = vector.shape_cast %add3A_656 : vector<16xf32> to vector<1x16xf32>
        tpu.vector_store %arg18[%swap3A_658, %swap3A_659], %swap3A_662 {strides = array<i32>} : memref<16x2048xf32, #tpu.memory_space<vmem>>, vector<1x16xf32>,
        %get3A_663 = arith.constant 15 : i32
        %get3A_664 = arith.index_cast %get3A_663 : i32 to index
        %get3A_665 = arith.index_cast %mul3A_378 : i32 to index
        %get3A_666 = tpu.vector_load %arg18[%get3A_664, %get3A_665] {strides = array<i32>} : memref<16x2048xf32, #tpu.memory_space<vmem>>, vector<1x16xf32>,
        %get3A_667 = vector.shape_cast %get3A_666 : vector<1x16xf32> to vector<16xf32>
        %mul3A_668 = arith.mulf %get3A_285, %get3A_667 : vector<16xf32>
        %get3A_669 = arith.constant 15 : i32
        %get3A_670 = arith.index_cast %get3A_669 : i32 to index
        %get3A_671 = arith.index_cast %mul3A_378 : i32 to index
        %get3A_672 = tpu.vector_load %arg19[%get3A_670, %get3A_671] {strides = array<i32>} : memref<16x2048xf32, #tpu.memory_space<vmem>>, vector<1x16xf32>,
        %get3A_673 = vector.shape_cast %get3A_672 : vector<1x16xf32> to vector<16xf32>
        %mul3A_674 = arith.mulf %get3A_365, %get3A_673 : vector<16xf32>
        %add3A_675 = arith.addf %mul3A_668, %mul3A_674 : vector<16xf32>
        %swap3A_676 = arith.constant 15 : i32
        %swap3A_677 = arith.index_cast %swap3A_676 : i32 to index
        %swap3A_678 = arith.index_cast %mul3A_378 : i32 to index
        %swap3A_679 = tpu.vector_load %arg18[%swap3A_677, %swap3A_678] {strides = array<i32>} : memref<16x2048xf32, #tpu.memory_space<vmem>>, vector<1x16xf32>,
        %swap3A_680 = vector.shape_cast %swap3A_679 : vector<1x16xf32> to vector<16xf32>
        %swap3A_681 = vector.shape_cast %add3A_675 : vector<16xf32> to vector<1x16xf32>
        tpu.vector_store %arg18[%swap3A_677, %swap3A_678], %swap3A_681 {strides = array<i32>} : memref<16x2048xf32, #tpu.memory_space<vmem>>, vector<1x16xf32>,
        %scan3A_682 = arith.constant 0 : i32
        scf.yield %scan3A_682 : i32
      }
      %scan3A_372 = arith.constant 128 : i32
      %add3A_373 = arith.addi %mul3A_2, %mul3A_12 : i32
      "tpu.region"() ({
        %run_scoped3A = tpu.sem_alloc : memref<!tpu.dma_semaphore, #tpu.memory_space<semaphore_mem>>
        %dma_start3A_375 = arith.constant 0 : i32
        %dma_start3A_376 = tpu.memref_slice %arg10[%add3A_373, %dma_start3A_375] : memref<8192x2048xf32, #tpu.memory_space<hbm>> -> memref<16x2048xf32, #tpu.memory_space<hbm>>
        %dma_start3A_377 = arith.constant 0 : i32
        %dma_start3A_378 = tpu.memref_slice %arg10[%add3A_373, %dma_start3A_377] : memref<8192x2048xf32, #tpu.memory_space<hbm>> -> memref<16x2048xf32, #tpu.memory_space<hbm>>
        tpu.enqueue_dma source(%arg18 : memref<16x2048xf32, #tpu.memory_space<vmem>>) target(%dma_start3A_378 : memref<16x2048xf32, #tpu.memory_space<hbm>>) target_semaphore(%run_scoped3A : memref<!tpu.dma_semaphore, #tpu.memory_space<semaphore_mem>>)
        %dma_wait3A_379 = arith.constant 0 : i32
        %dma_wait3A_380 = tpu.memref_slice %arg10[%add3A_373, %dma_wait3A_379] : memref<8192x2048xf32, #tpu.memory_space<hbm>> -> memref<16x2048xf32, #tpu.memory_space<hbm>>
        %dma_wait3A_381 = arith.constant 0 : i32
        %dma_wait3A_382 = tpu.memref_slice %arg10[%add3A_373, %dma_wait3A_381] : memref<8192x2048xf32, #tpu.memory_space<hbm>> -> memref<16x2048xf32, #tpu.memory_space<hbm>>
        tpu.wait_dma2 semaphore(%run_scoped3A : memref<!tpu.dma_semaphore, #tpu.memory_space<semaphore_mem>>) src(%arg18 : memref<16x2048xf32, #tpu.memory_space<vmem>>) dst(%dma_wait3A_382 : memref<16x2048xf32, #tpu.memory_space<hbm>>)
        tpu.yield
      }) : () -> ()
      %scan3A_374 = arith.constant 0 : i32
      scf.yield %scan3A_374 : i32
    }
    %scan3A_8 = arith.constant 16 : i32
    return
  }
}

module attributes {stable_mosaic.version = 14 : i64} {
  func.func @_router_body(%arg0: i32, %arg1: memref<512x2048xf32, #tpu.memory_space<vmem>>, %arg2: memref<128x2048xf32, #tpu.memory_space<vmem>>, %arg3: memref<1x128xf32, #tpu.memory_space<vmem>>, %arg4: memref<512x1xi32, #tpu.memory_space<vmem>>, %arg5: memref<512x1xi32, #tpu.memory_space<vmem>>, %arg6: memref<512x1xi32, #tpu.memory_space<vmem>>, %arg7: memref<512x1xi32, #tpu.memory_space<vmem>>, %arg8: memref<512x16xf32, #tpu.memory_space<vmem>>, %arg9: memref<512x16xf32, #tpu.memory_space<vmem>>, %arg10: memref<128x16xi32, #tpu.memory_space<vmem>>, %arg11: memref<1x128xi32, #tpu.memory_space<vmem>>, %arg12: memref<1x128xf32, #tpu.memory_space<vmem>>) attributes {dimension_semantics = [#tpu.dimension_semantics<arbitrary>], iteration_bounds = array<i64: 16>, scalar_prefetch = 0 : i64, scratch_operands = 1 : i64, tpu.core_type = #tpu.core_type<tc>, window_params = [{transform_indices = @transform_0, window_bounds = array<i64: 512, 2048>}, {pipeline_mode = #tpu.pipeline_mode<synchronous>, transform_indices = @transform_1, window_bounds = array<i64: 128, 2048>}, {pipeline_mode = #tpu.pipeline_mode<synchronous>, transform_indices = @transform_2, window_bounds = array<i64: 1, 128>}, {transform_indices = @transform_3, window_bounds = array<i64: 512, 1>}, {transform_indices = @transform_4, window_bounds = array<i64: 512, 1>}, {transform_indices = @transform_5, window_bounds = array<i64: 512, 1>}, {transform_indices = @transform_6, window_bounds = array<i64: 512, 1>}, {transform_indices = @transform_7, window_bounds = array<i64: 512, 16>}, {transform_indices = @transform_8, window_bounds = array<i64: 512, 16>}, {pipeline_mode = #tpu.pipeline_mode<synchronous>, transform_indices = @transform_9, window_bounds = array<i64: 128, 16>}, {pipeline_mode = #tpu.pipeline_mode<synchronous>, transform_indices = @transform_10, window_bounds = array<i64: 1, 128>}]} {
    %eq3A = arith.constant 0 : i32
    %eq3A_0 = arith.cmpi eq, %arg0, %eq3A : i32
    %convert_element_type3A = arith.extui %eq3A_0 : i1 to i32
    %cond3A = arith.constant 0 : i32
    %cond3A_1 = arith.cmpi ne, %convert_element_type3A, %cond3A : i32
    scf.if %cond3A_1 {
      %broadcast_in_dim3A_106 = arith.constant 0.000000e+00 : f32
      %broadcast_in_dim3A_107 = vector.broadcast %broadcast_in_dim3A_106 : f32 to vector<1x128xf32>
      %swap3A_108 = arith.constant 0 : index
      %swap3A_109 = arith.constant 0 : index
      %swap3A_110 = vector.load %arg12[%swap3A_108, %swap3A_109] : memref<1x128xf32, #tpu.memory_space<vmem>>, vector<1x128xf32>
      tpu.vector_store %arg12[%swap3A_108, %swap3A_109], %broadcast_in_dim3A_107 {strides = array<i32>} : memref<1x128xf32, #tpu.memory_space<vmem>>, vector<1x128xf32>,
    } else {
    }
    %get3A = arith.constant 0 : index
    %get3A_2 = arith.constant 0 : index
    %get3A_3 = vector.load %arg1[%get3A, %get3A_2] : memref<512x2048xf32, #tpu.memory_space<vmem>>, vector<512x2048xf32>
    %get3A_4 = arith.constant 0 : index
    %get3A_5 = arith.constant 0 : index
    %get3A_6 = vector.load %arg2[%get3A_4, %get3A_5] : memref<128x2048xf32, #tpu.memory_space<vmem>>, vector<128x2048xf32>
    %dot_general3A = arith.constant dense<0.000000e+00> : vector<512x128xf32>
    %dot_general3A_7 = tpu.matmul %get3A_3, %get3A_6, %dot_general3A {dimension_numbers = #tpu.dot_dimension_numbers<[1], [1], [0], [0], [0, 0, 1, 0], [], []>, transpose_lhs_hint = false} : vector<512x2048xf32>, vector<128x2048xf32>, vector<512x128xf32> -> vector<512x128xf32>
    %get3A_8 = arith.constant 0 : index
    %get3A_9 = arith.constant 0 : index
    %get3A_10 = vector.load %arg3[%get3A_8, %get3A_9] : memref<1x128xf32, #tpu.memory_space<vmem>>, vector<1x128xf32>
    %add3A = vector.broadcast %get3A_10 : vector<1x128xf32> to vector<512x128xf32>
    %add3A_11 = arith.addf %dot_general3A_7, %add3A : vector<512x128xf32>
    %iota3A = tpu.iota {dimensions = array<i32: 1>} : vector<512x128xi32>
    %reduce_max3A = arith.constant dense<0xFF800000> : vector<512xf32>
    %reduce_max3A_12 = vector.multi_reduction <maximumf>, %add3A_11, %reduce_max3A [1] : vector<512x128xf32> to vector<512xf32>
    %broadcast_in_dim3A = vector.shape_cast %reduce_max3A_12 : vector<512xf32> to vector<512x1xf32>
    %eq3A_13 = vector.broadcast %broadcast_in_dim3A : vector<512x1xf32> to vector<512x128xf32>
    %eq3A_14 = arith.cmpf oeq, %add3A_11, %eq3A_13 : vector<512x128xf32>
    %jit3A = arith.constant 128 : i32
    %broadcast_in_dim3A_15 = vector.broadcast %jit3A : i32 to vector<512x128xi32>
    %select_n3A = arith.select %eq3A_14, %iota3A, %broadcast_in_dim3A_15 : vector<512x128xi1>, vector<512x128xi32>
    %reduce_min3A = arith.constant dense<2147483647> : vector<512xi32>
    %reduce_min3A_16 = vector.multi_reduction <minsi>, %select_n3A, %reduce_min3A [1] : vector<512x128xi32> to vector<512xi32>
    %broadcast_in_dim3A_17 = vector.shape_cast %reduce_min3A_16 : vector<512xi32> to vector<512x1xi32>
    %eq3A_18 = vector.broadcast %broadcast_in_dim3A_17 : vector<512x1xi32> to vector<512x128xi32>
    %eq3A_19 = arith.cmpi eq, %iota3A, %eq3A_18 : vector<512x128xi32>
    %jit3A_20 = arith.constant -3.000000e+38 : f32
    %broadcast_in_dim3A_21 = vector.broadcast %jit3A_20 : f32 to vector<512x128xf32>
    %select_n3A_22 = arith.select %eq3A_19, %broadcast_in_dim3A_21, %add3A_11 : vector<512x128xi1>, vector<512x128xf32>
    %reduce_max3A_23 = arith.constant dense<0xFF800000> : vector<512xf32>
    %reduce_max3A_24 = vector.multi_reduction <maximumf>, %select_n3A_22, %reduce_max3A_23 [1] : vector<512x128xf32> to vector<512xf32>
    %broadcast_in_dim3A_25 = vector.shape_cast %reduce_max3A_24 : vector<512xf32> to vector<512x1xf32>
    %eq3A_26 = vector.broadcast %broadcast_in_dim3A_25 : vector<512x1xf32> to vector<512x128xf32>
    %eq3A_27 = arith.cmpf oeq, %select_n3A_22, %eq3A_26 : vector<512x128xf32>
    %jit3A_28 = arith.constant 128 : i32
    %broadcast_in_dim3A_29 = vector.broadcast %jit3A_28 : i32 to vector<512x128xi32>
    %select_n3A_30 = arith.select %eq3A_27, %iota3A, %broadcast_in_dim3A_29 : vector<512x128xi1>, vector<512x128xi32>
    %reduce_min3A_31 = arith.constant dense<2147483647> : vector<512xi32>
    %reduce_min3A_32 = vector.multi_reduction <minsi>, %select_n3A_30, %reduce_min3A_31 [1] : vector<512x128xi32> to vector<512xi32>
    %broadcast_in_dim3A_33 = vector.shape_cast %reduce_min3A_32 : vector<512xi32> to vector<512x1xi32>
    %eq3A_34 = vector.broadcast %broadcast_in_dim3A_33 : vector<512x1xi32> to vector<512x128xi32>
    %eq3A_35 = arith.cmpi eq, %iota3A, %eq3A_34 : vector<512x128xi32>
    %sub3A = arith.subf %broadcast_in_dim3A, %broadcast_in_dim3A_25 : vector<512x1xf32>
    %logistic3A = arith.negf %sub3A : vector<512x1xf32>
    %logistic3A_36 = math.exp %logistic3A : vector<512x1xf32>
    %logistic3A_37 = arith.constant 1.000000e+00 : f32
    %logistic3A_38 = vector.broadcast %logistic3A_37 : f32 to vector<512x1xf32>
    %logistic3A_39 = arith.addf %logistic3A_38, %logistic3A_36 : vector<512x1xf32>
    %logistic3A_40 = arith.divf %logistic3A_38, %logistic3A_39 : vector<512x1xf32>
    %or3A = arith.ori %eq3A_19, %eq3A_35 : vector<512x128xi1>
    %convert_element_type3A_41 = arith.extui %or3A : vector<512x128xi1> to vector<512x128xi32>
    %convert_element_type3A_42 = arith.sitofp %convert_element_type3A_41 : vector<512x128xi32> to vector<512x128xf32>
    %iota3A_43 = tpu.iota {dimensions = array<i32: 0>} : vector<512x512xi32>
    %iota3A_44 = tpu.iota {dimensions = array<i32: 1>} : vector<512x512xi32>
    %gt3A = arith.cmpi sgt, %iota3A_43, %iota3A_44 : vector<512x512xi32>
    %convert_element_type3A_45 = arith.extui %gt3A : vector<512x512xi1> to vector<512x512xi32>
    %convert_element_type3A_46 = arith.sitofp %convert_element_type3A_45 : vector<512x512xi32> to vector<512x512xf32>
    %dot_general3A_47 = arith.constant dense<0.000000e+00> : vector<512x128xf32>
    %dot_general3A_48 = tpu.matmul %convert_element_type3A_46, %convert_element_type3A_42, %dot_general3A_47 {dimension_numbers = #tpu.dot_dimension_numbers<[1], [0], [0], [1], [0, 0, 1, 1], [], []>, transpose_lhs_hint = false} : vector<512x512xf32>, vector<512x128xf32>, vector<512x128xf32> -> vector<512x128xf32>
    %get3A_49 = arith.constant 0 : index
    %get3A_50 = arith.constant 0 : index
    %get3A_51 = vector.load %arg12[%get3A_49, %get3A_50] : memref<1x128xf32, #tpu.memory_space<vmem>>, vector<1x128xf32>
    %add3A_52 = vector.broadcast %get3A_51 : vector<1x128xf32> to vector<512x128xf32>
    %add3A_53 = arith.addf %dot_general3A_48, %add3A_52 : vector<512x128xf32>
    %jit3A_54 = arith.constant 0.000000e+00 : f32
    %broadcast_in_dim3A_55 = vector.broadcast %jit3A_54 : f32 to vector<512x128xf32>
    %select_n3A_56 = arith.select %eq3A_19, %add3A_53, %broadcast_in_dim3A_55 : vector<512x128xi1>, vector<512x128xf32>
    %reduce_sum3A = arith.constant dense<0.000000e+00> : vector<512xf32>
    %reduce_sum3A_57 = vector.multi_reduction <add>, %select_n3A_56, %reduce_sum3A [1] : vector<512x128xf32> to vector<512xf32>
    %broadcast_in_dim3A_58 = vector.shape_cast %reduce_sum3A_57 : vector<512xf32> to vector<512x1xf32>
    %jit3A_59 = arith.constant 0.000000e+00 : f32
    %broadcast_in_dim3A_60 = vector.broadcast %jit3A_59 : f32 to vector<512x128xf32>
    %select_n3A_61 = arith.select %eq3A_35, %add3A_53, %broadcast_in_dim3A_60 : vector<512x128xi1>, vector<512x128xf32>
    %reduce_sum3A_62 = arith.constant dense<0.000000e+00> : vector<512xf32>
    %reduce_sum3A_63 = vector.multi_reduction <add>, %select_n3A_61, %reduce_sum3A_62 [1] : vector<512x128xf32> to vector<512xf32>
    %broadcast_in_dim3A_64 = vector.shape_cast %reduce_sum3A_63 : vector<512xf32> to vector<512x1xf32>
    %get3A_65 = arith.constant 0 : index
    %get3A_66 = arith.constant 0 : index
    %get3A_67 = vector.load %arg12[%get3A_65, %get3A_66] : memref<1x128xf32, #tpu.memory_space<vmem>>, vector<1x128xf32>
    %reduce_sum3A_68 = arith.constant dense<0.000000e+00> : vector<128xf32>
    %reduce_sum3A_69 = vector.multi_reduction <add>, %convert_element_type3A_42, %reduce_sum3A_68 [0] : vector<512x128xf32> to vector<128xf32>
    %broadcast_in_dim3A_70 = vector.shape_cast %reduce_sum3A_69 : vector<128xf32> to vector<1x128xf32>
    %add3A_71 = arith.addf %get3A_67, %broadcast_in_dim3A_70 : vector<1x128xf32>
    %swap3A = arith.constant 0 : index
    %swap3A_72 = arith.constant 0 : index
    %swap3A_73 = vector.load %arg12[%swap3A, %swap3A_72] : memref<1x128xf32, #tpu.memory_space<vmem>>, vector<1x128xf32>
    tpu.vector_store %arg12[%swap3A, %swap3A_72], %add3A_71 {strides = array<i32>} : memref<1x128xf32, #tpu.memory_space<vmem>>, vector<1x128xf32>,
    %swap3A_74 = arith.constant 0 : index
    %swap3A_75 = arith.constant 0 : index
    %swap3A_76 = vector.load %arg4[%swap3A_74, %swap3A_75] : memref<512x1xi32, #tpu.memory_space<vmem>>, vector<512x1xi32>
    tpu.vector_store %arg4[%swap3A_74, %swap3A_75], %broadcast_in_dim3A_17 {strides = array<i32>} : memref<512x1xi32, #tpu.memory_space<vmem>>, vector<512x1xi32>,
    %swap3A_77 = arith.constant 0 : index
    %swap3A_78 = arith.constant 0 : index
    %swap3A_79 = vector.load %arg5[%swap3A_77, %swap3A_78] : memref<512x1xi32, #tpu.memory_space<vmem>>, vector<512x1xi32>
    tpu.vector_store %arg5[%swap3A_77, %swap3A_78], %broadcast_in_dim3A_33 {strides = array<i32>} : memref<512x1xi32, #tpu.memory_space<vmem>>, vector<512x1xi32>,
    %convert_element_type3A_80 = arith.fptosi %broadcast_in_dim3A_58 : vector<512x1xf32> to vector<512x1xi32>
    %swap3A_81 = arith.constant 0 : index
    %swap3A_82 = arith.constant 0 : index
    %swap3A_83 = vector.load %arg6[%swap3A_81, %swap3A_82] : memref<512x1xi32, #tpu.memory_space<vmem>>, vector<512x1xi32>
    tpu.vector_store %arg6[%swap3A_81, %swap3A_82], %convert_element_type3A_80 {strides = array<i32>} : memref<512x1xi32, #tpu.memory_space<vmem>>, vector<512x1xi32>,
    %convert_element_type3A_84 = arith.fptosi %broadcast_in_dim3A_64 : vector<512x1xf32> to vector<512x1xi32>
    %swap3A_85 = arith.constant 0 : index
    %swap3A_86 = arith.constant 0 : index
    %swap3A_87 = vector.load %arg7[%swap3A_85, %swap3A_86] : memref<512x1xi32, #tpu.memory_space<vmem>>, vector<512x1xi32>
    tpu.vector_store %arg7[%swap3A_85, %swap3A_86], %convert_element_type3A_84 {strides = array<i32>} : memref<512x1xi32, #tpu.memory_space<vmem>>, vector<512x1xi32>,
    %broadcast_in_dim3A_88 = vector.shape_cast %logistic3A_40 : vector<512x1xf32> to vector<512x1xf32>
    %broadcast_in_dim3A_89 = vector.broadcast %broadcast_in_dim3A_88 : vector<512x1xf32> to vector<512x16xf32>
    %swap3A_90 = arith.constant 0 : index
    %swap3A_91 = arith.constant 0 : index
    %swap3A_92 = vector.load %arg8[%swap3A_90, %swap3A_91] : memref<512x16xf32, #tpu.memory_space<vmem>>, vector<512x16xf32>
    tpu.vector_store %arg8[%swap3A_90, %swap3A_91], %broadcast_in_dim3A_89 {strides = array<i32>} : memref<512x16xf32, #tpu.memory_space<vmem>>, vector<512x16xf32>,
    %sub3A_93 = arith.constant 1.000000e+00 : f32
    %sub3A_94 = vector.broadcast %sub3A_93 : f32 to vector<512x1xf32>
    %sub3A_95 = arith.subf %sub3A_94, %logistic3A_40 : vector<512x1xf32>
    %broadcast_in_dim3A_96 = vector.shape_cast %sub3A_95 : vector<512x1xf32> to vector<512x1xf32>
    %broadcast_in_dim3A_97 = vector.broadcast %broadcast_in_dim3A_96 : vector<512x1xf32> to vector<512x16xf32>
    %swap3A_98 = arith.constant 0 : index
    %swap3A_99 = arith.constant 0 : index
    %swap3A_100 = vector.load %arg9[%swap3A_98, %swap3A_99] : memref<512x16xf32, #tpu.memory_space<vmem>>, vector<512x16xf32>
    tpu.vector_store %arg9[%swap3A_98, %swap3A_99], %broadcast_in_dim3A_97 {strides = array<i32>} : memref<512x16xf32, #tpu.memory_space<vmem>>, vector<512x16xf32>,
    %eq3A_101 = arith.constant 15 : i32
    %eq3A_102 = arith.cmpi eq, %arg0, %eq3A_101 : i32
    %convert_element_type3A_103 = arith.extui %eq3A_102 : i1 to i32
    %cond3A_104 = arith.constant 0 : i32
    %cond3A_105 = arith.cmpi ne, %convert_element_type3A_103, %cond3A_104 : i32
    scf.if %cond3A_105 {
      %mul3A = arith.constant 3.906250e-03 : f32
      %mul3A_106 = vector.broadcast %mul3A : f32 to vector<1x128xf32>
      %mul3A_107 = arith.mulf %add3A_71, %mul3A_106 : vector<1x128xf32>
      %ceil3A = math.ceil %mul3A_107 : vector<1x128xf32>
      %mul3A_108 = arith.constant 2.560000e+02 : f32
      %mul3A_109 = vector.broadcast %mul3A_108 : f32 to vector<1x128xf32>
      %mul3A_110 = arith.mulf %ceil3A, %mul3A_109 : vector<1x128xf32>
      %iota3A_111 = tpu.iota {dimensions = array<i32: 0>} : vector<128x128xi32>
      %iota3A_112 = tpu.iota {dimensions = array<i32: 1>} : vector<128x128xi32>
      %lt3A = arith.cmpi slt, %iota3A_112, %iota3A_111 : vector<128x128xi32>
      %broadcast_in_dim3A_113 = vector.shape_cast %mul3A_110 : vector<1x128xf32> to vector<1x128xf32>
      %broadcast_in_dim3A_114 = vector.broadcast %broadcast_in_dim3A_113 : vector<1x128xf32> to vector<128x128xf32>
      %jit3A_115 = arith.constant 0.000000e+00 : f32
      %broadcast_in_dim3A_116 = vector.broadcast %jit3A_115 : f32 to vector<128x128xf32>
      %select_n3A_117 = arith.select %lt3A, %broadcast_in_dim3A_114, %broadcast_in_dim3A_116 : vector<128x128xi1>, vector<128x128xf32>
      %broadcast_in_dim3A_118 = arith.constant 1.000000e+00 : f32
      %broadcast_in_dim3A_119 = vector.broadcast %broadcast_in_dim3A_118 : f32 to vector<128x128xf32>
      %dot_general3A_120 = arith.constant dense<0.000000e+00> : vector<128x128xf32>
      %dot_general3A_121 = tpu.matmul %select_n3A_117, %broadcast_in_dim3A_119, %dot_general3A_120 {dimension_numbers = #tpu.dot_dimension_numbers<[1], [0], [0], [1], [0, 0, 1, 1], [], []>, transpose_lhs_hint = false} : vector<128x128xf32>, vector<128x128xf32>, vector<128x128xf32> -> vector<128x128xf32>
      %slice3A = vector.extract_strided_slice %dot_general3A_121 {offsets = [0, 0], sizes = [128, 16], strides = [1, 1]} : vector<128x128xf32> to vector<128x16xf32>
      %convert_element_type3A_122 = arith.fptosi %slice3A : vector<128x16xf32> to vector<128x16xi32>
      %swap3A_123 = arith.constant 0 : index
      %swap3A_124 = arith.constant 0 : index
      %swap3A_125 = vector.load %arg10[%swap3A_123, %swap3A_124] : memref<128x16xi32, #tpu.memory_space<vmem>>, vector<128x16xi32>
      tpu.vector_store %arg10[%swap3A_123, %swap3A_124], %convert_element_type3A_122 {strides = array<i32>} : memref<128x16xi32, #tpu.memory_space<vmem>>, vector<128x16xi32>,
      %mul3A_126 = arith.constant 256 : i32
      %mul3A_127 = vector.broadcast %mul3A_126 : i32 to vector<128x128xi32>
      %mul3A_128 = arith.muli %iota3A_112, %mul3A_127 : vector<128x128xi32>
      %convert_element_type3A_129 = arith.sitofp %mul3A_128 : vector<128x128xi32> to vector<128x128xf32>
      %le3A = arith.cmpf ole, %dot_general3A_121, %convert_element_type3A_129 : vector<128x128xf32>
      %lt3A_130 = arith.constant 8 : i32
      %lt3A_131 = vector.broadcast %lt3A_130 : i32 to vector<128x128xi32>
      %lt3A_132 = arith.cmpi slt, %iota3A_111, %lt3A_131 : vector<128x128xi32>
      %and3A = arith.andi %le3A, %lt3A_132 : vector<128x128xi1>
      %jit3A_133 = arith.constant 1.000000e+00 : f32
      %jit3A_134 = arith.constant 0.000000e+00 : f32
      %broadcast_in_dim3A_135 = vector.broadcast %jit3A_133 : f32 to vector<128x128xf32>
      %broadcast_in_dim3A_136 = vector.broadcast %jit3A_134 : f32 to vector<128x128xf32>
      %select_n3A_137 = arith.select %and3A, %broadcast_in_dim3A_135, %broadcast_in_dim3A_136 : vector<128x128xi1>, vector<128x128xf32>
      %broadcast_in_dim3A_138 = arith.constant 1.000000e+00 : f32
      %broadcast_in_dim3A_139 = vector.broadcast %broadcast_in_dim3A_138 : f32 to vector<1x128xf32>
      %dot_general3A_140 = arith.constant dense<0.000000e+00> : vector<1x128xf32>
      %dot_general3A_141 = tpu.matmul %broadcast_in_dim3A_139, %select_n3A_137, %dot_general3A_140 {dimension_numbers = #tpu.dot_dimension_numbers<[1], [0], [0], [1], [0, 0, 1, 1], [], []>, transpose_lhs_hint = false} : vector<1x128xf32>, vector<128x128xf32>, vector<1x128xf32> -> vector<1x128xf32>
      %sub3A_142 = arith.constant 1.000000e+00 : f32
      %sub3A_143 = vector.broadcast %sub3A_142 : f32 to vector<1x128xf32>
      %sub3A_144 = arith.subf %dot_general3A_141, %sub3A_143 : vector<1x128xf32>
      %jit3A_145 = arith.constant 0.000000e+00 : f32
      %jit3A_146 = arith.constant 7.000000e+00 : f32
      %max3A = vector.broadcast %jit3A_145 : f32 to vector<1x128xf32>
      %max3A_147 = arith.maximumf %max3A, %sub3A_144 : vector<1x128xf32>
      %min3A = vector.broadcast %jit3A_146 : f32 to vector<1x128xf32>
      %min3A_148 = arith.minimumf %min3A, %max3A_147 : vector<1x128xf32>
      %convert_element_type3A_149 = arith.fptosi %min3A_148 : vector<1x128xf32> to vector<1x128xi32>
      %swap3A_150 = arith.constant 0 : index
      %swap3A_151 = arith.constant 0 : index
      %swap3A_152 = vector.load %arg11[%swap3A_150, %swap3A_151] : memref<1x128xi32, #tpu.memory_space<vmem>>, vector<1x128xi32>
      tpu.vector_store %arg11[%swap3A_150, %swap3A_151], %convert_element_type3A_149 {strides = array<i32>} : memref<1x128xi32, #tpu.memory_space<vmem>>, vector<1x128xi32>,
    } else {
    }
    return
  }
  func.func @transform_0(%arg0: i32) -> (i32, i32) {
    %c0_i32 = arith.constant 0 : i32
    %c0_i32_0 = arith.constant 0 : i32
    return %arg0, %c0_i32 : i32, i32
  }
  func.func @transform_1(%arg0: i32) -> (i32, i32) {
    %c0_i32 = arith.constant 0 : i32
    %c0_i32_0 = arith.constant 0 : i32
    %c0_i32_1 = arith.constant 0 : i32
    return %c0_i32, %c0_i32_0 : i32, i32
  }
  func.func @transform_2(%arg0: i32) -> (i32, i32) {
    %c0_i32 = arith.constant 0 : i32
    %c0_i32_0 = arith.constant 0 : i32
    %c0_i32_1 = arith.constant 0 : i32
    return %c0_i32, %c0_i32_0 : i32, i32
  }
  func.func @transform_3(%arg0: i32) -> (i32, i32) {
    %c0_i32 = arith.constant 0 : i32
    %c0_i32_0 = arith.constant 0 : i32
    return %arg0, %c0_i32 : i32, i32
  }
  func.func @transform_4(%arg0: i32) -> (i32, i32) {
    %c0_i32 = arith.constant 0 : i32
    %c0_i32_0 = arith.constant 0 : i32
    return %arg0, %c0_i32 : i32, i32
  }
  func.func @transform_5(%arg0: i32) -> (i32, i32) {
    %c0_i32 = arith.constant 0 : i32
    %c0_i32_0 = arith.constant 0 : i32
    return %arg0, %c0_i32 : i32, i32
  }
  func.func @transform_6(%arg0: i32) -> (i32, i32) {
    %c0_i32 = arith.constant 0 : i32
    %c0_i32_0 = arith.constant 0 : i32
    return %arg0, %c0_i32 : i32, i32
  }
  func.func @transform_7(%arg0: i32) -> (i32, i32) {
    %c0_i32 = arith.constant 0 : i32
    %c0_i32_0 = arith.constant 0 : i32
    return %arg0, %c0_i32 : i32, i32
  }
  func.func @transform_8(%arg0: i32) -> (i32, i32) {
    %c0_i32 = arith.constant 0 : i32
    %c0_i32_0 = arith.constant 0 : i32
    return %arg0, %c0_i32 : i32, i32
  }
  func.func @transform_9(%arg0: i32) -> (i32, i32) {
    %c0_i32 = arith.constant 0 : i32
    %c0_i32_0 = arith.constant 0 : i32
    %c0_i32_1 = arith.constant 0 : i32
    return %c0_i32, %c0_i32_0 : i32, i32
  }
  func.func @transform_10(%arg0: i32) -> (i32, i32) {
    %c0_i32 = arith.constant 0 : i32
    %c0_i32_0 = arith.constant 0 : i32
    %c0_i32_1 = arith.constant 0 : i32
    return %c0_i32, %c0_i32_0 : i32, i32
  }
}

module attributes {stable_mosaic.version = 14 : i64} {
  func.func @_ffn1_body(%arg0: i32, %arg1: i32, %arg2: memref<128xi32, #tpu.memory_space<smem>>, %arg3: memref<256x2048xf32, #tpu.memory_space<vmem>>, %arg4: memref<1x1024x2048xbf16, #tpu.memory_space<vmem>>, %arg5: memref<1x1x1024xf32, #tpu.memory_space<vmem>>, %arg6: memref<1x1024x2048xbf16, #tpu.memory_space<vmem>>, %arg7: memref<1x1x1024xf32, #tpu.memory_space<vmem>>, %arg8: memref<256x1024xbf16, #tpu.memory_space<vmem>>) attributes {dimension_semantics = [#tpu.dimension_semantics<arbitrary>, #tpu.dimension_semantics<arbitrary>], iteration_bounds = array<i64: 2, 72>, scalar_prefetch = 1 : i64, scratch_operands = 0 : i64, tpu.core_type = #tpu.core_type<tc>, window_params = [{transform_indices = @transform_0, window_bounds = array<i64: 256, 2048>}, {transform_indices = @transform_1, window_bounds = array<i64: 1, 1024, 2048>}, {transform_indices = @transform_2, window_bounds = array<i64: 1, 1, 1024>}, {transform_indices = @transform_3, window_bounds = array<i64: 1, 1024, 2048>}, {transform_indices = @transform_4, window_bounds = array<i64: 1, 1, 1024>}, {transform_indices = @transform_5, window_bounds = array<i64: 256, 1024>}]} {
    %get3A = arith.constant 0 : index
    %get3A_0 = arith.constant 0 : index
    %get3A_1 = vector.load %arg3[%get3A, %get3A_0] : memref<256x2048xf32, #tpu.memory_space<vmem>>, vector<256x2048xf32>
    %convert_element_type3A = arith.truncf %get3A_1 : vector<256x2048xf32> to vector<256x2048xbf16>
    %get3A_2 = arith.constant 0 : index
    %get3A_3 = arith.constant 0 : index
    %get3A_4 = arith.constant 0 : index
    %get3A_5 = vector.load %arg4[%get3A_2, %get3A_3, %get3A_4] : memref<1x1024x2048xbf16, #tpu.memory_space<vmem>>, vector<1x1024x2048xbf16>
    %get3A_6 = vector.shape_cast %get3A_5 : vector<1x1024x2048xbf16> to vector<1024x2048xbf16>
    %dot_general3A = arith.constant dense<0.000000e+00> : vector<256x1024xf32>
    %dot_general3A_7 = tpu.matmul %convert_element_type3A, %get3A_6, %dot_general3A {dimension_numbers = #tpu.dot_dimension_numbers<[1], [1], [0], [0], [0, 0, 1, 0], [], []>, transpose_lhs_hint = false} : vector<256x2048xbf16>, vector<1024x2048xbf16>, vector<256x1024xf32> -> vector<256x1024xf32>
    %get3A_8 = arith.constant 0 : index
    %get3A_9 = arith.constant 0 : index
    %get3A_10 = arith.constant 0 : index
    %get3A_11 = vector.load %arg5[%get3A_8, %get3A_9, %get3A_10] : memref<1x1x1024xf32, #tpu.memory_space<vmem>>, vector<1x1x1024xf32>
    %get3A_12 = vector.shape_cast %get3A_11 : vector<1x1x1024xf32> to vector<1x1024xf32>
    %add3A = vector.broadcast %get3A_12 : vector<1x1024xf32> to vector<256x1024xf32>
    %add3A_13 = arith.addf %dot_general3A_7, %add3A : vector<256x1024xf32>
    %get3A_14 = arith.constant 0 : index
    %get3A_15 = arith.constant 0 : index
    %get3A_16 = arith.constant 0 : index
    %get3A_17 = vector.load %arg6[%get3A_14, %get3A_15, %get3A_16] : memref<1x1024x2048xbf16, #tpu.memory_space<vmem>>, vector<1x1024x2048xbf16>
    %get3A_18 = vector.shape_cast %get3A_17 : vector<1x1024x2048xbf16> to vector<1024x2048xbf16>
    %dot_general3A_19 = arith.constant dense<0.000000e+00> : vector<256x1024xf32>
    %dot_general3A_20 = tpu.matmul %convert_element_type3A, %get3A_18, %dot_general3A_19 {dimension_numbers = #tpu.dot_dimension_numbers<[1], [1], [0], [0], [0, 0, 1, 0], [], []>, transpose_lhs_hint = false} : vector<256x2048xbf16>, vector<1024x2048xbf16>, vector<256x1024xf32> -> vector<256x1024xf32>
    %get3A_21 = arith.constant 0 : index
    %get3A_22 = arith.constant 0 : index
    %get3A_23 = arith.constant 0 : index
    %get3A_24 = vector.load %arg7[%get3A_21, %get3A_22, %get3A_23] : memref<1x1x1024xf32, #tpu.memory_space<vmem>>, vector<1x1x1024xf32>
    %get3A_25 = vector.shape_cast %get3A_24 : vector<1x1x1024xf32> to vector<1x1024xf32>
    %add3A_26 = vector.broadcast %get3A_25 : vector<1x1024xf32> to vector<256x1024xf32>
    %add3A_27 = arith.addf %dot_general3A_20, %add3A_26 : vector<256x1024xf32>
    %min3A = arith.constant 7.000000e+00 : f32
    %min3A_28 = vector.broadcast %min3A : f32 to vector<256x1024xf32>
    %min3A_29 = arith.minimumf %add3A_13, %min3A_28 : vector<256x1024xf32>
    %jit3A = arith.constant -7.000000e+00 : f32
    %jit3A_30 = arith.constant 7.000000e+00 : f32
    %max3A = vector.broadcast %jit3A : f32 to vector<256x1024xf32>
    %max3A_31 = arith.maximumf %max3A, %add3A_27 : vector<256x1024xf32>
    %min3A_32 = vector.broadcast %jit3A_30 : f32 to vector<256x1024xf32>
    %min3A_33 = arith.minimumf %min3A_32, %max3A_31 : vector<256x1024xf32>
    %mul3A = arith.constant 1.702000e+00 : f32
    %mul3A_34 = vector.broadcast %mul3A : f32 to vector<256x1024xf32>
    %mul3A_35 = arith.mulf %mul3A_34, %min3A_29 : vector<256x1024xf32>
    %logistic3A = arith.negf %mul3A_35 : vector<256x1024xf32>
    %logistic3A_36 = math.exp %logistic3A : vector<256x1024xf32>
    %logistic3A_37 = arith.constant 1.000000e+00 : f32
    %logistic3A_38 = vector.broadcast %logistic3A_37 : f32 to vector<256x1024xf32>
    %logistic3A_39 = arith.addf %logistic3A_38, %logistic3A_36 : vector<256x1024xf32>
    %logistic3A_40 = arith.divf %logistic3A_38, %logistic3A_39 : vector<256x1024xf32>
    %mul3A_41 = arith.mulf %min3A_29, %logistic3A_40 : vector<256x1024xf32>
    %add3A_42 = arith.constant 1.000000e+00 : f32
    %add3A_43 = vector.broadcast %add3A_42 : f32 to vector<256x1024xf32>
    %add3A_44 = arith.addf %min3A_33, %add3A_43 : vector<256x1024xf32>
    %mul3A_45 = arith.mulf %mul3A_41, %add3A_44 : vector<256x1024xf32>
    %convert_element_type3A_46 = arith.truncf %mul3A_45 : vector<256x1024xf32> to vector<256x1024xbf16>
    %swap3A = arith.constant 0 : index
    %swap3A_47 = arith.constant 0 : index
    %swap3A_48 = vector.load %arg8[%swap3A, %swap3A_47] : memref<256x1024xbf16, #tpu.memory_space<vmem>>, vector<256x1024xbf16>
    tpu.vector_store %arg8[%swap3A, %swap3A_47], %convert_element_type3A_46 {strides = array<i32>} : memref<256x1024xbf16, #tpu.memory_space<vmem>>, vector<256x1024xbf16>,
    return
  }
  func.func @transform_0(%arg0: i32, %arg1: i32, %arg2: memref<128xi32, #tpu.memory_space<smem>>) -> (i32, i32) {
    %c0_i32 = arith.constant 0 : i32
    %c0_i32_0 = arith.constant 0 : i32
    return %arg1, %c0_i32 : i32, i32
  }
  func.func @transform_1(%arg0: i32, %arg1: i32, %arg2: memref<128xi32, #tpu.memory_space<smem>>) -> (i32, i32, i32) {
    %get3A = arith.index_cast %arg1 : i32 to index
    %get3A_0 = memref.load %arg2[%get3A] : memref<128xi32, #tpu.memory_space<smem>>
    %c0_i32 = arith.constant 0 : i32
    %c0_i32_1 = arith.constant 0 : i32
    return %get3A_0, %arg0, %c0_i32 : i32, i32, i32
  }
  func.func @transform_2(%arg0: i32, %arg1: i32, %arg2: memref<128xi32, #tpu.memory_space<smem>>) -> (i32, i32, i32) {
    %get3A = arith.index_cast %arg1 : i32 to index
    %get3A_0 = memref.load %arg2[%get3A] : memref<128xi32, #tpu.memory_space<smem>>
    %c0_i32 = arith.constant 0 : i32
    %c0_i32_1 = arith.constant 0 : i32
    return %get3A_0, %c0_i32, %arg0 : i32, i32, i32
  }
  func.func @transform_3(%arg0: i32, %arg1: i32, %arg2: memref<128xi32, #tpu.memory_space<smem>>) -> (i32, i32, i32) {
    %get3A = arith.index_cast %arg1 : i32 to index
    %get3A_0 = memref.load %arg2[%get3A] : memref<128xi32, #tpu.memory_space<smem>>
    %c0_i32 = arith.constant 0 : i32
    %c0_i32_1 = arith.constant 0 : i32
    return %get3A_0, %arg0, %c0_i32 : i32, i32, i32
  }
  func.func @transform_4(%arg0: i32, %arg1: i32, %arg2: memref<128xi32, #tpu.memory_space<smem>>) -> (i32, i32, i32) {
    %get3A = arith.index_cast %arg1 : i32 to index
    %get3A_0 = memref.load %arg2[%get3A] : memref<128xi32, #tpu.memory_space<smem>>
    %c0_i32 = arith.constant 0 : i32
    %c0_i32_1 = arith.constant 0 : i32
    return %get3A_0, %c0_i32, %arg0 : i32, i32, i32
  }
  func.func @transform_5(%arg0: i32, %arg1: i32, %arg2: memref<128xi32, #tpu.memory_space<smem>>) -> (i32, i32) {
    %c0_i32 = arith.constant 0 : i32
    return %arg1, %arg0 : i32, i32
  }
}

module attributes {stable_mosaic.version = 14 : i64} {
  func.func @_ffn2_body(%arg0: i32, %arg1: memref<128xi32, #tpu.memory_space<smem>>, %arg2: memref<256x2048xbf16, #tpu.memory_space<vmem>>, %arg3: memref<1x2048x2048xbf16, #tpu.memory_space<vmem>>, %arg4: memref<1x1x2048xf32, #tpu.memory_space<vmem>>, %arg5: memref<256x2048xf32, #tpu.memory_space<vmem>>) attributes {dimension_semantics = [#tpu.dimension_semantics<arbitrary>], iteration_bounds = array<i64: 72>, scalar_prefetch = 1 : i64, scratch_operands = 0 : i64, tpu.core_type = #tpu.core_type<tc>, window_params = [{transform_indices = @transform_0, window_bounds = array<i64: 256, 2048>}, {transform_indices = @transform_1, window_bounds = array<i64: 1, 2048, 2048>}, {transform_indices = @transform_2, window_bounds = array<i64: 1, 1, 2048>}, {transform_indices = @transform_3, window_bounds = array<i64: 256, 2048>}]} {
    %get3A = arith.constant 0 : index
    %get3A_0 = arith.constant 0 : index
    %get3A_1 = vector.load %arg2[%get3A, %get3A_0] : memref<256x2048xbf16, #tpu.memory_space<vmem>>, vector<256x2048xbf16>
    %get3A_2 = arith.constant 0 : index
    %get3A_3 = arith.constant 0 : index
    %get3A_4 = arith.constant 0 : index
    %get3A_5 = vector.load %arg3[%get3A_2, %get3A_3, %get3A_4] : memref<1x2048x2048xbf16, #tpu.memory_space<vmem>>, vector<1x2048x2048xbf16>
    %get3A_6 = vector.shape_cast %get3A_5 : vector<1x2048x2048xbf16> to vector<2048x2048xbf16>
    %dot_general3A = arith.constant dense<0.000000e+00> : vector<256x2048xf32>
    %dot_general3A_7 = tpu.matmul %get3A_1, %get3A_6, %dot_general3A {dimension_numbers = #tpu.dot_dimension_numbers<[1], [1], [0], [0], [0, 0, 1, 0], [], []>, transpose_lhs_hint = false} : vector<256x2048xbf16>, vector<2048x2048xbf16>, vector<256x2048xf32> -> vector<256x2048xf32>
    %get3A_8 = arith.constant 0 : index
    %get3A_9 = arith.constant 0 : index
    %get3A_10 = arith.constant 0 : index
    %get3A_11 = vector.load %arg4[%get3A_8, %get3A_9, %get3A_10] : memref<1x1x2048xf32, #tpu.memory_space<vmem>>, vector<1x1x2048xf32>
    %get3A_12 = vector.shape_cast %get3A_11 : vector<1x1x2048xf32> to vector<1x2048xf32>
    %add3A = vector.broadcast %get3A_12 : vector<1x2048xf32> to vector<256x2048xf32>
    %add3A_13 = arith.addf %dot_general3A_7, %add3A : vector<256x2048xf32>
    %swap3A = arith.constant 0 : index
    %swap3A_14 = arith.constant 0 : index
    %swap3A_15 = vector.load %arg5[%swap3A, %swap3A_14] : memref<256x2048xf32, #tpu.memory_space<vmem>>, vector<256x2048xf32>
    tpu.vector_store %arg5[%swap3A, %swap3A_14], %add3A_13 {strides = array<i32>} : memref<256x2048xf32, #tpu.memory_space<vmem>>, vector<256x2048xf32>,
    return
  }
  func.func @transform_0(%arg0: i32, %arg1: memref<128xi32, #tpu.memory_space<smem>>) -> (i32, i32) {
    %c0_i32 = arith.constant 0 : i32
    %c0_i32_0 = arith.constant 0 : i32
    return %arg0, %c0_i32 : i32, i32
  }
  func.func @transform_1(%arg0: i32, %arg1: memref<128xi32, #tpu.memory_space<smem>>) -> (i32, i32, i32) {
    %get3A = arith.index_cast %arg0 : i32 to index
    %get3A_0 = memref.load %arg1[%get3A] : memref<128xi32, #tpu.memory_space<smem>>
    %c0_i32 = arith.constant 0 : i32
    %c0_i32_1 = arith.constant 0 : i32
    %c0_i32_2 = arith.constant 0 : i32
    return %get3A_0, %c0_i32, %c0_i32_1 : i32, i32, i32
  }
  func.func @transform_2(%arg0: i32, %arg1: memref<128xi32, #tpu.memory_space<smem>>) -> (i32, i32, i32) {
    %get3A = arith.index_cast %arg0 : i32 to index
    %get3A_0 = memref.load %arg1[%get3A] : memref<128xi32, #tpu.memory_space<smem>>
    %c0_i32 = arith.constant 0 : i32
    %c0_i32_1 = arith.constant 0 : i32
    %c0_i32_2 = arith.constant 0 : i32
    return %get3A_0, %c0_i32, %c0_i32_1 : i32, i32, i32
  }
  func.func @transform_3(%arg0: i32, %arg1: memref<128xi32, #tpu.memory_space<smem>>) -> (i32, i32) {
    %c0_i32 = arith.constant 0 : i32
    %c0_i32_0 = arith.constant 0 : i32
    return %arg0, %c0_i32 : i32, i32
  }
}

</mosaic_0001>

<sc_bundles>
// kernel: kernel.10.cloned.1.call-start
scs
__scs_entry_jumppad:
0x0: {  	(pc) =	sbr.rel $0x88, $3  }
0x1: {  	(tag) =	ssettag $0x0;
	lr =	simm.s32 $0x1  }
0x2: {  	[smem:$0x3F9A] =	sst lr;
	_ =	strace $0xD0000000  }
0x3: {  	_ = 	snop  }
0x4: {  	_ = 	snop  }
0x5: {  	_ = 	snop  }
0x6: {  	_ = 	snop  }
0x7: {  	_ = 	snop  }
__scs_overlays_trampoline_lowered:
0x8: {  	[smem:$0x3FA9] =	sst s0  }
0x9: {  	[smem:$0x3FAA] =	sst s1  }
0xa: {  	[smem:$0x3FAB] =	sst s2  }
0xb: {  	[smem:$0x3FAC] =	sst s3  }
0xc: {  	[smem:$0x3FAD] =	sst s4  }
0xd: {  	[smem:$0x3FAE] =	sst s5  }
0xe: {  	[smem:$0x3FAF] =	sst s6  }
0xf: {  	[smem:$0x3FB0] =	sst s7  }
0x10: {  	[smem:$0x3FB1] =	sst s8  }
0x11: {  	[smem:$0x3FB2] =	sst s9;
	s0 =	simm.s32 @!p0 $0x0  }
0x12: {  	s1 =	sld [smem:$0x3F98];
	s0 =	simm.s32 @p0 $0x1  }
0x13: {  	[smem:$0x3FB3] =	sst s0;
	s0 =	simm.s32 @!p1 $0x0  }
0x14: {  	s2 =	sld [smem:$0x3F97];
	s0 =	simm.s32 @p1 $0x1  }
0x15: {  	[smem:$0x3FB4] =	sst s0;
	s0 =	simm.s32 @!p2 $0x0  }
0x16: {  	s3 =	sld [smem:$0x3FDB];
	s0 =	simm.s32 @p2 $0x1  }
0x17: {  	s4 =	simm.s32 $0x1BF5;
	[smem:$0x3FB6] =	sst s0  }
0x18: {  	s0 =	sld [smem:$0x3F99];
	_ =	swait.ge [sflag:s4], $0x0  }
0x19: {  	s7 =	sld [smem:$0x3F9A]  }
0x1a: {  	s8 =	sadd.s32 $0xFFFFE003, lr  }
0x1b: {  	s9 =	sadd.s32 $0xFFFFFEF7, lr;
	s5 =	simm.s32 $0xFFFFFFFF;
	p2 =	slt.u32 s8, $0xFFFFF086  }
0x1c: {  	p1 =	slt.u32 s9, $0xF7A;
	s5 =	simm.s32 @!p2 $0x0  }
0x1d: {  	s5 =	simm.s32 @p1 $0x1;
	p0 =	seq.s32 s7, s2  }
0x1e: {  	s7 =	smul.u32 @!p0 $0xF7A, s2;
	p2 =	seq.s32 @!p0 s5, $0x0  }
0x1f: {  	s9 =	smul.u32 $0xF7A, s1;
	s8 =	simm.s32 @!p0 $0x1BF5;
	p2 =	por !p2, p0  }
0x20: {  	[sflag:s8] =	ssyncset.s32 @!p0 $0xFFFFF086;
	s6 =	sadd.s32 @!p0 s3, s7;
	s7 =	simm.s32 @!p0 $0x108  }
0x21: {  	s3 =	sadd.s32 s3, s9;
	s6 =	sadd.s32 @!p0 $0x88, s6;
	s7 =	simm.s32 @p2 $0x1082  }
0x22: {  	[simem:s7], [sflag:s8] =	dma.local @!p0 [hbm:s6], $0xF7A  }
0x23: {  	s9 =	sor.u32 $0xD0000000, s2;
	s6 =	simm.s32 $0x108;
	_ =	swait.ge @!p0 [sflag:s8], $0x0  }
0x24: {  	s3 =	sadd.s32 $0x88, s3;
	s6 =	simm.s32 @!p1 $0x1082;
	[sflag:s4] =	ssyncset.s32 $0xFFFFF086  }
0x25: {  	[simem:s6], [sflag:s4] =	dma.local [hbm:s3], $0xF7A  }
0x26: {  	[smem:$0x3F9A] =	sst s1;
	(tag) =	ssettag s2;
	_ =	strace s9  }
0x27: {  	s1 =	sld [smem:$0x3FAA]  }
0x28: {  	s2 =	sld [smem:$0x3FAB]  }
0x29: {  	s4 =	sld [smem:$0x3FAD]  }
0x2a: {  	p0 =	seq.s32 s5, $0x0;
	s5 =	sld [smem:$0x3FAE]  }
0x2b: {  	s6 =	sld [smem:$0x3FAF]  }
0x2c: {  	s7 =	sld [smem:$0x3FB0]  }
0x2d: {  	s3 =	simm.s32 $0x108;
	s8 =	sld [smem:$0x3FB1]  }
0x2e: {  	s3 =	simm.s32 @!p0 $0x1082;
	s9 =	sld [smem:$0x3FB2]  }
0x2f: {  	lr =	sadd.s32 s0, s3;
	s0 =	sld [smem:$0x3FA9]  }
0x30: {  	s3 =	sld [smem:$0x3FAC]  }
0x31: {  	[smem:$0x3FB5] =	sst s10  }
0x32: {  	s10 =	sld [smem:$0x3FB3];
	_ =	sdelay $0x3  }
0x33: {  	p0 =	seq.s32 s10, $0x1;
	s10 =	sld [smem:$0x3FB5];
	_ =	sdelay $0x3  }
0x34: {  	[smem:$0x3FB5] =	sst s10  }
0x35: {  	s10 =	sld [smem:$0x3FB4];
	_ =	sdelay $0x3  }
0x36: {  	p1 =	seq.s32 s10, $0x1;
	s10 =	sld [smem:$0x3FB5];
	_ =	sdelay $0x3  }
0x37: {  	[smem:$0x3FB5] =	sst s10  }
0x38: {  	s10 =	sld [smem:$0x3FB6]  }
0x39: {  	_ = 	snop;
	(pc) =	sbr.ind lr, $3  }
0x3a: {  	_ = 	snop  }
0x3b: {  	_ = 	snop  }
0x3c: {  	p2 =	seq.s32 s10, $0x1;
	s10 =	sld [smem:$0x3FB5]  }
0x3d: {  	_ =	shalt  }
0x3e: {  	_ =	shalt  }
0x3f: {  	_ =	shalt  }
0x40: {  	_ =	shalt  }
0x41: {  	_ =	shalt  }
0x42: {  	_ =	shalt  }
0x43: {  	_ =	shalt  }
0x44: {  	_ =	shalt  }
0x45: {  	_ =	shalt  }
0x46: {  	_ =	shalt  }
0x47: {  	_ =	shalt  }
0x48: {  	_ =	shalt  }
0x49: {  	_ =	shalt  }
0x4a: {  	_ =	shalt  }
0x4b: {  	_ =	shalt  }
0x4c: {  	_ =	shalt  }
0x4d: {  	_ =	shalt  }
0x4e: {  	_ =	shalt  }
0x4f: {  	_ =	shalt  }
0x50: {  	_ =	shalt  }
0x51: {  	_ =	shalt  }
0x52: {  	_ =	shalt  }
0x53: {  	_ =	shalt  }
0x54: {  	_ =	shalt  }
0x55: {  	_ =	shalt  }
0x56: {  	_ =	shalt  }
0x57: {  	_ =	shalt  }
0x58: {  	_ =	shalt  }
0x59: {  	_ =	shalt  }
0x5a: {  	_ =	shalt  }
0x5b: {  	_ =	shalt  }
0x5c: {  	_ =	shalt  }
0x5d: {  	_ =	shalt  }
0x5e: {  	_ =	shalt  }
0x5f: {  	_ =	shalt  }
0x60: {  	_ =	shalt  }
0x61: {  	_ =	shalt  }
0x62: {  	_ =	shalt  }
0x63: {  	_ =	shalt  }
0x64: {  	_ =	shalt  }
0x65: {  	_ =	shalt  }
0x66: {  	_ =	shalt  }
0x67: {  	_ =	shalt  }
0x68: {  	_ =	shalt  }
0x69: {  	_ =	shalt  }
0x6a: {  	_ =	shalt  }
0x6b: {  	_ =	shalt  }
0x6c: {  	_ =	shalt  }
0x6d: {  	_ =	shalt  }
0x6e: {  	_ =	shalt  }
0x6f: {  	_ =	shalt  }
0x70: {  	_ =	shalt  }
0x71: {  	_ =	shalt  }
0x72: {  	_ =	shalt  }
0x73: {  	_ =	shalt  }
0x74: {  	_ =	shalt  }
0x75: {  	_ =	shalt  }
0x76: {  	_ =	shalt  }
0x77: {  	_ =	shalt  }
0x78: {  	_ =	shalt  }
0x79: {  	_ =	shalt  }
0x7a: {  	_ =	shalt  }
0x7b: {  	_ =	shalt  }
0x7c: {  	_ =	shalt  }
0x7d: {  	_ =	shalt  }
0x7e: {  	_ =	shalt  }
0x7f: {  	_ =	shalt  }
0x80: {  	_ =	shalt  }
0x81: {  	_ =	shalt  }
0x82: {  	_ =	shalt  }
0x83: {  	_ =	shalt  }
0x84: {  	_ =	shalt  }
0x85: {  	_ =	shalt  }
0x86: {  	_ =	shalt  }
0x87: {  	_ =	shalt  }
.Lfunc_end0:
.L_simem_size_0:
called_computation.1_lowered:
.L_overlay_start_0:
0x88: {  	s2 =	sld [smem:$0x3FD9]  }
0x89: {  	s3 =	sld [smem:$0x3FFE];
	_ =	sdelay $0x1  }
0x8a: {  	s1 =	srdreg.scid  }
0x8b: {  	s0 =	sand.u32 $0x1, s1  }
0x8c: {  	s17 =	sshll.u32 s0, $0xA;
	s2 =	sadd.s32 s3, s2  }
0x8d: {  	s2 =	sadd.s32 s2, s17  }
0x8e: {  	[smem:$0x3FC1] =	sst s2  }
0x8f: {  	_ = 	snop  }
0x90: {  	s2 =	sld [smem:$0x3FD0];
	(tm) =	ssettm $0x1  }
0x91: {  	s18 =	sld [smem:$0x3FFB];
	_ =	sdelay $0x3  }
0x92: {  	_ =	strace s18  }
0x93: {  	s3 =	sld [smem:$0x3FFC];
	_ =	sdelay $0x3  }
0x94: {  	_ =	strace s3  }
0x95: {  	s3 =	sld [smem:$0x3FFD];
	_ =	sdelay $0x3  }
0x96: {  	_ =	strace s3  }
0x97: {  	_ =	strace $0x8FFFFFFF  }
0x98: {  	s19 =	sld [smem:$0x3FDB];
	_ =	sdelay $0x1  }
0x99: {  	s4 =	simm.s32 $_scs_section_size  }
0x9a: {  	s5 =	simm.s32 $_size__tile_overlayer_lowered;
	s6 =	simm.s32 $_tile_overlayer_lowered  }
0x9b: {  	s22 =	simm.s32 $0x1BFF;
	s21 =	sshll.u32 s6, $0x1;
	s3 =	sadd.s32 s4, s19  }
0x9c: {  	s7 =	simm.s32 $0x0;
	s20 =	sshll.u32 s5, $0x1;
	s5 =	sadd.s32 s21, s3  }
0x9d: {  	[timem:s7], [sflag:s22] =	dma.local [hbm:s5], s20  }
0x9e: {  	_ =	swait.ge [sflag:s22], s20  }
0x9f: {  	s4 =	ssub.s32 $0x0, s20;
	[sflag:s22] =	ssyncset.done $0x0  }
0xa0: {  	[sflag:s22] =	ssyncadd.s32 s4;
	_ =	sdelay $0x1  }
0xa1: {  	s23 =	simm.s32 $0x1B8B  }
0xa2: {  	_ =	swait.ge [sflag:s23], $0x1  }
0xa3: {  	[sflag:s23] =	ssyncset.done $0x0  }
0xa4: {  	s25 =	simm.s32 $0x1B8E;
	s24 =	sld [smem:$0x3FFE];
	[sflag:s23] =	ssyncadd.s32 $0xFFFFFFFF  }
0xa5: {  	s26 =	simm.s32 $execute0_lowered;
	[smem:$0x3FD2] =	sst s25  }
0xa6: {  	s5 =	sshll.u32 s26, $0x1;
	_ =	strace $0x80000049;
	[dreg:$0x1] =	wrdreg $0xFFFFFFFF  }
0xa7: {  	s28 =	simm.s32 $_size_execute0_lowered;
	s3 =	sadd.s32 s3, s5;
	[dreg:$0x0] =	wrdreg $0x0  }
0xa8: {  	s5 =	sshll.u32 s28, $0x1;
	[dreg:$0x2] =	wrdreg s3  }
0xa9: {  	[dreg:$0x3] =	wrdreg s5  }
0xaa: {  	[dreg:$0x4] =	wrdreg $0xC0  }
0xab: {  	_ =	task [dreg:s7], $0x5FFFF  }
0xac: {  	[dreg:$0x1] =	wrdreg $0xFFFFFFFF  }
0xad: {  	[dreg:$0x0] =	wrdreg $0x60  }
0xae: {  	[dreg:$0x2] =	wrdreg s24  }
0xaf: {  	[dreg:$0x3] =	wrdreg s2  }
0xb0: {  	[dreg:$0x4] =	wrdreg $0x9  }
0xb1: {  	_ =	task.clear_ibuf [dreg:s7], $0x5FFFF;
	_ =	strace $0x90000049  }
0xb2: {  	s29 =	simm.s32 $0x9;
	_ =	strace $0x8000004B  }
0xb3: {  	_ =	swait.ge [sflag:s29], $0x1  }
0xb4: {  	[sflag:s29] =	ssyncadd.s32 $0xFFFFFFFF  }
0xb5: {  	_ =	strace $0x9000004B  }
0xb6: {  	_ =	sfence  }
0xb7: {  	s30 =	sld [smem:$0x0];
	_ =	sdelay $0x2  }
0xb8: {  	s31 =	sshll.u32 s1, $0xD;
	s1 =	sshrl.u32 s1, $0x2  }
0xb9: {  	s3 =	sand.u32 $0x4000, s31;
	s1 =	sadd.s32 s1, s30  }
0xba: {  	s0 =	sor.u32 s3, s0;
	s1 =	sshll.u32 s1, $0x11  }
0xbb: {  	s0 =	sor.u32 s1, s0  }
0xbc: {  	s0 =	sadd.s32 $0x8F2B, s0  }
0xbd: {  	[sflag:s0] =	ssyncadd.remote.s32 $0x1  }
0xbe: {  	_ =	sfence.sel $0xFFFF  }
0xbf: {  	[dreg:$0x0] =	wrdreg $0xFFFFFFFF;
	(pc) =	sbr.abs _section_cstart, $3  }
0xc0: {  	[dreg:$0x1] =	wrdreg $0xFFFFFFFF  }
0xc1: {  	_ =	task.clear_ibuf [dreg:s7], $0x2FFFF;
	_ =	strace $0x9FFFFFFF  }
0xc2: {  	(tm) =	ssettm $0x7FFFFFFF  }
0xc3: {  	_ =	shalt  }
tec
execute0_lowered:
.L_overlay_start_1:
0x0: {  	(tag) =	ssettag $0x1  }
0x1: {  	s0 =	rddreg [dreg:$0x0]  }
0x2: {  	s1 =	srdreg.scid;
	s2 =	stileid.u32;
	s3 =	simm.s32 $0x0  }
0x3: {  	s21 =	simm.s32 $0x2;
	s29 =	simm.s32 $0x1800;
	s9 =	simm.s32 $0xF000  }
0x4: {  	s10 =	simm.s32 $0xF800;
	s11 =	simm.s32 $0x10000;
	s12 =	simm.s32 $0x10800  }
0x5: {  	s20 =	simm.s32 $0x11000;
	s1 =	sand.u32 $0x1, s1;
	s2 =	sshll.u32 s2, $0x9  }
0x6: {  	[smem:$0x7FF] =	sst s3;
	s5 =	sadd.s32 $0x42600, s0;
	s6 =	sadd.s32 $0x21400, s0  }
0x7: {  	s7 =	sadd.s32 $0xC00, s0;
	s8 =	sadd.s32 $0x20C00, s0;
	s13 =	sadd.s32 $0x42700, s0  }
0x8: {  	s14 =	sadd.s32 $0x42800, s0;
	s4 =	sshll.u32 s1, $0x8;
	s1 =	ssub.s32 $0x2, s1  }
0x9: {  	s15 =	sadd.s32 $0x42900, s0;
	s4 =	sor.u32 s4, s2;
	s25 =	sshrl.u32 s1, $0x1  }
0xa: {  	_ =	strace $0x8000004A;
	s2 =	sshrl.u32 s4, $0x3;
	s1 =	ssub.s32 s1, s25  }
0xb: {  	[dreg:$0x3] =	wrdreg s8;
	s2 =	sadd.s32 s2, s0;
	s31 =	smax.u32 s1, $0x1  }
0xc: {  	s16 =	sadd.s32 $0x42A00, s0;
	s26 =	sadd.s32 $0x41600, s2;
	[dreg:$0x8] =	wrdreg s31  }
0xd: {  	s17 =	sadd.s32 $0x42B00, s0;
	s28 =	sadd.s32 $0x41A00, s2;
	[dreg:$0x4] =	wrdreg s26  }
0xe: {  	v2 =	vlaneseq.u32;
	s18 =	sadd.s32 $0x42C00, s0;
	s30 =	sadd.s32 $0x41E00, s2;
	[dreg:$0x5] =	wrdreg s28  }
0xf: {  	vm0 =	vmmov $0xffff;
	s19 =	sadd.s32 $0x42D00, s0;
	v1 =	vshrl.u32 v2, $0x3;
	s2 =	sadd.s32 $0x42200, s2;
	[dreg:$0x6] =	wrdreg s30  }
0x10: {  	v0 =	vand.u32 $0x7, v2;
	v2 =	vor.u32 $0x8, v2;
	v1 =	vmul.u32 $0x8, v1;
	s1 =	simm.s32 $0x0;
	[dreg:$0x7] =	wrdreg s2;
	s2 =	simm.s32 $0x1  }
.LBB2_1:
0x11: {  	[dreg:$0x9] =	wrdreg s1  }
0x12: {  	s0 =	rddreg [dreg:$0x3]  }
0x13: {  	[tilespmem:s3], [sflag:$0x2] =	stream.linear.gather [hbm4b:s0+s3], $0x400, $0x38;
	[tilespmem:$0x11800] =	vst v63  }
0x14: {  	_ =	swait.ge [sflag:s21], $0x400  }
0x15: {  	[sflag:s21] =	ssyncset.done $0x0  }
0x16: {  	s23 =	simm.s32 $0x400;
	s22 =	rddreg [dreg:$0x4];
	[sflag:s21] =	ssyncadd.s32 $0xFFFFFC00  }
0x17: {  	[tilespmem:s23], [sflag:$0x2] =	stream.linear.gather [hbm4b:s22+s3], $0x100, $0x38;
	[tilespmem:$0x11800] =	vst v63  }
0x18: {  	_ =	swait.ge [sflag:s21], $0x100  }
0x19: {  	[sflag:s21] =	ssyncset.done $0x0  }
0x1a: {  	s25 =	simm.s32 $0x500;
	s24 =	rddreg [dreg:$0x5];
	[sflag:s21] =	ssyncadd.s32 $0xFFFFFF00  }
0x1b: {  	[tilespmem:s25], [sflag:$0x2] =	stream.linear.gather [hbm4b:s24+s3], $0x100, $0x38;
	[tilespmem:$0x11800] =	vst v63  }
0x1c: {  	_ =	swait.ge [sflag:s21], $0x100  }
0x1d: {  	[sflag:s21] =	ssyncset.done $0x0  }
0x1e: {  	s28 =	simm.s32 $0x600;
	s26 =	rddreg [dreg:$0x6];
	[sflag:s21] =	ssyncadd.s32 $0xFFFFFF00  }
0x1f: {  	[tilespmem:s28], [sflag:$0x2] =	stream.linear.gather [hbm4b:s26+s3], $0x100, $0x38;
	[tilespmem:$0x11800] =	vst v63  }
0x20: {  	_ =	swait.ge [sflag:s21], $0x100  }
0x21: {  	[sflag:s21] =	ssyncset.done $0x0  }
0x22: {  	s31 =	simm.s32 $0x700;
	s30 =	rddreg [dreg:$0x7];
	[sflag:s21] =	ssyncadd.s32 $0xFFFFFF00  }
0x23: {  	[tilespmem:s31], [sflag:$0x2] =	stream.linear.gather [hbm4b:s30+s3], $0x100, $0x38;
	[tilespmem:$0x11800] =	vst v63  }
0x24: {  	_ =	swait.ge [sflag:s21], $0x100  }
0x25: {  	[sflag:s21] =	ssyncset.done $0x0  }
0x26: {  	s26 =	simm.s32 $0x0;
	[sflag:s21] =	ssyncadd.s32 $0xFFFFFF00  }
.LBB2_2:
0x27: {  	s1 =	sshll.u32 s26, $0x4  }
0x28: {  	s28 =	sor.u32 s4, s1  }
0x29: {  	s22 =	sshll.u32 s28, $0x4  }
0x2a: {  	s0 =	simm.s32 $0x0;
	s8 =	simm.s32 $0x800;
	s23 =	sadd.s32 s6, s22  }
0x2b: {  	[tilespmem:s8], [sflag:$0x2] =	stream.linear.gather [hbm4b:s23+s0], $0x800, $0x38;
	[tilespmem:$0x11800] =	vst v63  }
0x2c: {  	_ =	swait.ge [sflag:s21], $0x800  }
0x2d: {  	[sflag:s21] =	ssyncset.done $0x0  }
0x2e: {  	s22 =	sadd.s32 s7, s22;
	s23 =	simm.s32 $0x1000;
	[sflag:s21] =	ssyncadd.s32 $0xFFFFF800  }
0x2f: {  	[tilespmem:s23], [sflag:$0x2] =	stream.linear.gather [hbm4b:s22+s0], $0x800, $0x38;
	[tilespmem:$0x11800] =	vst v63  }
0x30: {  	_ =	swait.ge [sflag:s21], $0x800  }
0x31: {  	[sflag:s21] =	ssyncset.done $0x0  }
0x32: {  	[sflag:s21] =	ssyncadd.s32 $0xFFFFF800  }
0x33: {  	v3 =	vld [tilespmem:s1+$0x400]  }
0x34: {  	v4 =	vld [tilespmem:$0x80]  }
0x35: {  	v5 =	vld [tilespmem:$0x100]  }
0x36: {  	v6 =	vld [tilespmem:$0x180]  }
0x37: {  	v7 =	vld [tilespmem:$0x200]  }
0x38: {  	v8 =	vld [tilespmem:$0x280]  }
0x39: {  	v9 =	vld [tilespmem:$0x300];
	vm1 =	veq.s32 v3, $0x1;
	vm2 =	veq.s32 v3, $0x2  }
0x3a: {  	v12 =	vld [tilespmem:$0x380];
	v10 =	vnsel vm1, $0x0, v4;
	v11 =	vnsel vm2, $0x0, v5;
	vm1 =	veq.s32 v3, $0x3  }
0x3b: {  	v10 =	vadd.s32 v10, v11;
	v11 =	vnsel vm1, $0x0, v6;
	vm1 =	veq.s32 v3, $0x4  }
0x3c: {  	v13 =	vld [tilespmem:s1+$0x600];
	v10 =	vadd.s32 v11, v10;
	v11 =	vnsel vm1, $0x0, v7;
	vm1 =	veq.s32 v3, $0x5  }
0x3d: {  	v10 =	vadd.s32 v11, v10;
	v11 =	vnsel vm1, $0x0, v8;
	vm1 =	veq.s32 v3, $0x6  }
0x3e: {  	v10 =	vadd.s32 v11, v10;
	v11 =	vnsel vm1, $0x0, v9;
	vm1 =	veq.s32 v3, $0x7  }
0x3f: {  	v3 =	vadd.s32 v11, v10;
	v10 =	vnsel vm1, $0x0, v12  }
0x40: {  	v3 =	vadd.s32 v10, v3  }
0x41: {  	v3 =	vadd.s32 v13, v3  }
0x42: {  	v10 =	vshll.u32 v3, $0x4  }
0x43: {  	v3 =	vand.u32 $0x7, v3;
	v10 =	vand.u32 $0xFFFFFF80, v10  }
0x44: {  	v3 =	vor.u32 v3, v10  }
0x45: {  	v10 =	vperm.xlane v3, v0;
	_ =	sdelay $0x1  }
0x46: {  	v10 =	vadd.s32 v1, v10;
	_ =	sdelay $0x3  }
0x47: {  	v11 =	vld [tilespmem:s1+$0x500]  }
0x48: {  	v13 =	vld [tilespmem:s1+$0x700];
	[tilespmem:s29], [sflag:$0x1] =	stream.indirect_vreg.gather [hbm4b:s5+s0], $0x80, v10, vm0, $0xb8  }
0x49: {  	s24 =	simm.s32 $0x2000  }
0x4a: {  	[tilespmem:s24], [sflag:$0x1] =	stream.indirect_vreg.gather [hbm4b:s13+s0], $0x80, v10, vm0, $0xb8;
	[tilespmem:$0x11800] =	vst v63  }
0x4b: {  	s25 =	simm.s32 $0x2800  }
0x4c: {  	[tilespmem:s25], [sflag:$0x1] =	stream.indirect_vreg.gather [hbm4b:s14+s0], $0x80, v10, vm0, $0xb8;
	[tilespmem:$0x11800] =	vst v63  }
0x4d: {  	s8 =	simm.s32 $0x3000  }
0x4e: {  	[tilespmem:s8], [sflag:$0x1] =	stream.indirect_vreg.gather [hbm4b:s15+s0], $0x80, v10, vm0, $0xb8;
	[tilespmem:$0x11800] =	vst v63  }
0x4f: {  	s22 =	simm.s32 $0x3800  }
0x50: {  	[tilespmem:s22], [sflag:$0x1] =	stream.indirect_vreg.gather [hbm4b:s16+s0], $0x80, v10, vm0, $0xb8;
	[tilespmem:$0x11800] =	vst v63  }
0x51: {  	s23 =	simm.s32 $0x4000;
	v3 =	vperm.xlane v3, v2  }
0x52: {  	[tilespmem:s23], [sflag:$0x1] =	stream.indirect_vreg.gather [hbm4b:s17+s0], $0x80, v10, vm0, $0xb8;
	[tilespmem:$0x11800] =	vst v63  }
0x53: {  	v3 =	vadd.s32 v1, v3;
	s24 =	simm.s32 $0x4800  }
0x54: {  	[tilespmem:s24], [sflag:$0x1] =	stream.indirect_vreg.gather [hbm4b:s18+s0], $0x80, v10, vm0, $0xb8;
	[tilespmem:$0x11800] =	vst v63  }
0x55: {  	vm1 =	veq.s32 v11, $0x2;
	s25 =	simm.s32 $0x5000  }
0x56: {  	v5 =	vnsel vm1, $0x0, v5;
	vm1 =	veq.s32 v11, $0x1;
	[tilespmem:s25], [sflag:$0x1] =	stream.indirect_vreg.gather [hbm4b:s19+s0], $0x80, v10, vm0, $0xb8;
	[tilespmem:$0x11800] =	vst v63  }
0x57: {  	v4 =	vnsel vm1, $0x0, v4;
	vm1 =	veq.s32 v11, $0x3;
	v5 =	vadd.s32 v13, v5;
	s8 =	simm.s32 $0x5800  }
0x58: {  	v6 =	vnsel vm1, $0x0, v6;
	vm1 =	veq.s32 v11, $0x4;
	v4 =	vadd.s32 v4, v5;
	[tilespmem:s8], [sflag:$0x1] =	stream.indirect_vreg.gather [hbm4b:s5+s0], $0x80, v3, vm0, $0xb8;
	[tilespmem:$0x11800] =	vst v63  }
0x59: {  	v5 =	vnsel vm1, $0x0, v7;
	vm1 =	veq.s32 v11, $0x5;
	v4 =	vadd.s32 v6, v4;
	s22 =	simm.s32 $0x6000  }
0x5a: {  	v6 =	vnsel vm1, $0x0, v8;
	vm1 =	veq.s32 v11, $0x6;
	v4 =	vadd.s32 v5, v4;
	[tilespmem:s22], [sflag:$0x1] =	stream.indirect_vreg.gather [hbm4b:s13+s0], $0x80, v3, vm0, $0xb8;
	[tilespmem:$0x11800] =	vst v63  }
0x5b: {  	v5 =	vnsel vm1, $0x0, v9;
	vm1 =	veq.s32 v11, $0x7;
	v4 =	vadd.s32 v6, v4;
	s23 =	simm.s32 $0x6800  }
0x5c: {  	v6 =	vnsel vm1, $0x0, v12;
	v4 =	vadd.s32 v5, v4;
	[tilespmem:s23], [sflag:$0x1] =	stream.indirect_vreg.gather [hbm4b:s14+s0], $0x80, v3, vm0, $0xb8;
	[tilespmem:$0x11800] =	vst v63  }
0x5d: {  	v4 =	vadd.s32 v6, v4;
	s24 =	simm.s32 $0x7000  }
0x5e: {  	v5 =	vshll.u32 v4, $0x4;
	[tilespmem:s24], [sflag:$0x1] =	stream.indirect_vreg.gather [hbm4b:s15+s0], $0x80, v3, vm0, $0xb8;
	[tilespmem:$0x11800] =	vst v63  }
0x5f: {  	v4 =	vand.u32 $0x7, v4;
	v5 =	vand.u32 $0xFFFFFF80, v5;
	s25 =	simm.s32 $0x7800  }
0x60: {  	v4 =	vor.u32 v4, v5;
	[tilespmem:s25], [sflag:$0x1] =	stream.indirect_vreg.gather [hbm4b:s16+s0], $0x80, v3, vm0, $0xb8;
	[tilespmem:$0x11800] =	vst v63  }
0x61: {  	v5 =	vperm.xlane v4, v0;
	s8 =	simm.s32 $0x8000  }
0x62: {  	[tilespmem:s8], [sflag:$0x1] =	stream.indirect_vreg.gather [hbm4b:s17+s0], $0x80, v3, vm0, $0xb8;
	[tilespmem:$0x11800] =	vst v63  }
0x63: {  	v5 =	vadd.s32 v1, v5;
	s22 =	simm.s32 $0x8800  }
0x64: {  	[tilespmem:s22], [sflag:$0x1] =	stream.indirect_vreg.gather [hbm4b:s18+s0], $0x80, v3, vm0, $0xb8;
	[tilespmem:$0x11800] =	vst v63  }
0x65: {  	s23 =	simm.s32 $0x9000  }
0x66: {  	[tilespmem:s23], [sflag:$0x1] =	stream.indirect_vreg.gather [hbm4b:s19+s0], $0x80, v3, vm0, $0xb8;
	[tilespmem:$0x11800] =	vst v63  }
0x67: {  	s24 =	simm.s32 $0x9800  }
0x68: {  	[tilespmem:s24], [sflag:$0x1] =	stream.indirect_vreg.gather [hbm4b:s5+s0], $0x80, v5, vm0, $0xb8;
	[tilespmem:$0x11800] =	vst v63  }
0x69: {  	s25 =	simm.s32 $0xA000  }
0x6a: {  	[tilespmem:s25], [sflag:$0x1] =	stream.indirect_vreg.gather [hbm4b:s13+s0], $0x80, v5, vm0, $0xb8;
	[tilespmem:$0x11800] =	vst v63  }
0x6b: {  	s8 =	simm.s32 $0xA800  }
0x6c: {  	[tilespmem:s8], [sflag:$0x1] =	stream.indirect_vreg.gather [hbm4b:s14+s0], $0x80, v5, vm0, $0xb8;
	[tilespmem:$0x11800] =	vst v63  }
0x6d: {  	s22 =	simm.s32 $0xB000  }
0x6e: {  	[tilespmem:s22], [sflag:$0x1] =	stream.indirect_vreg.gather [hbm4b:s15+s0], $0x80, v5, vm0, $0xb8;
	[tilespmem:$0x11800] =	vst v63  }
0x6f: {  	s23 =	simm.s32 $0xB800  }
0x70: {  	[tilespmem:s23], [sflag:$0x1] =	stream.indirect_vreg.gather [hbm4b:s16+s0], $0x80, v5, vm0, $0xb8;
	[tilespmem:$0x11800] =	vst v63  }
0x71: {  	v3 =	vperm.xlane v4, v2;
	s24 =	simm.s32 $0xC000  }
0x72: {  	[tilespmem:s24], [sflag:$0x1] =	stream.indirect_vreg.gather [hbm4b:s17+s0], $0x80, v5, vm0, $0xb8;
	[tilespmem:$0x11800] =	vst v63  }
0x73: {  	v3 =	vadd.s32 v1, v3;
	s25 =	simm.s32 $0xC800  }
0x74: {  	[tilespmem:s25], [sflag:$0x1] =	stream.indirect_vreg.gather [hbm4b:s18+s0], $0x80, v5, vm0, $0xb8;
	[tilespmem:$0x11800] =	vst v63  }
0x75: {  	s8 =	simm.s32 $0xD000  }
0x76: {  	[tilespmem:s8], [sflag:$0x1] =	stream.indirect_vreg.gather [hbm4b:s19+s0], $0x80, v5, vm0, $0xb8;
	[tilespmem:$0x11800] =	vst v63  }
0x77: {  	s22 =	simm.s32 $0xD800  }
0x78: {  	[tilespmem:s22], [sflag:$0x1] =	stream.indirect_vreg.gather [hbm4b:s5+s0], $0x80, v3, vm0, $0xb8;
	[tilespmem:$0x11800] =	vst v63  }
0x79: {  	s23 =	simm.s32 $0xE000  }
0x7a: {  	[tilespmem:s23], [sflag:$0x1] =	stream.indirect_vreg.gather [hbm4b:s13+s0], $0x80, v3, vm0, $0xb8;
	[tilespmem:$0x11800] =	vst v63  }
0x7b: {  	s24 =	simm.s32 $0xE800  }
0x7c: {  	[tilespmem:s24], [sflag:$0x1] =	stream.indirect_vreg.gather [hbm4b:s14+s0], $0x80, v3, vm0, $0xb8;
	[tilespmem:$0x11800] =	vst v63  }
0x7d: {  	_ = 	snop  }
0x7e: {  	[tilespmem:s9], [sflag:$0x1] =	stream.indirect_vreg.gather [hbm4b:s15+s0], $0x80, v3, vm0, $0xb8;
	[tilespmem:$0x11800] =	vst v63  }
0x7f: {  	_ = 	snop  }
0x80: {  	[tilespmem:s10], [sflag:$0x1] =	stream.indirect_vreg.gather [hbm4b:s16+s0], $0x80, v3, vm0, $0xb8;
	[tilespmem:$0x11800] =	vst v63  }
0x81: {  	_ = 	snop  }
0x82: {  	[tilespmem:s11], [sflag:$0x1] =	stream.indirect_vreg.gather [hbm4b:s17+s0], $0x80, v3, vm0, $0xb8;
	[tilespmem:$0x11800] =	vst v63  }
0x83: {  	_ = 	snop  }
0x84: {  	[tilespmem:s12], [sflag:$0x1] =	stream.indirect_vreg.gather [hbm4b:s18+s0], $0x80, v3, vm0, $0xb8;
	[tilespmem:$0x11800] =	vst v63  }
0x85: {  	_ = 	snop  }
0x86: {  	[tilespmem:s20], [sflag:$0x1] =	stream.indirect_vreg.gather [hbm4b:s19+s0], $0x80, v3, vm0, $0xb8;
	[tilespmem:$0x11800] =	vst v63  }
0x87: {  	_ =	swait.ge [sflag:s2], $0x8000  }
0x88: {  	[sflag:s2] =	ssyncset.done $0x0  }
0x89: {  	[sflag:s2] =	ssyncadd.s32 $0xFFFF8000  }
0x8a: {  	_ =	swait.ge [sflag:s2], $0x8000  }
0x8b: {  	[sflag:s2] =	ssyncset.done $0x0  }
0x8c: {  	[sflag:s2] =	ssyncadd.s32 $0xFFFF8000  }
0x8d: {  	v25 =	vld [tilespmem:$0x800]  }
0x8e: {  	v19 =	vld [tilespmem:$0x880]  }
0x8f: {  	v22 =	vld [tilespmem:$0x900]  }
0x90: {  	v20 =	vld [tilespmem:$0x980]  }
0x91: {  	v28 =	vld [tilespmem:$0xA00]  }
0x92: {  	v23 =	vld [tilespmem:$0xA80]  }
0x93: {  	v26 =	vld [tilespmem:$0xB00]  }
0x94: {  	v18 =	vld [tilespmem:$0xB80]  }
0x95: {  	v4 =	vld [tilespmem:$0xC00]  }
0x96: {  	v5 =	vld [tilespmem:$0xC80]  }
0x97: {  	v7 =	vld [tilespmem:$0xD00]  }
0x98: {  	v10 =	vld [tilespmem:$0xD80]  }
0x99: {  	v6 =	vld [tilespmem:$0xE00]  }
0x9a: {  	v8 =	vld [tilespmem:$0xE80]  }
0x9b: {  	v14 =	vld [tilespmem:$0xF00]  }
0x9c: {  	v3 =	vld [tilespmem:$0xF80]  }
0x9d: {  	v32 =	vld [tilespmem:$0x1000]  }
0x9e: {  	v24 =	vld [tilespmem:$0x1080]  }
0x9f: {  	v29 =	vld [tilespmem:$0x1100]  }
0xa0: {  	v27 =	vld [tilespmem:$0x1180]  }
0xa1: {  	v34 =	vld [tilespmem:$0x1200]  }
0xa2: {  	v31 =	vld [tilespmem:$0x1280]  }
0xa3: {  	v33 =	vld [tilespmem:$0x1300]  }
0xa4: {  	v21 =	vld [tilespmem:$0x1380]  }
0xa5: {  	v9 =	vld [tilespmem:$0x1400]  }
0xa6: {  	v11 =	vld [tilespmem:$0x1480]  }
0xa7: {  	v13 =	vld [tilespmem:$0x1500]  }
0xa8: {  	s25 =	sand.u32 $0x70, s0;
	s8 =	sand.u32 $0x3C00, s0;
	v16 =	vld [tilespmem:$0x1580]  }
0xa9: {  	s1 =	sor.u32 s25, s8;
	v12 =	vld [tilespmem:$0x1600]  }
0xaa: {  	v35 =	vld [tilespmem:s1+$0x1980]  }
0xab: {  	v36 =	vld [tilespmem:s1+$0x1900]  }
0xac: {  	v37 =	vld [tilespmem:s1+$0x1A80]  }
0xad: {  	v17 =	vld [tilespmem:s1+$0x1B00]  }
0xae: {  	v38 =	vld [tilespmem:s1+$0x1880]  }
0xaf: {  	v30 =	vld [tilespmem:s1+$0x1800]  }
0xb0: {  	v39 =	vld [tilespmem:s1+$0x1A00]  }
0xb1: {  	v40 =	vld [tilespmem:s1+$0x9A00]  }
0xb2: {  	v41 =	vld [tilespmem:s1+$0x9800]  }
0xb3: {  	v42 =	vld [tilespmem:s1+$0x9B00]  }
0xb4: {  	v43 =	vld [tilespmem:s1+$0x9A80]  }
0xb5: {  	v44 =	vld [tilespmem:s1+$0x9900]  }
0xb6: {  	v45 =	vld [tilespmem:s1+$0x9980];
	v39 =	vmul.f32 v39, v28;
	v40 =	vmul.f32 v40, v34  }
0xb7: {  	v46 =	vld [tilespmem:s1+$0x9880];
	v47 =	vmul.f32 v30, v25;
	v41 =	vmul.f32 v41, v32  }
0xb8: {  	v15 =	vld [tilespmem:$0x1680];
	v50 =	vmul.f32 v17, v26;
	v42 =	vmul.f32 v42, v33;
	v39 =	vadd.f32 v40, v39  }
0xb9: {  	v30 =	vld [tilespmem:$0x1700];
	v37 =	vmul.f32 v37, v23;
	v43 =	vmul.f32 v43, v31;
	v41 =	vadd.f32 v41, v47  }
0xba: {  	v17 =	vld [tilespmem:$0x1780];
	v36 =	vmul.f32 v36, v22;
	v44 =	vmul.f32 v44, v29;
	v51 =	vadd.f32 v42, v50;
	[tilespmem:s1+$0x1A00] =	vst v39  }
0xbb: {  	v35 =	vmul.f32 v35, v20;
	v52 =	vmul.f32 v45, v27;
	v37 =	vadd.f32 v43, v37;
	[tilespmem:s1+$0x1800] =	vst v41  }
0xbc: {  	v38 =	vmul.f32 v38, v19;
	v53 =	vmul.f32 v46, v24;
	v36 =	vadd.f32 v44, v36;
	[tilespmem:s1+$0x1B00] =	vst v51  }
0xbd: {  	s0 =	sand.u32 $0x7, s0;
	v35 =	vadd.f32 v52, v35;
	[tilespmem:s1+$0x1A80] =	vst v37  }
0xbe: {  	s0 =	sshll.u32 s0, $0x4;
	v54 =	vadd.f32 v53, v38;
	[tilespmem:s1+$0x1900] =	vst v36  }
0xbf: {  	s0 =	sadd.s32 $0x0, s0;
	[tilespmem:s1+$0x1980] =	vst v35  }
0xc0: {  	s23 =	sor.u32 $0x380, s0;
	[tilespmem:s1+$0x1880] =	vst v54  }
0xc1: {  	v35 =	vld [tilespmem:s23+$0x1800]  }
0xc2: {  	v36 =	vld [tilespmem:s23+$0x9800];
	_ =	sdelay $0x4  }
0xc3: {  	v35 =	vmul.f32 v35, v18;
	v36 =	vmul.f32 v36, v21;
	_ =	sdelay $0x1  }
0xc4: {  	v35 =	vadd.f32 v36, v35;
	_ =	sdelay $0x1  }
0xc5: {  	[tilespmem:s23+$0x1800] =	vst v35  }
0xc6: {  	v35 =	vld [tilespmem:s1+$0xDB00]  }
0xc7: {  	v55 =	vld [tilespmem:s1+$0x5B00]  }
0xc8: {  	v37 =	vld [tilespmem:s1+$0x5A80]  }
0xc9: {  	v56 =	vld [tilespmem:s1+$0xD980]  }
0xca: {  	v57 =	vld [tilespmem:s1+$0xDA80]  }
0xcb: {  	v58 =	vld [tilespmem:s1+$0x5980]  }
0xcc: {  	v59 =	vld [tilespmem:s1+$0xD900]  }
0xcd: {  	v60 =	vld [tilespmem:s1+$0x5900]  }
0xce: {  	v61 =	vld [tilespmem:s1+$0xDA00]  }
0xcf: {  	v62 =	vld [tilespmem:s1+$0x5A00]  }
0xd0: {  	v53 =	vld [tilespmem:s1+$0xD800]  }
0xd1: {  	v48 =	vld [tilespmem:s1+$0x5800];
	v36 =	vmul.f32 v55, v14  }
0xd2: {  	v63 =	vld [tilespmem:s1+$0xD880];
	v35 =	vmul.f32 v35, v30;
	v40 =	vmul.f32 v58, v10  }
0xd3: {  	v52 =	vld [tilespmem:s1+$0x5880];
	v38 =	vmul.f32 v56, v16;
	v54 =	vmul.f32 v59, v13  }
0xd4: {  	v55 =	vmul.f32 v60, v7;
	v39 =	vmul.f32 v57, v15;
	v35 =	vadd.f32 v35, v36  }
0xd5: {  	v37 =	vmul.f32 v37, v8;
	v56 =	vmul.f32 v61, v12;
	v38 =	vadd.f32 v38, v40  }
0xd6: {  	v60 =	vmul.f32 v48, v4;
	v61 =	vmul.f32 v53, v9;
	v36 =	vadd.f32 v54, v55;
	[tilespmem:s1+$0x5B00] =	vst v35  }
0xd7: {  	v57 =	vmul.f32 v62, v6;
	v37 =	vadd.f32 v39, v37;
	[tilespmem:s1+$0x5980] =	vst v38  }
0xd8: {  	v58 =	vmul.f32 v63, v11;
	v59 =	vmul.f32 v52, v5;
	v62 =	vadd.f32 v61, v60;
	[tilespmem:s1+$0x5900] =	vst v36  }
0xd9: {  	v35 =	vadd.f32 v56, v57;
	[tilespmem:s1+$0x5A80] =	vst v37  }
0xda: {  	v38 =	vadd.f32 v58, v59;
	[tilespmem:s1+$0x5800] =	vst v62  }
0xdb: {  	[tilespmem:s1+$0x5A00] =	vst v35  }
0xdc: {  	s25 =	sor.u32 $0x4380, s0;
	[tilespmem:s1+$0x5880] =	vst v38  }
0xdd: {  	v37 =	vld [tilespmem:s25+$0x1800]  }
0xde: {  	s24 =	simm.s32 $0x10;
	s0 =	simm.s32 $0x80;
	v63 =	vld [tilespmem:s25+$0x9800]  }
0xdf: {  	s8 =	sand.u32 $0x3C00, s0;
	s1 =	sand.u32 $0x70, s24  }
0xe0: {  	s30 =	sor.u32 s1, s8  }
0xe1: {  	s1 =	simm.s32 $0x1;
	v35 =	vld [tilespmem:s30+$0x1980]  }
0xe2: {  	s23 =	sand.u32 $0x7, s1;
	v36 =	vld [tilespmem:s30+$0x1900]  }
0xe3: {  	v38 =	vld [tilespmem:s30+$0x1A80];
	s24 =	sshll.u32 s23, $0x4;
	v39 =	vmul.f32 v37, v3;
	v40 =	vmul.f32 v63, v17  }
0xe4: {  	s22 =	simm.s32 $0x20;
	s31 =	sadd.s32 $0x80, s24;
	v37 =	vld [tilespmem:s30+$0x1B00]  }
.LBB2_3:
0xe5: {  	p0 =	sne.s32 s22, $0x7F0;
	v41 =	vld [tilespmem:s30+$0x1880];
	s0 =	sadd.s32 $0x80, s0;
	s1 =	sadd.s32 $0x1, s1;
	v39 =	vadd.f32 v40, v39  }
0xe6: {  	s24 =	smov.u32 s22;
	s22 =	sadd.s32 $0x10, s22;
	s23 =	sand.u32 $0x7, s1;
	v40 =	vld [tilespmem:s30+$0x1800]  }
0xe7: {  	s23 =	sshll.u32 s23, $0x4;
	v42 =	vld [tilespmem:s30+$0x1A00];
	[tilespmem:s25+$0x1800] =	vst v39  }
0xe8: {  	s23 =	sadd.s32 s23, s0;
	v39 =	vld [tilespmem:s30+$0x9800]  }
0xe9: {  	v43 =	vld [tilespmem:s30+$0x9A00]  }
0xea: {  	v44 =	vld [tilespmem:s30+$0x9880]  }
0xeb: {  	v45 =	vld [tilespmem:s30+$0x9B00]  }
0xec: {  	v38 =	vmul.f32 v38, v23;
	v46 =	vld [tilespmem:s30+$0x9A80]  }
0xed: {  	v41 =	vmul.f32 v41, v19;
	v40 =	vmul.f32 v40, v25;
	v47 =	vld [tilespmem:s30+$0x9900]  }
0xee: {  	v42 =	vmul.f32 v42, v28;
	v48 =	vld [tilespmem:s30+$0x9980];
	v43 =	vmul.f32 v43, v34  }
0xef: {  	v39 =	vmul.f32 v39, v32;
	v44 =	vmul.f32 v44, v24  }
0xf0: {  	v37 =	vmul.f32 v37, v26;
	v42 =	vadd.f32 v43, v42;
	v43 =	vmul.f32 v45, v33  }
0xf1: {  	v39 =	vadd.f32 v39, v40;
	v40 =	vadd.f32 v44, v41;
	v41 =	vmul.f32 v46, v31  }
0xf2: {  	v36 =	vmul.f32 v36, v22;
	v44 =	vmul.f32 v47, v29;
	[tilespmem:s30+$0x1A00] =	vst v42;
	v37 =	vadd.f32 v43, v37  }
0xf3: {  	v35 =	vmul.f32 v35, v20;
	[tilespmem:s30+$0x1800] =	vst v39;
	v39 =	vmul.f32 v48, v27;
	v38 =	vadd.f32 v41, v38  }
0xf4: {  	v36 =	vadd.f32 v44, v36;
	[tilespmem:s30+$0x1B00] =	vst v37  }
0xf5: {  	v35 =	vadd.f32 v39, v35;
	[tilespmem:s30+$0x1A80] =	vst v38  }
0xf6: {  	[tilespmem:s30+$0x1900] =	vst v36  }
0xf7: {  	[tilespmem:s30+$0x1980] =	vst v35  }
0xf8: {  	s25 =	sor.u32 $0x380, s31;
	[tilespmem:s30+$0x1880] =	vst v40  }
0xf9: {  	v35 =	vld [tilespmem:s25+$0x1800]  }
0xfa: {  	s24 =	sand.u32 $0x70, s24;
	s8 =	sand.u32 $0x3C00, s0;
	v36 =	vld [tilespmem:s25+$0x9800]  }
0xfb: {  	s24 =	sor.u32 s24, s8;
	_ =	sdelay $0x2  }
0xfc: {  	v35 =	vmul.f32 v35, v18  }
0xfd: {  	v36 =	vmul.f32 v36, v21;
	_ =	sdelay $0x1  }
0xfe: {  	v35 =	vadd.f32 v36, v35;
	_ =	sdelay $0x1  }
0xff: {  	[tilespmem:s25+$0x1800] =	vst v35  }
0x100: {  	v35 =	vld [tilespmem:s30+$0xDB00]  }
0x101: {  	v36 =	vld [tilespmem:s30+$0x5B00]  }
0x102: {  	v37 =	vld [tilespmem:s30+$0x5A80]  }
0x103: {  	v38 =	vld [tilespmem:s30+$0xD980]  }
0x104: {  	v39 =	vld [tilespmem:s30+$0xDA80]  }
0x105: {  	v40 =	vld [tilespmem:s30+$0x5980]  }
0x106: {  	v35 =	vmul.f32 v35, v30;
	v41 =	vld [tilespmem:s30+$0xD900];
	v36 =	vmul.f32 v36, v14  }
0x107: {  	v42 =	vld [tilespmem:s30+$0x5900]  }
0x108: {  	v43 =	vld [tilespmem:s30+$0xDA00];
	v35 =	vadd.f32 v35, v36  }
0x109: {  	v36 =	vld [tilespmem:s30+$0x5A00]  }
0x10a: {  	v38 =	vmul.f32 v38, v16;
	v44 =	vld [tilespmem:s30+$0xD880];
	v40 =	vmul.f32 v40, v10;
	[tilespmem:s30+$0x5B00] =	vst v35  }
0x10b: {  	v35 =	vld [tilespmem:s30+$0x5880];
	v41 =	vmul.f32 v41, v13  }
0x10c: {  	v45 =	vld [tilespmem:s30+$0xD800];
	v42 =	vmul.f32 v42, v7;
	v38 =	vadd.f32 v38, v40  }
0x10d: {  	v39 =	vmul.f32 v39, v15;
	v40 =	vld [tilespmem:s30+$0x5800];
	v43 =	vmul.f32 v43, v12  }
0x10e: {  	v37 =	vmul.f32 v37, v8;
	v41 =	vadd.f32 v41, v42;
	v36 =	vmul.f32 v36, v6  }
0x10f: {  	v42 =	vmul.f32 v44, v11;
	[tilespmem:s30+$0x5980] =	vst v38  }
0x110: {  	v37 =	vadd.f32 v39, v37;
	v35 =	vmul.f32 v35, v5;
	[tilespmem:s30+$0x5900] =	vst v41;
	v36 =	vadd.f32 v43, v36;
	_ =	sdelay $0x1  }
0x111: {  	v39 =	vmul.f32 v45, v9;
	v38 =	vmul.f32 v40, v4;
	v35 =	vadd.f32 v42, v35;
	[tilespmem:s30+$0x5A80] =	vst v37  }
0x112: {  	[tilespmem:s30+$0x5A00] =	vst v36  }
0x113: {  	v36 =	vadd.f32 v39, v38;
	[tilespmem:s30+$0x5880] =	vst v35;
	_ =	sdelay $0x1  }
0x114: {  	s25 =	sor.u32 $0x4380, s31;
	s31 =	smov.u32 s23;
	[tilespmem:s30+$0x5800] =	vst v36;
	s30 =	smov.u32 s24  }
0x115: {  	v37 =	vld [tilespmem:s25+$0x1800]  }
0x116: {  	v40 =	vld [tilespmem:s25+$0x9800];
	_ =	sdelay $0x1  }
.Ltmp0:
0x117: {  	(pc) =	sbr.rel @p0 .LBB2_3-.Ltmp0, $4  }
0x118: {  	v35 =	vld [tilespmem:s30+$0x1980]  }
0x119: {  	v36 =	vld [tilespmem:s30+$0x1900];
	v39 =	vmul.f32 v37, v3  }
0x11a: {  	v38 =	vld [tilespmem:s30+$0x1A80];
	v40 =	vmul.f32 v40, v17  }
0x11b: {  	v37 =	vld [tilespmem:s30+$0x1B00]  }
0x11c: {  	v41 =	vld [tilespmem:s30+$0x1880];
	v39 =	vadd.f32 v40, v39  }
0x11d: {  	v61 =	vld [tilespmem:s30+$0x1800]  }
0x11e: {  	v42 =	vld [tilespmem:s30+$0x1A00];
	[tilespmem:s25+$0x1800] =	vst v39  }
0x11f: {  	v39 =	vld [tilespmem:s30+$0x9A00]  }
0x120: {  	v43 =	vld [tilespmem:s30+$0x9800]  }
0x121: {  	v44 =	vld [tilespmem:s30+$0x9B00]  }
0x122: {  	v45 =	vld [tilespmem:s30+$0x9A80]  }
0x123: {  	v46 =	vld [tilespmem:s30+$0x9900]  }
0x124: {  	v62 =	vld [tilespmem:s30+$0x9980];
	v28 =	vmul.f32 v42, v28;
	v34 =	vmul.f32 v39, v34  }
0x125: {  	v63 =	vld [tilespmem:s30+$0x9880];
	v25 =	vmul.f32 v61, v25;
	v32 =	vmul.f32 v43, v32  }
0x126: {  	v26 =	vmul.f32 v37, v26;
	v33 =	vmul.f32 v44, v33;
	v28 =	vadd.f32 v34, v28  }
0x127: {  	v23 =	vmul.f32 v38, v23;
	v31 =	vmul.f32 v45, v31;
	v25 =	vadd.f32 v32, v25  }
0x128: {  	v22 =	vmul.f32 v36, v22;
	v29 =	vmul.f32 v46, v29;
	v26 =	vadd.f32 v33, v26;
	[tilespmem:s30+$0x1A00] =	vst v28  }
0x129: {  	v20 =	vmul.f32 v35, v20;
	v47 =	vmul.f32 v62, v27;
	v23 =	vadd.f32 v31, v23;
	[tilespmem:s30+$0x1800] =	vst v25  }
0x12a: {  	v19 =	vmul.f32 v41, v19;
	v24 =	vmul.f32 v63, v24;
	v22 =	vadd.f32 v29, v22;
	[tilespmem:s30+$0x1B00] =	vst v26  }
0x12b: {  	v20 =	vadd.f32 v47, v20;
	[tilespmem:s30+$0x1A80] =	vst v23  }
0x12c: {  	v19 =	vadd.f32 v24, v19;
	[tilespmem:s30+$0x1900] =	vst v22  }
0x12d: {  	[tilespmem:s30+$0x1980] =	vst v20  }
0x12e: {  	s0 =	sor.u32 $0x380, s31;
	[tilespmem:s30+$0x1880] =	vst v19  }
0x12f: {  	v19 =	vld [tilespmem:s0+$0x1800]  }
0x130: {  	v20 =	vld [tilespmem:s0+$0x9800];
	_ =	sdelay $0x4  }
0x131: {  	v18 =	vmul.f32 v19, v18;
	v48 =	vmul.f32 v20, v21;
	_ =	sdelay $0x1  }
0x132: {  	v18 =	vadd.f32 v48, v18;
	_ =	sdelay $0x1  }
0x133: {  	[tilespmem:s0+$0x1800] =	vst v18  }
0x134: {  	v18 =	vld [tilespmem:s30+$0xDB00]  }
0x135: {  	v49 =	vld [tilespmem:s30+$0x5B00]  }
0x136: {  	v50 =	vld [tilespmem:s30+$0x5A80]  }
0x137: {  	v51 =	vld [tilespmem:s30+$0xD980]  }
0x138: {  	v52 =	vld [tilespmem:s30+$0xDA80]  }
0x139: {  	v53 =	vld [tilespmem:s30+$0x5980]  }
0x13a: {  	v54 =	vld [tilespmem:s30+$0xD900]  }
0x13b: {  	v55 =	vld [tilespmem:s30+$0x5900]  }
0x13c: {  	v56 =	vld [tilespmem:s30+$0xDA00]  }
0x13d: {  	v57 =	vld [tilespmem:s30+$0x5A00]  }
0x13e: {  	v58 =	vld [tilespmem:s30+$0xD880]  }
0x13f: {  	v59 =	vld [tilespmem:s30+$0x5880]  }
0x140: {  	v60 =	vld [tilespmem:s30+$0xD800];
	v14 =	vmul.f32 v49, v14;
	v18 =	vmul.f32 v18, v30  }
0x141: {  	v61 =	vld [tilespmem:s30+$0x5800];
	v10 =	vmul.f32 v53, v10;
	v16 =	vmul.f32 v51, v16  }
0x142: {  	v13 =	vmul.f32 v54, v13;
	v7 =	vmul.f32 v55, v7;
	v14 =	vadd.f32 v18, v14  }
0x143: {  	v15 =	vmul.f32 v52, v15;
	v8 =	vmul.f32 v50, v8;
	v10 =	vadd.f32 v16, v10  }
0x144: {  	v12 =	vmul.f32 v56, v12;
	v6 =	vmul.f32 v57, v6;
	v7 =	vadd.f32 v13, v7;
	[tilespmem:s30+$0x5B00] =	vst v14  }
0x145: {  	v11 =	vmul.f32 v58, v11;
	v5 =	vmul.f32 v59, v5;
	v8 =	vadd.f32 v15, v8;
	[tilespmem:s30+$0x5980] =	vst v10  }
0x146: {  	v4 =	vmul.f32 v61, v4;
	v62 =	vmul.f32 v60, v9;
	v6 =	vadd.f32 v12, v6;
	[tilespmem:s30+$0x5900] =	vst v7  }
0x147: {  	v5 =	vadd.f32 v11, v5;
	[tilespmem:s30+$0x5A80] =	vst v8  }
0x148: {  	v4 =	vadd.f32 v62, v4;
	[tilespmem:s30+$0x5A00] =	vst v6  }
0x149: {  	[tilespmem:s30+$0x5880] =	vst v5  }
0x14a: {  	[tilespmem:s30+$0x5800] =	vst v4;
	s30 =	sor.u32 $0x4380, s31  }
0x14b: {  	v4 =	vld [tilespmem:s30+$0x1800]  }
0x14c: {  	v5 =	vld [tilespmem:s30+$0x9800];
	_ =	sdelay $0x4  }
0x14d: {  	v3 =	vmul.f32 v4, v3;
	v63 =	vmul.f32 v5, v17;
	_ =	sdelay $0x1  }
0x14e: {  	s26 =	sadd.s32 $0x1, s26;
	v3 =	vadd.f32 v63, v3  }
0x14f: {  	s1 =	sshll.u32 s28, $0x8;
	p0 =	sne.s32 s26, $0x10;
	s31 =	rddreg [dreg:$0x1]  }
.Ltmp1:
0x150: {  	s0 =	sadd.s32 s31, s1;
	[tilespmem:s30+$0x1800] =	vst v3;
	(pc) =	sbr.rel @p0 .LBB2_2-.Ltmp1, $4  }
0x151: {  	[hbm4b:s0+s3] =	stream.linear.scatter [tilespmem:s29], [sflag:$0x2], $0x8000, $0x38;
	[tilespmem:$0x11800] =	vst v63  }
0x152: {  	_ =	swait.ge [sflag:s21], $0x8000  }
0x153: {  	[sflag:s21] =	ssyncset.done $0x0  }
0x154: {  	[sflag:s21] =	ssyncadd.s32 $0xFFFF8000  }
0x155: {  	s1 =	rddreg [dreg:$0x9]  }
0x156: {  	s0 =	rddreg [dreg:$0x8];
	s1 =	sadd.s32 $0x1, s1  }
0x157: {  	p0 =	sne.s32 s1, s0  }
.Ltmp2:
0x158: {  	_ = 	snop;
	(pc) =	sbr.rel @p0 .LBB2_1-.Ltmp2, $1  }
0x159: {  	_ =	sdelay $0x3  }
0x15a: {  	_ =	sfence.sel $0x180000  }
0x15b: {  	[bflag:$0x0] =	sbarrier.arrive $0xFFFF  }
0x15c: {  	_ =	strace $0x9000004A  }
0x15d: {  	s0 =	stileid.u32;
	[bflag:$0x2] =	sbarrier.arrive $0xFFFF  }
0x15e: {  	p0 =	sne.s32 s0, $0x0;
	s0 =	rddreg [dreg:$0x2]  }
0x15f: {  	s0 =	sadd.s32 @!p0 $0x100000, s0  }
0x160: {  	[sflag:s0] =	ssyncadd.tile.s32 @!p0 $0x1;
	_ =	shalt  }
.Lfunc_end2:
_tile_overlayer_lowered:
.L_overlay_start_2:
0x161: {  	(tag) =	ssettag $0x2  }
0x162: {  	s0 =	rddreg [dreg:$0x0];
	s2 =	stileid.u32  }
0x163: {  	s1 =	rddreg [dreg:$0x1];
	p0 =	sne.s32 s2, $0x0  }
0x164: {  	s3 =	rddreg [dreg:$0x2];
	[bflag:$0x3] =	sbarrier.arrive $0xFFFF;
	s2 =	simm.s32 @!p0 $0x1C02  }
0x165: {  	[timem:s3], [sflag:s2] =	dma.local @!p0 [hbm:s0], s1  }
0x166: {  	s0 =	simm.s32 @!p0 $0x2  }
0x167: {  	_ =	swait.ge @!p0 [sflag:s0], s1  }
0x168: {  	s1 =	ssub.s32 @!p0 $0x0, s1;
	[sflag:s0] =	ssyncset.done @!p0 $0x0  }
0x169: {  	[sflag:s0] =	ssyncadd.s32 @!p0 s1  }
0x16a: {  	[bflag:$0x3] =	sbarrier.arrive $0xFFFF  }
0x16b: {  	_ =	shalt  }

// kernel: kernel.7.cloned.1.call-start
scs
__scs_entry_jumppad:
0x0: {  	(pc) =	sbr.rel $0x88, $3  }
0x1: {  	(tag) =	ssettag $0x0;
	lr =	simm.s32 $0x1  }
0x2: {  	[smem:$0x3F9A] =	sst lr;
	_ =	strace $0xD0000000  }
0x3: {  	_ = 	snop  }
0x4: {  	_ = 	snop  }
0x5: {  	_ = 	snop  }
0x6: {  	_ = 	snop  }
0x7: {  	_ = 	snop  }
__scs_overlays_trampoline_lowered:
0x8: {  	[smem:$0x3FA9] =	sst s0  }
0x9: {  	[smem:$0x3FAA] =	sst s1  }
0xa: {  	[smem:$0x3FAB] =	sst s2  }
0xb: {  	[smem:$0x3FAC] =	sst s3  }
0xc: {  	[smem:$0x3FAD] =	sst s4  }
0xd: {  	[smem:$0x3FAE] =	sst s5  }
0xe: {  	[smem:$0x3FAF] =	sst s6  }
0xf: {  	[smem:$0x3FB0] =	sst s7  }
0x10: {  	[smem:$0x3FB1] =	sst s8  }
0x11: {  	[smem:$0x3FB2] =	sst s9;
	s0 =	simm.s32 @!p0 $0x0  }
0x12: {  	s1 =	sld [smem:$0x3F98];
	s0 =	simm.s32 @p0 $0x1  }
0x13: {  	[smem:$0x3FB3] =	sst s0;
	s0 =	simm.s32 @!p1 $0x0  }
0x14: {  	s2 =	sld [smem:$0x3F97];
	s0 =	simm.s32 @p1 $0x1  }
0x15: {  	[smem:$0x3FB4] =	sst s0;
	s0 =	simm.s32 @!p2 $0x0  }
0x16: {  	s3 =	sld [smem:$0x3FDB];
	s0 =	simm.s32 @p2 $0x1  }
0x17: {  	s4 =	simm.s32 $0x1BF5;
	[smem:$0x3FB6] =	sst s0  }
0x18: {  	s0 =	sld [smem:$0x3F99];
	_ =	swait.ge [sflag:s4], $0x0  }
0x19: {  	s7 =	sld [smem:$0x3F9A]  }
0x1a: {  	s8 =	sadd.s32 $0xFFFFE003, lr  }
0x1b: {  	s9 =	sadd.s32 $0xFFFFFEF7, lr;
	s5 =	simm.s32 $0xFFFFFFFF;
	p2 =	slt.u32 s8, $0xFFFFF086  }
0x1c: {  	p1 =	slt.u32 s9, $0xF7A;
	s5 =	simm.s32 @!p2 $0x0  }
0x1d: {  	s5 =	simm.s32 @p1 $0x1;
	p0 =	seq.s32 s7, s2  }
0x1e: {  	s7 =	smul.u32 @!p0 $0xF7A, s2;
	p2 =	seq.s32 @!p0 s5, $0x0  }
0x1f: {  	s9 =	smul.u32 $0xF7A, s1;
	s8 =	simm.s32 @!p0 $0x1BF5;
	p2 =	por !p2, p0  }
0x20: {  	[sflag:s8] =	ssyncset.s32 @!p0 $0xFFFFF086;
	s6 =	sadd.s32 @!p0 s3, s7;
	s7 =	simm.s32 @!p0 $0x108  }
0x21: {  	s3 =	sadd.s32 s3, s9;
	s6 =	sadd.s32 @!p0 $0x88, s6;
	s7 =	simm.s32 @p2 $0x1082  }
0x22: {  	[simem:s7], [sflag:s8] =	dma.local @!p0 [hbm:s6], $0xF7A  }
0x23: {  	s9 =	sor.u32 $0xD0000000, s2;
	s6 =	simm.s32 $0x108;
	_ =	swait.ge @!p0 [sflag:s8], $0x0  }
0x24: {  	s3 =	sadd.s32 $0x88, s3;
	s6 =	simm.s32 @!p1 $0x1082;
	[sflag:s4] =	ssyncset.s32 $0xFFFFF086  }
0x25: {  	[simem:s6], [sflag:s4] =	dma.local [hbm:s3], $0xF7A  }
0x26: {  	[smem:$0x3F9A] =	sst s1;
	(tag) =	ssettag s2;
	_ =	strace s9  }
0x27: {  	s1 =	sld [smem:$0x3FAA]  }
0x28: {  	s2 =	sld [smem:$0x3FAB]  }
0x29: {  	s4 =	sld [smem:$0x3FAD]  }
0x2a: {  	p0 =	seq.s32 s5, $0x0;
	s5 =	sld [smem:$0x3FAE]  }
0x2b: {  	s6 =	sld [smem:$0x3FAF]  }
0x2c: {  	s7 =	sld [smem:$0x3FB0]  }
0x2d: {  	s3 =	simm.s32 $0x108;
	s8 =	sld [smem:$0x3FB1]  }
0x2e: {  	s3 =	simm.s32 @!p0 $0x1082;
	s9 =	sld [smem:$0x3FB2]  }
0x2f: {  	lr =	sadd.s32 s0, s3;
	s0 =	sld [smem:$0x3FA9]  }
0x30: {  	s3 =	sld [smem:$0x3FAC]  }
0x31: {  	[smem:$0x3FB5] =	sst s10  }
0x32: {  	s10 =	sld [smem:$0x3FB3];
	_ =	sdelay $0x3  }
0x33: {  	p0 =	seq.s32 s10, $0x1;
	s10 =	sld [smem:$0x3FB5];
	_ =	sdelay $0x3  }
0x34: {  	[smem:$0x3FB5] =	sst s10  }
0x35: {  	s10 =	sld [smem:$0x3FB4];
	_ =	sdelay $0x3  }
0x36: {  	p1 =	seq.s32 s10, $0x1;
	s10 =	sld [smem:$0x3FB5];
	_ =	sdelay $0x3  }
0x37: {  	[smem:$0x3FB5] =	sst s10  }
0x38: {  	s10 =	sld [smem:$0x3FB6]  }
0x39: {  	_ = 	snop;
	(pc) =	sbr.ind lr, $3  }
0x3a: {  	_ = 	snop  }
0x3b: {  	_ = 	snop  }
0x3c: {  	p2 =	seq.s32 s10, $0x1;
	s10 =	sld [smem:$0x3FB5]  }
0x3d: {  	_ =	shalt  }
0x3e: {  	_ =	shalt  }
0x3f: {  	_ =	shalt  }
0x40: {  	_ =	shalt  }
0x41: {  	_ =	shalt  }
0x42: {  	_ =	shalt  }
0x43: {  	_ =	shalt  }
0x44: {  	_ =	shalt  }
0x45: {  	_ =	shalt  }
0x46: {  	_ =	shalt  }
0x47: {  	_ =	shalt  }
0x48: {  	_ =	shalt  }
0x49: {  	_ =	shalt  }
0x4a: {  	_ =	shalt  }
0x4b: {  	_ =	shalt  }
0x4c: {  	_ =	shalt  }
0x4d: {  	_ =	shalt  }
0x4e: {  	_ =	shalt  }
0x4f: {  	_ =	shalt  }
0x50: {  	_ =	shalt  }
0x51: {  	_ =	shalt  }
0x52: {  	_ =	shalt  }
0x53: {  	_ =	shalt  }
0x54: {  	_ =	shalt  }
0x55: {  	_ =	shalt  }
0x56: {  	_ =	shalt  }
0x57: {  	_ =	shalt  }
0x58: {  	_ =	shalt  }
0x59: {  	_ =	shalt  }
0x5a: {  	_ =	shalt  }
0x5b: {  	_ =	shalt  }
0x5c: {  	_ =	shalt  }
0x5d: {  	_ =	shalt  }
0x5e: {  	_ =	shalt  }
0x5f: {  	_ =	shalt  }
0x60: {  	_ =	shalt  }
0x61: {  	_ =	shalt  }
0x62: {  	_ =	shalt  }
0x63: {  	_ =	shalt  }
0x64: {  	_ =	shalt  }
0x65: {  	_ =	shalt  }
0x66: {  	_ =	shalt  }
0x67: {  	_ =	shalt  }
0x68: {  	_ =	shalt  }
0x69: {  	_ =	shalt  }
0x6a: {  	_ =	shalt  }
0x6b: {  	_ =	shalt  }
0x6c: {  	_ =	shalt  }
0x6d: {  	_ =	shalt  }
0x6e: {  	_ =	shalt  }
0x6f: {  	_ =	shalt  }
0x70: {  	_ =	shalt  }
0x71: {  	_ =	shalt  }
0x72: {  	_ =	shalt  }
0x73: {  	_ =	shalt  }
0x74: {  	_ =	shalt  }
0x75: {  	_ =	shalt  }
0x76: {  	_ =	shalt  }
0x77: {  	_ =	shalt  }
0x78: {  	_ =	shalt  }
0x79: {  	_ =	shalt  }
0x7a: {  	_ =	shalt  }
0x7b: {  	_ =	shalt  }
0x7c: {  	_ =	shalt  }
0x7d: {  	_ =	shalt  }
0x7e: {  	_ =	shalt  }
0x7f: {  	_ =	shalt  }
0x80: {  	_ =	shalt  }
0x81: {  	_ =	shalt  }
0x82: {  	_ =	shalt  }
0x83: {  	_ =	shalt  }
0x84: {  	_ =	shalt  }
0x85: {  	_ =	shalt  }
0x86: {  	_ =	shalt  }
0x87: {  	_ =	shalt  }
.Lfunc_end0:
.L_simem_size_0:
called_computation_lowered:
.L_overlay_start_0:
0x88: {  	s2 =	sld [smem:$0x3FD9]  }
0x89: {  	s3 =	sld [smem:$0x3FFE];
	_ =	sdelay $0x1  }
0x8a: {  	s1 =	srdreg.scid  }
0x8b: {  	s0 =	sand.u32 $0x1, s1  }
0x8c: {  	s17 =	sshll.u32 s0, $0xA;
	s2 =	sadd.s32 s3, s2  }
0x8d: {  	s2 =	sadd.s32 s2, s17  }
0x8e: {  	[smem:$0x3FC1] =	sst s2  }
0x8f: {  	_ = 	snop  }
0x90: {  	s2 =	sld [smem:$0x3FC9];
	(tm) =	ssettm $0x1  }
0x91: {  	s18 =	sld [smem:$0x3FFB];
	_ =	sdelay $0x3  }
0x92: {  	_ =	strace s18  }
0x93: {  	s3 =	sld [smem:$0x3FFC];
	_ =	sdelay $0x3  }
0x94: {  	_ =	strace s3  }
0x95: {  	s3 =	sld [smem:$0x3FFD];
	_ =	sdelay $0x3  }
0x96: {  	_ =	strace s3  }
0x97: {  	_ =	strace $0x8FFFFFFF  }
0x98: {  	s19 =	sld [smem:$0x3FDB];
	_ =	sdelay $0x1  }
0x99: {  	s4 =	simm.s32 $_scs_section_size  }
0x9a: {  	s5 =	simm.s32 $_size__tile_overlayer_lowered;
	s6 =	simm.s32 $_tile_overlayer_lowered  }
0x9b: {  	s22 =	simm.s32 $0x1BFF;
	s21 =	sshll.u32 s6, $0x1;
	s3 =	sadd.s32 s4, s19  }
0x9c: {  	s7 =	simm.s32 $0x0;
	s20 =	sshll.u32 s5, $0x1;
	s5 =	sadd.s32 s21, s3  }
0x9d: {  	[timem:s7], [sflag:s22] =	dma.local [hbm:s5], s20  }
0x9e: {  	_ =	swait.ge [sflag:s22], s20  }
0x9f: {  	s4 =	ssub.s32 $0x0, s20;
	[sflag:s22] =	ssyncset.done $0x0  }
0xa0: {  	[sflag:s22] =	ssyncadd.s32 s4;
	_ =	sdelay $0x1  }
0xa1: {  	s23 =	simm.s32 $0x1B8B  }
0xa2: {  	_ =	swait.ge [sflag:s23], $0x1  }
0xa3: {  	[sflag:s23] =	ssyncset.done $0x0  }
0xa4: {  	s25 =	simm.s32 $0x1B8E;
	s24 =	sld [smem:$0x3FFE];
	[sflag:s23] =	ssyncadd.s32 $0xFFFFFFFF  }
0xa5: {  	s26 =	simm.s32 $execute0_lowered;
	[smem:$0x3FD2] =	sst s25  }
0xa6: {  	s5 =	sshll.u32 s26, $0x1;
	_ =	strace $0x80000046;
	[dreg:$0x1] =	wrdreg $0xFFFFFFFF  }
0xa7: {  	s28 =	simm.s32 $_size_execute0_lowered;
	s3 =	sadd.s32 s3, s5;
	[dreg:$0x0] =	wrdreg $0x0  }
0xa8: {  	s5 =	sshll.u32 s28, $0x1;
	[dreg:$0x2] =	wrdreg s3  }
0xa9: {  	[dreg:$0x3] =	wrdreg s5  }
0xaa: {  	[dreg:$0x4] =	wrdreg $0xC0  }
0xab: {  	_ =	task [dreg:s7], $0x5FFFF  }
0xac: {  	[dreg:$0x1] =	wrdreg $0xFFFFFFFF  }
0xad: {  	[dreg:$0x0] =	wrdreg $0x60  }
0xae: {  	[dreg:$0x2] =	wrdreg s2  }
0xaf: {  	[dreg:$0x3] =	wrdreg s24  }
0xb0: {  	[dreg:$0x4] =	wrdreg $0x9  }
0xb1: {  	_ =	task.clear_ibuf [dreg:s7], $0x5FFFF;
	_ =	strace $0x90000046  }
0xb2: {  	s29 =	simm.s32 $0x9;
	_ =	strace $0x80000048  }
0xb3: {  	_ =	swait.ge [sflag:s29], $0x1  }
0xb4: {  	[sflag:s29] =	ssyncadd.s32 $0xFFFFFFFF  }
0xb5: {  	_ =	strace $0x90000048  }
0xb6: {  	_ =	sfence  }
0xb7: {  	s30 =	sld [smem:$0x0];
	_ =	sdelay $0x2  }
0xb8: {  	s31 =	sshll.u32 s1, $0xD;
	s1 =	sshrl.u32 s1, $0x2  }
0xb9: {  	s3 =	sand.u32 $0x4000, s31;
	s1 =	sadd.s32 s1, s30  }
0xba: {  	s0 =	sor.u32 s3, s0;
	s1 =	sshll.u32 s1, $0x11  }
0xbb: {  	s0 =	sor.u32 s1, s0  }
0xbc: {  	s0 =	sadd.s32 $0x8F2B, s0  }
0xbd: {  	[sflag:s0] =	ssyncadd.remote.s32 $0x1  }
0xbe: {  	_ =	sfence.sel $0xFFFF  }
0xbf: {  	[dreg:$0x0] =	wrdreg $0xFFFFFFFF;
	(pc) =	sbr.abs _section_cstart, $3  }
0xc0: {  	[dreg:$0x1] =	wrdreg $0xFFFFFFFF  }
0xc1: {  	_ =	task.clear_ibuf [dreg:s7], $0x2FFFF;
	_ =	strace $0x9FFFFFFF  }
0xc2: {  	(tm) =	ssettm $0x7FFFFFFF  }
0xc3: {  	_ =	shalt  }
tec
execute0_lowered:
.L_overlay_start_1:
0x0: {  	(tag) =	ssettag $0x1  }
0x1: {  	s0 =	srdreg.scid;
	s1 =	rddreg [dreg:$0x0]  }
0x2: {  	s8 =	stileid.u32;
	s3 =	rddreg [dreg:$0x1]  }
0x3: {  	s2 =	simm.s32 $0x0;
	s28 =	simm.s32 $0x2000;
	s29 =	simm.s32 $0x2800  }
0x4: {  	s30 =	simm.s32 $0x3000;
	s31 =	simm.s32 $0x3800;
	s19 =	simm.s32 $0x5000  }
0x5: {  	s17 =	simm.s32 $0x0;
	s0 =	sand.u32 $0x1, s0;
	s4 =	sshll.u32 s8, $0x9  }
0x6: {  	[smem:$0x7FF] =	sst s2;
	s21 =	sadd.s32 $0x20C00, s3;
	s9 =	sadd.s32 $0x42700, s3  }
0x7: {  	s10 =	sadd.s32 $0x42800, s3;
	s11 =	sadd.s32 $0x42900, s3;
	s12 =	sadd.s32 $0x42A00, s3  }
0x8: {  	s13 =	sadd.s32 $0x42B00, s3;
	s14 =	sadd.s32 $0x42C00, s3;
	s25 =	sshll.u32 s8, $0x11  }
0x9: {  	s15 =	sadd.s32 $0x42D00, s3;
	s8 =	simm.s32 $0x3;
	s5 =	sshll.u32 s0, $0x8  }
0xa: {  	_ =	strace $0x80000047;
	s6 =	ssub.s32 $0x2, s0;
	[dreg:$0x3] =	wrdreg s21  }
0xb: {  	s1 =	sadd.s32 s25, s1;
	s0 =	sshll.u32 s0, $0x10;
	s25 =	simm.s32 $0x1000  }
0xc: {  	s21 =	simm.s32 $0x6000;
	s4 =	sor.u32 s5, s4;
	s7 =	sshrl.u32 s6, $0x1  }
0xd: {  	s0 =	sadd.s32 s0, s1;
	s1 =	simm.s32 $0x4000;
	s4 =	sshrl.u32 s4, $0x3  }
0xe: {  	s6 =	ssub.s32 s6, s7;
	[dreg:$0x9] =	wrdreg s0;
	s0 =	simm.s32 $0x4800  }
0xf: {  	s7 =	simm.s32 $0x2;
	s20 =	sadd.s32 s4, s3;
	s26 =	smax.u32 s6, $0x1  }
0x10: {  	s4 =	sadd.s32 $0x42600, s3;
	s22 =	sadd.s32 $0x41600, s20;
	[dreg:$0x8] =	wrdreg s26  }
0x11: {  	s3 =	simm.s32 $0x7000;
	s23 =	sadd.s32 $0x41A00, s20;
	[dreg:$0x4] =	wrdreg s22  }
0x12: {  	s6 =	simm.s32 $0x8000;
	s24 =	sadd.s32 $0x41E00, s20;
	[dreg:$0x5] =	wrdreg s23  }
0x13: {  	v2 =	vlaneseq.u32;
	s5 =	sadd.s32 $0x42200, s20;
	s26 =	simm.s32 $0x1800;
	[dreg:$0x6] =	wrdreg s24  }
0x14: {  	vm0 =	vmmov $0xffff;
	v1 =	vshrl.u32 v2, $0x3;
	s20 =	simm.s32 $0x5800;
	[dreg:$0x7] =	wrdreg s5;
	s23 =	simm.s32 $0x800  }
0x15: {  	v0 =	vand.u32 $0x7, v2;
	v2 =	vor.u32 $0x8, v2;
	v1 =	vmul.u32 $0x8, v1;
	s24 =	simm.s32 $0x1;
	s22 =	simm.s32 $0x6800;
	s5 =	simm.s32 $0x7800  }
.LBB2_1:
0x16: {  	[dreg:$0xa] =	wrdreg s17  }
0x17: {  	s16 =	rddreg [dreg:$0x3];
	s17 =	simm.s32 $0x4  }
0x18: {  	[tilespmem:s2], [sflag:$0x4] =	stream.linear.gather [hbm4b:s16+s2], $0x400, $0x38;
	[tilespmem:$0x8800] =	vst v63  }
0x19: {  	_ =	swait.ge [sflag:s17], $0x400  }
0x1a: {  	[sflag:s17] =	ssyncset.done $0x0  }
0x1b: {  	s18 =	simm.s32 $0x400;
	s16 =	rddreg [dreg:$0x4];
	[sflag:s17] =	ssyncadd.s32 $0xFFFFFC00  }
0x1c: {  	[tilespmem:s18], [sflag:$0x4] =	stream.linear.gather [hbm4b:s16+s2], $0x100, $0x38;
	[tilespmem:$0x8800] =	vst v63  }
0x1d: {  	_ =	swait.ge [sflag:s17], $0x100  }
0x1e: {  	[sflag:s17] =	ssyncset.done $0x0  }
0x1f: {  	s18 =	simm.s32 $0x500;
	s16 =	rddreg [dreg:$0x5];
	[sflag:s17] =	ssyncadd.s32 $0xFFFFFF00  }
0x20: {  	[tilespmem:s18], [sflag:$0x4] =	stream.linear.gather [hbm4b:s16+s2], $0x100, $0x38;
	[tilespmem:$0x8800] =	vst v63  }
0x21: {  	_ =	swait.ge [sflag:s17], $0x100  }
0x22: {  	[sflag:s17] =	ssyncset.done $0x0  }
0x23: {  	s18 =	simm.s32 $0x600;
	s16 =	rddreg [dreg:$0x6];
	[sflag:s17] =	ssyncadd.s32 $0xFFFFFF00  }
0x24: {  	[tilespmem:s18], [sflag:$0x4] =	stream.linear.gather [hbm4b:s16+s2], $0x100, $0x38;
	[tilespmem:$0x8800] =	vst v63  }
0x25: {  	_ =	swait.ge [sflag:s17], $0x100  }
0x26: {  	[sflag:s17] =	ssyncset.done $0x0  }
0x27: {  	s18 =	simm.s32 $0x700;
	s16 =	rddreg [dreg:$0x7];
	[sflag:s17] =	ssyncadd.s32 $0xFFFFFF00  }
0x28: {  	[tilespmem:s18], [sflag:$0x4] =	stream.linear.gather [hbm4b:s16+s2], $0x100, $0x38;
	[tilespmem:$0x8800] =	vst v63  }
0x29: {  	_ =	swait.ge [sflag:s17], $0x100  }
0x2a: {  	[sflag:s17] =	ssyncset.done $0x0  }
0x2b: {  	s18 =	rddreg [dreg:$0x9];
	[sflag:s17] =	ssyncadd.s32 $0xFFFFFF00  }
0x2c: {  	[tilespmem:s23], [sflag:$0x1] =	stream.linear.gather [hbm4b:s18+s2], $0x8000, $0x38;
	[tilespmem:$0x8800] =	vst v63  }
0x2d: {  	_ =	swait.ge [sflag:s24], $0x8000  }
0x2e: {  	[sflag:s24] =	ssyncset.done $0x0  }
0x2f: {  	[sflag:s24] =	ssyncadd.s32 $0xFFFF8000  }
0x30: {  	s17 =	simm.s32 $0x0;
	v3 =	vld [tilespmem:$0x80]  }
0x31: {  	v4 =	vld [tilespmem:s17+$0x400]  }
0x32: {  	v5 =	vld [tilespmem:$0x100]  }
0x33: {  	v6 =	vld [tilespmem:$0x180]  }
0x34: {  	v7 =	vld [tilespmem:$0x200]  }
0x35: {  	v8 =	vld [tilespmem:$0x280]  }
0x36: {  	v9 =	vld [tilespmem:$0x300];
	vm1 =	veq.s32 v4, $0x1;
	vm2 =	veq.s32 v4, $0x2  }
0x37: {  	v12 =	vld [tilespmem:$0x380];
	vm3 =	veq.s32 v4, $0x3;
	v10 =	vnsel vm1, $0x0, v3;
	v11 =	vnsel vm2, $0x0, v5  }
0x38: {  	vm1 =	veq.s32 v4, $0x4;
	v50 =	vnsel vm3, $0x0, v6;
	v10 =	vadd.s32 v10, v11  }
0x39: {  	v13 =	vld [tilespmem:s17+$0x600];
	vm2 =	veq.s32 v4, $0x5;
	v51 =	vnsel vm1, $0x0, v7;
	v10 =	vadd.s32 v50, v10  }
0x3a: {  	vm1 =	veq.s32 v4, $0x6;
	v52 =	vnsel vm2, $0x0, v8;
	v10 =	vadd.s32 v51, v10  }
0x3b: {  	vm2 =	veq.s32 v4, $0x7;
	v54 =	vnsel vm1, $0x0, v9;
	v53 =	vadd.s32 v52, v10  }
0x3c: {  	v55 =	vnsel vm2, $0x0, v12;
	v4 =	vadd.s32 v54, v53  }
0x3d: {  	v4 =	vadd.s32 v55, v4  }
0x3e: {  	v4 =	vadd.s32 v13, v4  }
0x3f: {  	v56 =	vshll.u32 v4, $0x4  }
0x40: {  	v4 =	vand.u32 $0x7, v4;
	v10 =	vand.u32 $0xFFFFFF80, v56  }
0x41: {  	v4 =	vor.u32 v4, v10  }
0x42: {  	v10 =	vperm.xlane v4, v0;
	_ =	sdelay $0x1  }
0x43: {  	v10 =	vadd.s32 v1, v10;
	_ =	sdelay $0x3  }
0x44: {  	v57 =	vld [tilespmem:s17+$0x700]  }
0x45: {  	v58 =	vld [tilespmem:s17+$0x500];
	[hbm4b:s4+s2] =	stream.indirect_vreg.scatter [tilespmem:s23], [sflag:$0x2], $0x80, v10, vm0, $0xb8  }
0x46: {  	_ = 	snop  }
0x47: {  	[hbm4b:s9+s2] =	stream.indirect_vreg.scatter [tilespmem:s25], [sflag:$0x2], $0x80, v10, vm0, $0xb8;
	[tilespmem:$0x8800] =	vst v63  }
0x48: {  	_ = 	snop  }
0x49: {  	[hbm4b:s10+s2] =	stream.indirect_vreg.scatter [tilespmem:s26], [sflag:$0x2], $0x80, v10, vm0, $0xb8;
	[tilespmem:$0x8800] =	vst v63  }
0x4a: {  	_ = 	snop  }
0x4b: {  	[hbm4b:s11+s2] =	stream.indirect_vreg.scatter [tilespmem:s28], [sflag:$0x2], $0x80, v10, vm0, $0xb8;
	[tilespmem:$0x8800] =	vst v63  }
0x4c: {  	_ = 	snop  }
0x4d: {  	[hbm4b:s12+s2] =	stream.indirect_vreg.scatter [tilespmem:s29], [sflag:$0x2], $0x80, v10, vm0, $0xb8;
	[tilespmem:$0x8800] =	vst v63  }
0x4e: {  	v4 =	vperm.xlane v4, v2  }
0x4f: {  	[hbm4b:s13+s2] =	stream.indirect_vreg.scatter [tilespmem:s30], [sflag:$0x2], $0x80, v10, vm0, $0xb8;
	[tilespmem:$0x8800] =	vst v63  }
0x50: {  	v4 =	vadd.s32 v1, v4  }
0x51: {  	[hbm4b:s14+s2] =	stream.indirect_vreg.scatter [tilespmem:s31], [sflag:$0x2], $0x80, v10, vm0, $0xb8;
	[tilespmem:$0x8800] =	vst v63  }
0x52: {  	vm1 =	veq.s32 v58, $0x2  }
0x53: {  	vm2 =	veq.s32 v58, $0x1;
	v5 =	vnsel vm1, $0x0, v5;
	[hbm4b:s15+s2] =	stream.indirect_vreg.scatter [tilespmem:s1], [sflag:$0x2], $0x80, v10, vm0, $0xb8;
	[tilespmem:$0x8800] =	vst v63  }
0x54: {  	v3 =	vnsel vm2, $0x0, v3;
	vm1 =	veq.s32 v58, $0x3;
	v5 =	vadd.s32 v57, v5  }
0x55: {  	vm2 =	veq.s32 v58, $0x4;
	v6 =	vnsel vm1, $0x0, v6;
	v3 =	vadd.s32 v3, v5;
	[hbm4b:s4+s2] =	stream.indirect_vreg.scatter [tilespmem:s0], [sflag:$0x2], $0x80, v4, vm0, $0xb8;
	[tilespmem:$0x8800] =	vst v63  }
0x56: {  	vm1 =	veq.s32 v58, $0x5;
	v59 =	vnsel vm2, $0x0, v7;
	v3 =	vadd.s32 v6, v3  }
0x57: {  	vm2 =	veq.s32 v58, $0x6;
	v60 =	vnsel vm1, $0x0, v8;
	v3 =	vadd.s32 v59, v3;
	[hbm4b:s9+s2] =	stream.indirect_vreg.scatter [tilespmem:s19], [sflag:$0x2], $0x80, v4, vm0, $0xb8;
	[tilespmem:$0x8800] =	vst v63  }
0x58: {  	v61 =	vnsel vm2, $0x0, v9;
	vm1 =	veq.s32 v58, $0x7;
	v3 =	vadd.s32 v60, v3  }
0x59: {  	v62 =	vnsel vm1, $0x0, v12;
	v3 =	vadd.s32 v61, v3;
	[hbm4b:s10+s2] =	stream.indirect_vreg.scatter [tilespmem:s20], [sflag:$0x2], $0x80, v4, vm0, $0xb8;
	[tilespmem:$0x8800] =	vst v63  }
0x5a: {  	v3 =	vadd.s32 v62, v3  }
0x5b: {  	v63 =	vshll.u32 v3, $0x4;
	[hbm4b:s11+s2] =	stream.indirect_vreg.scatter [tilespmem:s21], [sflag:$0x2], $0x80, v4, vm0, $0xb8;
	[tilespmem:$0x8800] =	vst v63  }
0x5c: {  	v3 =	vand.u32 $0x7, v3;
	v5 =	vand.u32 $0xFFFFFF80, v63  }
0x5d: {  	v3 =	vor.u32 v3, v5;
	[hbm4b:s12+s2] =	stream.indirect_vreg.scatter [tilespmem:s22], [sflag:$0x2], $0x80, v4, vm0, $0xb8;
	[tilespmem:$0x8800] =	vst v63  }
0x5e: {  	v5 =	vperm.xlane v3, v0  }
0x5f: {  	[hbm4b:s13+s2] =	stream.indirect_vreg.scatter [tilespmem:s3], [sflag:$0x2], $0x80, v4, vm0, $0xb8;
	[tilespmem:$0x8800] =	vst v63  }
0x60: {  	v5 =	vadd.s32 v1, v5  }
0x61: {  	[hbm4b:s14+s2] =	stream.indirect_vreg.scatter [tilespmem:s5], [sflag:$0x2], $0x80, v4, vm0, $0xb8;
	[tilespmem:$0x8800] =	vst v63  }
0x62: {  	_ = 	snop  }
0x63: {  	[hbm4b:s15+s2] =	stream.indirect_vreg.scatter [tilespmem:s6], [sflag:$0x2], $0x80, v4, vm0, $0xb8;
	[tilespmem:$0x8800] =	vst v63  }
0x64: {  	_ = 	snop  }
0x65: {  	[hbm4b:s4+s2] =	stream.indirect_vreg.scatter [tilespmem:s23], [sflag:$0x3], $0x80, v5, vm0, $0xb8;
	[tilespmem:$0x8800] =	vst v63  }
0x66: {  	_ = 	snop  }
0x67: {  	[hbm4b:s9+s2] =	stream.indirect_vreg.scatter [tilespmem:s25], [sflag:$0x3], $0x80, v5, vm0, $0xb8;
	[tilespmem:$0x8800] =	vst v63  }
0x68: {  	_ = 	snop  }
0x69: {  	[hbm4b:s10+s2] =	stream.indirect_vreg.scatter [tilespmem:s26], [sflag:$0x3], $0x80, v5, vm0, $0xb8;
	[tilespmem:$0x8800] =	vst v63  }
0x6a: {  	_ = 	snop  }
0x6b: {  	[hbm4b:s11+s2] =	stream.indirect_vreg.scatter [tilespmem:s28], [sflag:$0x3], $0x80, v5, vm0, $0xb8;
	[tilespmem:$0x8800] =	vst v63  }
0x6c: {  	_ = 	snop  }
0x6d: {  	[hbm4b:s12+s2] =	stream.indirect_vreg.scatter [tilespmem:s29], [sflag:$0x3], $0x80, v5, vm0, $0xb8;
	[tilespmem:$0x8800] =	vst v63  }
0x6e: {  	v3 =	vperm.xlane v3, v2  }
0x6f: {  	[hbm4b:s13+s2] =	stream.indirect_vreg.scatter [tilespmem:s30], [sflag:$0x3], $0x80, v5, vm0, $0xb8;
	[tilespmem:$0x8800] =	vst v63  }
0x70: {  	v3 =	vadd.s32 v1, v3  }
0x71: {  	[hbm4b:s14+s2] =	stream.indirect_vreg.scatter [tilespmem:s31], [sflag:$0x3], $0x80, v5, vm0, $0xb8;
	[tilespmem:$0x8800] =	vst v63  }
0x72: {  	_ = 	snop  }
0x73: {  	[hbm4b:s15+s2] =	stream.indirect_vreg.scatter [tilespmem:s1], [sflag:$0x3], $0x80, v5, vm0, $0xb8;
	[tilespmem:$0x8800] =	vst v63  }
0x74: {  	_ = 	snop  }
0x75: {  	[hbm4b:s4+s2] =	stream.indirect_vreg.scatter [tilespmem:s0], [sflag:$0x3], $0x80, v3, vm0, $0xb8;
	[tilespmem:$0x8800] =	vst v63  }
0x76: {  	_ = 	snop  }
0x77: {  	[hbm4b:s9+s2] =	stream.indirect_vreg.scatter [tilespmem:s19], [sflag:$0x3], $0x80, v3, vm0, $0xb8;
	[tilespmem:$0x8800] =	vst v63  }
0x78: {  	_ = 	snop  }
0x79: {  	[hbm4b:s10+s2] =	stream.indirect_vreg.scatter [tilespmem:s20], [sflag:$0x3], $0x80, v3, vm0, $0xb8;
	[tilespmem:$0x8800] =	vst v63  }
0x7a: {  	_ = 	snop  }
0x7b: {  	[hbm4b:s11+s2] =	stream.indirect_vreg.scatter [tilespmem:s21], [sflag:$0x3], $0x80, v3, vm0, $0xb8;
	[tilespmem:$0x8800] =	vst v63  }
0x7c: {  	_ = 	snop  }
0x7d: {  	[hbm4b:s12+s2] =	stream.indirect_vreg.scatter [tilespmem:s22], [sflag:$0x3], $0x80, v3, vm0, $0xb8;
	[tilespmem:$0x8800] =	vst v63  }
0x7e: {  	_ = 	snop  }
0x7f: {  	[hbm4b:s13+s2] =	stream.indirect_vreg.scatter [tilespmem:s3], [sflag:$0x3], $0x80, v3, vm0, $0xb8;
	[tilespmem:$0x8800] =	vst v63  }
0x80: {  	_ = 	snop  }
0x81: {  	[hbm4b:s14+s2] =	stream.indirect_vreg.scatter [tilespmem:s5], [sflag:$0x3], $0x80, v3, vm0, $0xb8;
	[tilespmem:$0x8800] =	vst v63  }
0x82: {  	_ = 	snop  }
0x83: {  	[hbm4b:s15+s2] =	stream.indirect_vreg.scatter [tilespmem:s6], [sflag:$0x3], $0x80, v3, vm0, $0xb8;
	[tilespmem:$0x8800] =	vst v63  }
0x84: {  	_ =	swait.ge [sflag:s7], $0x8000  }
0x85: {  	[sflag:s7] =	ssyncset.done $0x0  }
0x86: {  	[sflag:s7] =	ssyncadd.s32 $0xFFFF8000  }
0x87: {  	s17 =	simm.s32 $0x40;
	_ =	swait.ge [sflag:s8], $0x8000  }
.LBB2_2:
0x88: {  	p0 =	sne.s32 s17, $0x3C0;
	[sflag:s8] =	ssyncset.done $0x0;
	s18 =	sadd.s32 $0x1000, s18  }
0x89: {  	s16 =	smov.u32 s17;
	s17 =	sadd.s32 $0x40, s17;
	[sflag:s8] =	ssyncadd.s32 $0xFFFF8000  }
0x8a: {  	[tilespmem:s23], [sflag:$0x1] =	stream.linear.gather [hbm4b:s18+s2], $0x8000, $0x38;
	[tilespmem:$0x8800] =	vst v63  }
0x8b: {  	_ =	swait.ge [sflag:s24], $0x8000  }
0x8c: {  	[sflag:s24] =	ssyncset.done $0x0  }
0x8d: {  	[sflag:s24] =	ssyncadd.s32 $0xFFFF8000  }
0x8e: {  	s16 =	sshra.s32 s16, $0x2;
	v3 =	vld [tilespmem:$0x80]  }
0x8f: {  	v4 =	vld [tilespmem:s16+$0x400]  }
0x90: {  	v5 =	vld [tilespmem:$0x100]  }
0x91: {  	v6 =	vld [tilespmem:$0x180]  }
0x92: {  	v7 =	vld [tilespmem:$0x200]  }
0x93: {  	v8 =	vld [tilespmem:$0x280]  }
0x94: {  	vm1 =	veq.s32 v4, $0x1;
	vm2 =	veq.s32 v4, $0x2;
	vm3 =	veq.s32 v4, $0x3;
	v9 =	vld [tilespmem:$0x300]  }
0x95: {  	v10 =	vnsel vm1, $0x0, v3;
	v11 =	vnsel vm2, $0x0, v5;
	vm1 =	veq.s32 v4, $0x4;
	v12 =	vld [tilespmem:$0x380]  }
0x96: {  	vm2 =	veq.s32 v4, $0x5;
	v10 =	vadd.s32 v10, v11;
	v11 =	vnsel vm3, $0x0, v6  }
0x97: {  	v10 =	vadd.s32 v11, v10;
	v11 =	vnsel vm1, $0x0, v7;
	vm1 =	veq.s32 v4, $0x6;
	v13 =	vld [tilespmem:s16+$0x600]  }
0x98: {  	v10 =	vadd.s32 v11, v10;
	v11 =	vnsel vm2, $0x0, v8;
	vm2 =	veq.s32 v4, $0x7  }
0x99: {  	v4 =	vadd.s32 v11, v10;
	v10 =	vnsel vm1, $0x0, v9  }
0x9a: {  	v4 =	vadd.s32 v10, v4;
	v10 =	vnsel vm2, $0x0, v12  }
0x9b: {  	v4 =	vadd.s32 v10, v4  }
0x9c: {  	v4 =	vadd.s32 v13, v4  }
0x9d: {  	v10 =	vshll.u32 v4, $0x4  }
0x9e: {  	v4 =	vand.u32 $0x7, v4;
	v10 =	vand.u32 $0xFFFFFF80, v10  }
0x9f: {  	v4 =	vor.u32 v4, v10  }
0xa0: {  	v10 =	vperm.xlane v4, v0;
	v4 =	vperm.xlane v4, v2;
	_ =	sdelay $0x1  }
0xa1: {  	v10 =	vadd.s32 v1, v10;
	_ =	sdelay $0x2  }
0xa2: {  	v11 =	vld [tilespmem:s16+$0x700]  }
0xa3: {  	v13 =	vld [tilespmem:s16+$0x500]  }
0xa4: {  	[hbm4b:s4+s2] =	stream.indirect_vreg.scatter [tilespmem:s23], [sflag:$0x2], $0x80, v10, vm0, $0xb8;
	[tilespmem:$0x8800] =	vst v63  }
0xa5: {  	_ = 	snop  }
0xa6: {  	[hbm4b:s9+s2] =	stream.indirect_vreg.scatter [tilespmem:s25], [sflag:$0x2], $0x80, v10, vm0, $0xb8;
	[tilespmem:$0x8800] =	vst v63  }
0xa7: {  	_ = 	snop  }
0xa8: {  	vm1 =	veq.s32 v13, $0x1;
	vm2 =	veq.s32 v13, $0x2;
	vm3 =	veq.s32 v13, $0x5;
	[hbm4b:s10+s2] =	stream.indirect_vreg.scatter [tilespmem:s26], [sflag:$0x2], $0x80, v10, vm0, $0xb8;
	[tilespmem:$0x8800] =	vst v63  }
0xa9: {  	v3 =	vnsel vm1, $0x0, v3;
	v5 =	vnsel vm2, $0x0, v5;
	vm1 =	veq.s32 v13, $0x3  }
0xaa: {  	vm4 =	veq.s32 v13, $0x6;
	vm2 =	veq.s32 v13, $0x4;
	v5 =	vadd.s32 v11, v5;
	[hbm4b:s11+s2] =	stream.indirect_vreg.scatter [tilespmem:s28], [sflag:$0x2], $0x80, v10, vm0, $0xb8;
	[tilespmem:$0x8800] =	vst v63  }
0xab: {  	v6 =	vnsel vm1, $0x0, v6;
	v7 =	vnsel vm2, $0x0, v7;
	v3 =	vadd.s32 v3, v5  }
0xac: {  	v5 =	vnsel vm3, $0x0, v8;
	v8 =	vnsel vm4, $0x0, v9;
	v3 =	vadd.s32 v6, v3;
	[hbm4b:s12+s2] =	stream.indirect_vreg.scatter [tilespmem:s29], [sflag:$0x2], $0x80, v10, vm0, $0xb8;
	[tilespmem:$0x8800] =	vst v63  }
0xad: {  	v3 =	vadd.s32 v7, v3  }
0xae: {  	vm1 =	veq.s32 v13, $0x7;
	v3 =	vadd.s32 v5, v3;
	[hbm4b:s13+s2] =	stream.indirect_vreg.scatter [tilespmem:s30], [sflag:$0x2], $0x80, v10, vm0, $0xb8;
	[tilespmem:$0x8800] =	vst v63  }
0xaf: {  	v4 =	vadd.s32 v1, v4;
	v5 =	vnsel vm1, $0x0, v12;
	v3 =	vadd.s32 v8, v3  }
0xb0: {  	v3 =	vadd.s32 v5, v3;
	[hbm4b:s14+s2] =	stream.indirect_vreg.scatter [tilespmem:s31], [sflag:$0x2], $0x80, v10, vm0, $0xb8;
	[tilespmem:$0x8800] =	vst v63  }
0xb1: {  	v5 =	vshll.u32 v3, $0x4  }
0xb2: {  	v3 =	vand.u32 $0x7, v3;
	[hbm4b:s15+s2] =	stream.indirect_vreg.scatter [tilespmem:s1], [sflag:$0x2], $0x80, v10, vm0, $0xb8;
	v5 =	vand.u32 $0xFFFFFF80, v5;
	[tilespmem:$0x8800] =	vst v63  }
0xb3: {  	v3 =	vor.u32 v3, v5  }
0xb4: {  	[hbm4b:s4+s2] =	stream.indirect_vreg.scatter [tilespmem:s0], [sflag:$0x2], $0x80, v4, vm0, $0xb8;
	v5 =	vperm.xlane v3, v0;
	v3 =	vperm.xlane v3, v2;
	[tilespmem:$0x8800] =	vst v63  }
0xb5: {  	_ = 	snop  }
0xb6: {  	[hbm4b:s9+s2] =	stream.indirect_vreg.scatter [tilespmem:s19], [sflag:$0x2], $0x80, v4, vm0, $0xb8;
	[tilespmem:$0x8800] =	vst v63  }
0xb7: {  	_ = 	snop  }
0xb8: {  	[hbm4b:s10+s2] =	stream.indirect_vreg.scatter [tilespmem:s20], [sflag:$0x2], $0x80, v4, vm0, $0xb8;
	[tilespmem:$0x8800] =	vst v63  }
0xb9: {  	_ = 	snop  }
0xba: {  	[hbm4b:s11+s2] =	stream.indirect_vreg.scatter [tilespmem:s21], [sflag:$0x2], $0x80, v4, vm0, $0xb8;
	[tilespmem:$0x8800] =	vst v63  }
0xbb: {  	_ = 	snop  }
0xbc: {  	[hbm4b:s12+s2] =	stream.indirect_vreg.scatter [tilespmem:s22], [sflag:$0x2], $0x80, v4, vm0, $0xb8;
	[tilespmem:$0x8800] =	vst v63  }
0xbd: {  	_ = 	snop  }
0xbe: {  	[hbm4b:s13+s2] =	stream.indirect_vreg.scatter [tilespmem:s3], [sflag:$0x2], $0x80, v4, vm0, $0xb8;
	[tilespmem:$0x8800] =	vst v63  }
0xbf: {  	v5 =	vadd.s32 v1, v5  }
0xc0: {  	[hbm4b:s14+s2] =	stream.indirect_vreg.scatter [tilespmem:s5], [sflag:$0x2], $0x80, v4, vm0, $0xb8;
	[tilespmem:$0x8800] =	vst v63  }
0xc1: {  	_ = 	snop  }
0xc2: {  	[hbm4b:s15+s2] =	stream.indirect_vreg.scatter [tilespmem:s6], [sflag:$0x2], $0x80, v4, vm0, $0xb8;
	[tilespmem:$0x8800] =	vst v63  }
0xc3: {  	_ = 	snop  }
0xc4: {  	[hbm4b:s4+s2] =	stream.indirect_vreg.scatter [tilespmem:s23], [sflag:$0x3], $0x80, v5, vm0, $0xb8;
	[tilespmem:$0x8800] =	vst v63  }
0xc5: {  	_ = 	snop  }
0xc6: {  	[hbm4b:s9+s2] =	stream.indirect_vreg.scatter [tilespmem:s25], [sflag:$0x3], $0x80, v5, vm0, $0xb8;
	[tilespmem:$0x8800] =	vst v63  }
0xc7: {  	_ = 	snop  }
0xc8: {  	[hbm4b:s10+s2] =	stream.indirect_vreg.scatter [tilespmem:s26], [sflag:$0x3], $0x80, v5, vm0, $0xb8;
	[tilespmem:$0x8800] =	vst v63  }
0xc9: {  	_ = 	snop  }
0xca: {  	[hbm4b:s11+s2] =	stream.indirect_vreg.scatter [tilespmem:s28], [sflag:$0x3], $0x80, v5, vm0, $0xb8;
	[tilespmem:$0x8800] =	vst v63  }
0xcb: {  	_ = 	snop  }
0xcc: {  	[hbm4b:s12+s2] =	stream.indirect_vreg.scatter [tilespmem:s29], [sflag:$0x3], $0x80, v5, vm0, $0xb8;
	[tilespmem:$0x8800] =	vst v63  }
0xcd: {  	_ = 	snop  }
0xce: {  	[hbm4b:s13+s2] =	stream.indirect_vreg.scatter [tilespmem:s30], [sflag:$0x3], $0x80, v5, vm0, $0xb8;
	[tilespmem:$0x8800] =	vst v63  }
0xcf: {  	v3 =	vadd.s32 v1, v3  }
0xd0: {  	[hbm4b:s14+s2] =	stream.indirect_vreg.scatter [tilespmem:s31], [sflag:$0x3], $0x80, v5, vm0, $0xb8;
	[tilespmem:$0x8800] =	vst v63  }
0xd1: {  	_ = 	snop  }
0xd2: {  	[hbm4b:s15+s2] =	stream.indirect_vreg.scatter [tilespmem:s1], [sflag:$0x3], $0x80, v5, vm0, $0xb8;
	[tilespmem:$0x8800] =	vst v63  }
0xd3: {  	_ = 	snop  }
0xd4: {  	[hbm4b:s4+s2] =	stream.indirect_vreg.scatter [tilespmem:s0], [sflag:$0x3], $0x80, v3, vm0, $0xb8;
	[tilespmem:$0x8800] =	vst v63  }
0xd5: {  	_ = 	snop  }
0xd6: {  	[hbm4b:s9+s2] =	stream.indirect_vreg.scatter [tilespmem:s19], [sflag:$0x3], $0x80, v3, vm0, $0xb8;
	[tilespmem:$0x8800] =	vst v63  }
0xd7: {  	_ = 	snop  }
0xd8: {  	[hbm4b:s10+s2] =	stream.indirect_vreg.scatter [tilespmem:s20], [sflag:$0x3], $0x80, v3, vm0, $0xb8;
	[tilespmem:$0x8800] =	vst v63  }
0xd9: {  	_ = 	snop  }
0xda: {  	[hbm4b:s11+s2] =	stream.indirect_vreg.scatter [tilespmem:s21], [sflag:$0x3], $0x80, v3, vm0, $0xb8;
	[tilespmem:$0x8800] =	vst v63  }
0xdb: {  	_ = 	snop  }
0xdc: {  	[hbm4b:s12+s2] =	stream.indirect_vreg.scatter [tilespmem:s22], [sflag:$0x3], $0x80, v3, vm0, $0xb8;
	[tilespmem:$0x8800] =	vst v63  }
0xdd: {  	_ = 	snop  }
0xde: {  	[hbm4b:s13+s2] =	stream.indirect_vreg.scatter [tilespmem:s3], [sflag:$0x3], $0x80, v3, vm0, $0xb8;
	[tilespmem:$0x8800] =	vst v63  }
0xdf: {  	_ = 	snop  }
0xe0: {  	[hbm4b:s14+s2] =	stream.indirect_vreg.scatter [tilespmem:s5], [sflag:$0x3], $0x80, v3, vm0, $0xb8;
	[tilespmem:$0x8800] =	vst v63  }
0xe1: {  	_ = 	snop  }
0xe2: {  	[hbm4b:s15+s2] =	stream.indirect_vreg.scatter [tilespmem:s6], [sflag:$0x3], $0x80, v3, vm0, $0xb8;
	[tilespmem:$0x8800] =	vst v63  }
.Ltmp0:
0xe3: {  	_ = 	snop;
	(pc) =	sbr.rel @p0 .LBB2_2-.Ltmp0, $4  }
0xe4: {  	_ =	swait.ge [sflag:s7], $0x8000  }
0xe5: {  	[sflag:s7] =	ssyncset.done $0x0  }
0xe6: {  	[sflag:s7] =	ssyncadd.s32 $0xFFFF8000  }
0xe7: {  	_ =	swait.ge [sflag:s8], $0x8000  }
0xe8: {  	s17 =	rddreg [dreg:$0xa]  }
0xe9: {  	s16 =	rddreg [dreg:$0x8];
	s17 =	sadd.s32 $0x1, s17  }
0xea: {  	p0 =	sne.s32 s17, s16  }
.Ltmp1:
0xeb: {  	_ = 	snop;
	(pc) =	sbr.rel @p0 .LBB2_1-.Ltmp1, $3  }
0xec: {  	_ =	sdelay $0x1  }
0xed: {  	[sflag:s8] =	ssyncset.done $0x0  }
0xee: {  	[sflag:s8] =	ssyncadd.s32 $0xFFFF8000  }
0xef: {  	_ =	sfence.sel $0x180000  }
0xf0: {  	[bflag:$0x0] =	sbarrier.arrive $0xFFFF  }
0xf1: {  	_ =	strace $0x90000047  }
0xf2: {  	s0 =	stileid.u32;
	[bflag:$0x2] =	sbarrier.arrive $0xFFFF  }
0xf3: {  	p0 =	sne.s32 s0, $0x0;
	s0 =	rddreg [dreg:$0x2]  }
0xf4: {  	s0 =	sadd.s32 @!p0 $0x100000, s0  }
0xf5: {  	[sflag:s0] =	ssyncadd.tile.s32 @!p0 $0x1;
	_ =	shalt  }
.Lfunc_end2:
_tile_overlayer_lowered:
.L_overlay_start_2:
0xf6: {  	(tag) =	ssettag $0x2  }
0xf7: {  	s0 =	rddreg [dreg:$0x0];
	s2 =	stileid.u32  }
0xf8: {  	s1 =	rddreg [dreg:$0x1];
	p0 =	sne.s32 s2, $0x0  }
0xf9: {  	s3 =	rddreg [dreg:$0x2];
	[bflag:$0x3] =	sbarrier.arrive $0xFFFF;
	s2 =	simm.s32 @!p0 $0x1C04  }
0xfa: {  	[timem:s3], [sflag:s2] =	dma.local @!p0 [hbm:s0], s1  }
0xfb: {  	s0 =	simm.s32 @!p0 $0x4  }
0xfc: {  	_ =	swait.ge @!p0 [sflag:s0], s1  }
0xfd: {  	s1 =	ssub.s32 @!p0 $0x0, s1;
	[sflag:s0] =	ssyncset.done @!p0 $0x0  }
0xfe: {  	[sflag:s0] =	ssyncadd.s32 @!p0 s1  }
0xff: {  	[bflag:$0x3] =	sbarrier.arrive $0xFFFF  }
0x100: {  	_ =	shalt  }

</sc_bundles>
